<compile_context>
chip_gen: v7x
topology: tpu7x:2x2x1
jax: 0.10.2.dev20260603
libtpu: 0.0.44.dev20260713+nightly
codegen_flags: <defaults>
</compile_context>

<pallas_src>
import functools

import jax
import jax.numpy as jnp
from jax import lax
from jax.experimental import pallas as pl
from jax.experimental.pallas import tpu as pltpu
from jax.experimental.pallas import tpu_sc as plsc

N = 10000
E = 320000
D = 128
H = 256
HH = 128
NPAD = 10240
NS = 16
NC = 2
CHUNK = 80
NCH = 252
EPT = NCH * CHUNK
EPAD = NS * EPT
EPD = E // (NC * NS)
BM = 400
GRID = N // BM
RPT = NPAD // NS


def _mesh():
    return plsc.VectorSubcoreMesh(core_axis_name="c", subcore_axis_name="s")


@functools.cache
def _deg_kernel():
    return pl.kernel(
        _deg_body,
        out_type=jax.ShapeDtypeStruct((NC * NPAD,), jnp.float32),
        mesh=_mesh(),
        compiler_params=pltpu.CompilerParams(needs_layout_passes=False),
        scratch_types=[
            pltpu.VMEM((EPD,), jnp.int32),
            pltpu.VMEM((NPAD,), jnp.float32),
            pltpu.VMEM((RPT,), jnp.float32),
            pltpu.VMEM((RPT,), jnp.float32),
            pltpu.VMEM_SHARED((NS, NPAD), jnp.float32),
        ],
    )


def _deg_body(dst_hbm, out_hbm, dstb, acc, red, res, shared):
    c = lax.axis_index("c")
    s = lax.axis_index("s")
    tile = c * NS + s
    pltpu.sync_copy(dst_hbm.at[pl.ds(tile * EPD, EPD)], dstb)

    zero16 = jnp.zeros((16,), jnp.float32)
    ones16 = jnp.ones((16,), jnp.float32)

    def zbody(i, _):
        acc[pl.ds(i * 16, 16)] = zero16
        return 0
    lax.fori_loop(0, NPAD // 16, zbody, 0)

    def ebody(i, _):
        idx = dstb[pl.ds(i * 16, 16)]
        plsc.addupdate_scatter(acc, [idx], ones16)
        return 0
    lax.fori_loop(0, EPD // 16, ebody, 0)

    pltpu.sync_copy(acc, shared.at[s])
    plsc.subcore_barrier()

    pltpu.sync_copy(shared.at[0, pl.ds(s * RPT, RPT)], res)

    def rbody(r, _):
        pltpu.sync_copy(shared.at[r, pl.ds(s * RPT, RPT)], red)

        def abody(j, _):
            res[pl.ds(j * 16, 16)] = res[pl.ds(j * 16, 16)] + red[pl.ds(j * 16, 16)]
            return 0
        lax.fori_loop(0, RPT // 16, abody, 0)
        return 0
    lax.fori_loop(1, NS, rbody, 0)

    pltpu.sync_copy(res, out_hbm.at[pl.ds(c * NPAD + s * RPT, RPT)])


@functools.cache
def _agg_kernel():
    return pl.kernel(
        _agg_body,
        out_type=jax.ShapeDtypeStruct((NC * NPAD, HH), jnp.float32),
        mesh=_mesh(),
        compiler_params=pltpu.CompilerParams(needs_layout_passes=False),
        scratch_types=[
            pltpu.VMEM((CHUNK,), jnp.int32),
            pltpu.VMEM((CHUNK,), jnp.int32),
            pltpu.VMEM((CHUNK,), jnp.int32),
            pltpu.VMEM((CHUNK,), jnp.int32),
            pltpu.VMEM((CHUNK,), jnp.int32),
            pltpu.VMEM((CHUNK,), jnp.int32),
            pltpu.VMEM((CHUNK,), jnp.int32),
            pltpu.VMEM((CHUNK,), jnp.int32),
            pltpu.VMEM((CHUNK, HH), jnp.float32),
            pltpu.VMEM((CHUNK, HH), jnp.float32),
            pltpu.VMEM((CHUNK, HH), jnp.float32),
            pltpu.VMEM((CHUNK, HH), jnp.float32),
            pltpu.VMEM_SHARED((NPAD, HH), jnp.float32),
            pltpu.SemaphoreType.DMA,
            pltpu.SemaphoreType.DMA,
            pltpu.SemaphoreType.DMA,
            pltpu.SemaphoreType.DMA,
            pltpu.SemaphoreType.DMA,
            pltpu.SemaphoreType.DMA,
            pltpu.SemaphoreType.DMA,
            pltpu.SemaphoreType.DMA,
            pltpu.SemaphoreType.DMA,
            pltpu.SemaphoreType.DMA,
            pltpu.SemaphoreType.DMA,
            pltpu.SemaphoreType.DMA,
        ],
    )


def _agg_body(g_hbm, src2_hbm, dst_hbm, out_hbm,
              gidx0, gidx1, gidx2, gidx3, didx0, didx1, didx2, didx3,
              rows0, rows1, rows2, rows3, acc,
              semi0, semi1, semi2, semi3,
              semg0, semg1, semg2, semg3, sems0, sems1, sems2, sems3):
    c = lax.axis_index("c")
    s = lax.axis_index("s")
    gidx = (gidx0, gidx1, gidx2, gidx3)
    didx = (didx0, didx1, didx2, didx3)
    rows = (rows0, rows1, rows2, rows3)
    semi = (semi0, semi1, semi2, semi3)
    semg = (semg0, semg1, semg2, semg3)
    sems = (sems0, sems1, sems2, sems3)

    def sslice(k):
        return pl.ds(c * EPAD + s * EPT + k * CHUNK, CHUNK)

    def dslice(k):
        return pl.ds(s * EPT + k * CHUNK, CHUNK)

    def issue_idx(k, j):
        pltpu.async_copy(src2_hbm.at[sslice(k)], gidx[j], semi[j])
        pltpu.async_copy(dst_hbm.at[dslice(k)], didx[j], semi[j])

    def wait_idx(k, j):
        pltpu.make_async_copy(src2_hbm.at[sslice(k)], gidx[j], semi[j]).wait()
        pltpu.make_async_copy(dst_hbm.at[dslice(k)], didx[j], semi[j]).wait()

    def issue_gather(j):
        pltpu.async_copy(g_hbm.at[gidx[j]], rows[j], semg[j])

    def wait_gather(j):
        pltpu.make_async_copy(g_hbm.at[gidx[j]], rows[j], semg[j]).wait()

    def issue_scatter(j):
        pltpu.async_copy(rows[j], acc.at[didx[j]], sems[j], add=True)

    def wait_scatter(j):
        pltpu.make_async_copy(rows[j], acc.at[didx[j]], sems[j]).wait()

    zero16 = jnp.zeros((16,), jnp.float32)

    def zbody(i, _):
        rows0[i // 8, pl.ds((i % 8) * 16, 16)] = zero16
        return 0
    lax.fori_loop(0, CHUNK * HH // 16, zbody, 0)

    def zcopy(i, _):
        pltpu.sync_copy(rows0, acc.at[pl.ds(s * RPT + i * CHUNK, CHUNK)])
        return 0
    lax.fori_loop(0, RPT // CHUNK, zcopy, 0)
    plsc.subcore_barrier()

    issue_idx(0, 0)
    issue_idx(1, 1)
    wait_idx(0, 0)
    issue_gather(0)

    def quad_body(i, _):
        for b in range(4):
            k = 4 * i + b

            @pl.when(k >= 2)
            def _wait_scatter_k2():
                wait_scatter((b + 2) % 4)

            @pl.when(k + 2 < NCH)
            def _prefetch_idx():
                issue_idx(k + 2, (b + 2) % 4)

            @pl.when(k + 1 < NCH)
            def _issue_next_gather():
                wait_idx(k + 1, (b + 1) % 4)
                issue_gather((b + 1) % 4)

            wait_gather(b)
            issue_scatter(b)
        return 0
    lax.fori_loop(0, NCH // 4, quad_body, 0)
    wait_scatter((NCH - 2) % 4)
    wait_scatter((NCH - 1) % 4)
    plsc.subcore_barrier()

    def obody(i, _):
        r0 = s * RPT + i * CHUNK
        pltpu.sync_copy(acc.at[pl.ds(r0, CHUNK)], rows0)
        pltpu.sync_copy(rows0, out_hbm.at[pl.ds(c * NPAD + r0, CHUNK)])
        return 0
    lax.fori_loop(0, RPT // CHUNK, obody, 0)


@functools.cache
def _agg1_kernel():
    return pl.kernel(
        _agg1_body,
        out_type=jax.ShapeDtypeStruct((NC * NPAD,), jnp.float32),
        mesh=_mesh(),
        compiler_params=pltpu.CompilerParams(needs_layout_passes=False),
        scratch_types=[
            pltpu.VMEM((NPAD,), jnp.float32),
            pltpu.VMEM((EPD,), jnp.int32),
            pltpu.VMEM((EPD,), jnp.int32),
            pltpu.VMEM((NPAD,), jnp.float32),
            pltpu.VMEM((RPT,), jnp.float32),
            pltpu.VMEM((RPT,), jnp.float32),
            pltpu.VMEM_SHARED((NS, NPAD), jnp.float32),
        ],
    )


def _agg1_body(g3_hbm, src_hbm, dst_hbm, out_hbm, g3b, srcb, dstb, acc,
               red, res, shared):
    c = lax.axis_index("c")
    s = lax.axis_index("s")
    tile = c * NS + s
    pltpu.sync_copy(g3_hbm, g3b)
    pltpu.sync_copy(src_hbm.at[pl.ds(tile * EPD, EPD)], srcb)
    pltpu.sync_copy(dst_hbm.at[pl.ds(tile * EPD, EPD)], dstb)

    zero16 = jnp.zeros((16,), jnp.float32)

    def zbody(i, _):
        acc[pl.ds(i * 16, 16)] = zero16
        return 0
    lax.fori_loop(0, NPAD // 16, zbody, 0)

    def ebody(i, _):
        si = srcb[pl.ds(i * 16, 16)]
        di = dstb[pl.ds(i * 16, 16)]
        vals = plsc.load_gather(g3b, [si])
        plsc.addupdate_scatter(acc, [di], vals)
        return 0
    lax.fori_loop(0, EPD // 16, ebody, 0)

    pltpu.sync_copy(acc, shared.at[s])
    plsc.subcore_barrier()

    pltpu.sync_copy(shared.at[0, pl.ds(s * RPT, RPT)], res)

    def rbody(r, _):
        pltpu.sync_copy(shared.at[r, pl.ds(s * RPT, RPT)], red)

        def abody(j, _):
            res[pl.ds(j * 16, 16)] = res[pl.ds(j * 16, 16)] + red[pl.ds(j * 16, 16)]
            return 0
        lax.fori_loop(0, RPT // 16, abody, 0)
        return 0
    lax.fori_loop(1, NS, rbody, 0)

    pltpu.sync_copy(res, out_hbm.at[pl.ds(c * NPAD + s * RPT, RPT)])


def _dinv_of(degp_blk):
    deg = degp_blk[:, 0] + degp_blk[:, 1] + 1.0
    return lax.rsqrt(jnp.maximum(deg, 1.0))


def _tc1_body(x_ref, w1_ref, degp_ref, g1_ref):
    h = jnp.dot(x_ref[...].astype(jnp.bfloat16), w1_ref[...].astype(jnp.bfloat16),
                preferred_element_type=jnp.float32)
    dinv = _dinv_of(degp_ref[...])
    g = h * dinv[:, None]
    g1_ref[0] = g[:, :HH]
    g1_ref[1] = g[:, HH:]


def _tc2_body(agg_ref, g_ref, degp_ref, b_ref, w_ref, out_ref):
    dinv = _dinv_of(degp_ref[...])
    a = jnp.concatenate([agg_ref[0], agg_ref[1]], axis=1)
    g = jnp.concatenate([g_ref[0], g_ref[1]], axis=1)
    h = jnp.maximum(dinv[:, None] * (a + g) + b_ref[0, :], 0.0)
    g2 = jnp.dot(h.astype(jnp.bfloat16), w_ref[...].astype(jnp.bfloat16),
                 preferred_element_type=jnp.float32) * dinv[:, None]
    out_ref[0] = g2[:, :HH]
    out_ref[1] = g2[:, HH:]


def _tc3_body(agg_ref, g_ref, degp_ref, b_ref, w3_ref, out_ref):
    dinv = _dinv_of(degp_ref[...])
    a = jnp.concatenate([agg_ref[0], agg_ref[1]], axis=1)
    g = jnp.concatenate([g_ref[0], g_ref[1]], axis=1)
    h = jnp.maximum(dinv[:, None] * (a + g) + b_ref[0, :], 0.0)
    hb = h.astype(jnp.bfloat16).astype(jnp.float32)
    wb = w3_ref[0, :].astype(jnp.bfloat16).astype(jnp.float32)
    t = jnp.sum(hb * wb[None, :], axis=1) * dinv
    out_ref[...] = jnp.broadcast_to(t[:, None], (BM, 8))


def _tc4_body(p3_ref, g3_ref, degp_ref, b3_ref, out_ref):
    dinv = _dinv_of(degp_ref[...])
    agg = p3_ref[:, 0] + p3_ref[:, 1]
    res = dinv * (agg + g3_ref[:, 0]) + b3_ref[0, 0]
    out_ref[...] = jnp.broadcast_to(res[:, None], (BM, 8))


def _tc1(x, W1, degpT):
    return pl.pallas_call(
        _tc1_body,
        grid=(GRID,),
        in_specs=[
            pl.BlockSpec((BM, D), lambda i: (i, 0)),
            pl.BlockSpec((D, H), lambda i: (0, 0)),
            pl.BlockSpec((BM, 2), lambda i: (i, 0)),
        ],
        out_specs=pl.BlockSpec((2, BM, HH), lambda i: (0, i, 0)),
        out_shape=jax.ShapeDtypeStruct((2, N, HH), jnp.float32),
    )(x, W1, degpT)


def _tc2(agg, g, degpT, b, W):
    return pl.pallas_call(
        _tc2_body,
        grid=(GRID,),
        in_specs=[
            pl.BlockSpec((2, BM, HH), lambda i: (0, i, 0)),
            pl.BlockSpec((2, BM, HH), lambda i: (0, i, 0)),
            pl.BlockSpec((BM, 2), lambda i: (i, 0)),
            pl.BlockSpec((1, H), lambda i: (0, 0)),
            pl.BlockSpec((H, H), lambda i: (0, 0)),
        ],
        out_specs=pl.BlockSpec((2, BM, HH), lambda i: (0, i, 0)),
        out_shape=jax.ShapeDtypeStruct((2, N, HH), jnp.float32),
    )(agg, g, degpT, b, W)


def _tc3(agg, g, degpT, b, W3r):
    return pl.pallas_call(
        _tc3_body,
        grid=(GRID,),
        in_specs=[
            pl.BlockSpec((2, BM, HH), lambda i: (0, i, 0)),
            pl.BlockSpec((2, BM, HH), lambda i: (0, i, 0)),
            pl.BlockSpec((BM, 2), lambda i: (i, 0)),
            pl.BlockSpec((1, H), lambda i: (0, 0)),
            pl.BlockSpec((1, H), lambda i: (0, 0)),
        ],
        out_specs=pl.BlockSpec((BM, 8), lambda i: (i, 0)),
        out_shape=jax.ShapeDtypeStruct((N, 8), jnp.float32),
    )(agg, g, degpT, b, W3r)


def _tc4(p3T, g3r, degpT, b3):
    return pl.pallas_call(
        _tc4_body,
        grid=(GRID,),
        in_specs=[
            pl.BlockSpec((BM, 2), lambda i: (i, 0)),
            pl.BlockSpec((BM, 8), lambda i: (i, 0)),
            pl.BlockSpec((BM, 2), lambda i: (i, 0)),
            pl.BlockSpec((1, 1), lambda i: (0, 0)),
        ],
        out_specs=pl.BlockSpec((BM, 8), lambda i: (i, 0)),
        out_shape=jax.ShapeDtypeStruct((N, 8), jnp.float32),
    )(p3T, g3r, degpT, b3)


@jax.jit
def _run(x, src, dst, W1, b1, W2, b2, W3, b3):
    pad = EPAD - E
    srcp = jnp.concatenate([src, jnp.zeros((pad,), jnp.int32)])
    srcpp = jnp.concatenate([srcp, srcp + N])
    dstp = jnp.concatenate([dst, jnp.full((pad,), N, jnp.int32)])

    degpT = _deg_kernel()(dst).reshape(NC, NPAD).T
    g1 = _tc1(x, W1, degpT)
    agg1 = _agg_kernel()(g1.reshape(NC * N, HH), srcpp, dstp).reshape(NC, NPAD, HH)
    g2 = _tc2(agg1, g1, degpT, b1.reshape(1, H), W2)
    agg2 = _agg_kernel()(g2.reshape(NC * N, HH), srcpp, dstp).reshape(NC, NPAD, HH)
    g3 = _tc3(agg2, g2, degpT, b2.reshape(1, H), W3.reshape(1, H))
    g3p = jnp.concatenate([g3[:, 0], jnp.zeros((NPAD - N,), jnp.float32)])
    p3T = _agg1_kernel()(g3p, src, dst).reshape(NC, NPAD).T
    out = _tc4(p3T, g3, degpT, b3.reshape(1, 1))
    return out[:, :1]


def kernel(x, edge_index, edge_attr, W1, b1, W2, b2, W3, b3):
    src = edge_index[0].astype(jnp.int32)
    dst = edge_index[1].astype(jnp.int32)
    return _run(x, src, dst, W1, b1, W2, b2, W3, b3)

# --- scband reference (transcript-rebuilt; emitter-appended) ---
"""Pipeline reference for scband-gnn-10952166605443 (READ-ONLY COPY).

The authoritative reference and input builder live on the scoring server;
editing this copy changes nothing except your own understanding.
"""

import jax, jax.numpy as jnp
import numpy as np

N_NODES = 10000
N_EDGES = 320000
D_FEAT = 128
HIDDEN = 256


def setup_inputs(seed: int = 0) -> dict:
    key = jax.random.key(seed)
    ks = jax.random.split(key, 10)
    x = jax.random.normal(ks[0], (N_NODES, D_FEAT), dtype=jnp.float32)
    edge_index = jax.random.randint(ks[1], (2, N_EDGES), 0, N_NODES, dtype=jnp.int64)
    edge_attr = jax.random.normal(ks[2], (N_EDGES, 4), dtype=jnp.float32)
    # GCNConv weights (glorot-ish init)
    W1 = jax.random.normal(ks[3], (D_FEAT, HIDDEN), dtype=jnp.float32) * (1.0 / np.sqrt(D_FEAT))
    b1 = jnp.zeros((HIDDEN,), dtype=jnp.float32)
    W2 = jax.random.normal(ks[4], (HIDDEN, HIDDEN), dtype=jnp.float32) * (1.0 / np.sqrt(HIDDEN))
    b2 = jnp.zeros((HIDDEN,), dtype=jnp.float32)
    W3 = jax.random.normal(ks[5], (HIDDEN, 1), dtype=jnp.float32) * (1.0 / np.sqrt(HIDDEN))
    b3 = jnp.zeros((1,), dtype=jnp.float32)
    return {"x": x, "edge_index": edge_index, "edge_attr": edge_attr,
            "W1": W1, "b1": b1, "W2": W2, "b2": b2, "W3": W3, "b3": b3}


def _gcn_conv(x, src, dst, norm, W, b):
    # GCNConv: linear transform, then symmetric-normalized aggregation, then bias
    h = x @ W
    msg = h[src] * norm[:, None]
    out = jnp.zeros((x.shape[0], W.shape[1]), dtype=h.dtype).at[dst].add(msg)
    return out + b


def _build_norm(edge_index, n_nodes):
    # add self loops + symmetric normalization D^-1/2 (A+I) D^-1/2
    loop = jnp.arange(n_nodes, dtype=edge_index.dtype)
    src = jnp.concatenate([edge_index[0], loop])
    dst = jnp.concatenate([edge_index[1], loop])
    deg = jnp.zeros((n_nodes,), dtype=jnp.float32).at[dst].add(1.0)
    dinv = 1.0 / jnp.sqrt(jnp.maximum(deg, 1.0))
    norm = dinv[src] * dinv[dst]
    return src, dst, norm


def reference(x, edge_index, edge_attr, W1, b1, W2, b2, W3, b3):
    # use_edge_features=False, jumping_knowledge=None, normalize=False, dropout eval-mode (no-op)
    src, dst, norm = _build_norm(edge_index, x.shape[0])
    h = _gcn_conv(x, src, dst, norm, W1, b1)
    h = jax.nn.relu(h)
    h = _gcn_conv(h, src, dst, norm, W2, b2)
    h = jax.nn.relu(h)
    h = _gcn_conv(h, src, dst, norm, W3, b3)
    return h

if __name__ == "__main__":
    import jax
    _d = setup_inputs()
    print(jax.jit(kernel)(*tuple(_d.values())))

</pallas_src>

<mosaic_0001>
#map = affine_map<(d0, d1) -> (0)>
module attributes {stable_mosaic.version = 14 : i64} {
  func.func @_deg_body(%arg0: i32, %arg1: i32, %arg2: memref<320000xi32, #tpu.memory_space<hbm>>, %arg3: memref<20480xf32, #tpu.memory_space<hbm>>, %arg4: memref<10000xi32, #tpu.memory_space<vmem>>, %arg5: memref<10240xf32, #tpu.memory_space<vmem>>, %arg6: memref<640xf32, #tpu.memory_space<vmem>>, %arg7: memref<640xf32, #tpu.memory_space<vmem>>, %arg8: memref<16x10240xf32, #tpu.memory_space<vmem_shared>>) attributes {dimension_semantics = [#tpu.dimension_semantics<core_parallel>, #tpu.dimension_semantics<subcore_parallel>], iteration_bounds = array<i64: 2, 16>, scalar_prefetch = 0 : i64, scratch_operands = 5 : i64, tpu.core_type = #tpu.core_type<sc_vector_subcore>, window_params = [{transform_indices = #map}, {transform_indices = #map}]} {
    %mul3A = arith.constant 16 : i32
    %mul3A_0 = arith.muli %arg0, %mul3A : i32
    %add3A = arith.addi %mul3A_0, %arg1 : i32
    %mul3A_1 = arith.constant 10000 : i32
    %mul3A_2 = arith.muli %add3A, %mul3A_1 : i32
    "tpu.region"() ({
      %run_scoped3A_33 = tpu.sem_alloc : memref<!tpu.dma_semaphore, #tpu.memory_space<semaphore_mem>>
      %dma_start3A = tpu.memref_slice %arg2[%mul3A_2] : memref<320000xi32, #tpu.memory_space<hbm>> -> memref<10000xi32, #tpu.memory_space<hbm>>
      %dma_start3A_34 = tpu.memref_slice %arg2[%mul3A_2] : memref<320000xi32, #tpu.memory_space<hbm>> -> memref<10000xi32, #tpu.memory_space<hbm>>
      tpu.enqueue_dma source(%dma_start3A_34 : memref<10000xi32, #tpu.memory_space<hbm>>) target(%arg4 : memref<10000xi32, #tpu.memory_space<vmem>>) target_semaphore(%run_scoped3A_33 : memref<!tpu.dma_semaphore, #tpu.memory_space<semaphore_mem>>)
      %dma_wait3A = tpu.memref_slice %arg2[%mul3A_2] : memref<320000xi32, #tpu.memory_space<hbm>> -> memref<10000xi32, #tpu.memory_space<hbm>>
      %dma_wait3A_35 = tpu.memref_slice %arg2[%mul3A_2] : memref<320000xi32, #tpu.memory_space<hbm>> -> memref<10000xi32, #tpu.memory_space<hbm>>
      tpu.wait_dma2 semaphore(%run_scoped3A_33 : memref<!tpu.dma_semaphore, #tpu.memory_space<semaphore_mem>>) src(%dma_wait3A_35 : memref<10000xi32, #tpu.memory_space<hbm>>) dst(%arg4 : memref<10000xi32, #tpu.memory_space<vmem>>)
      tpu.yield
    }) : () -> ()
    %broadcast_in_dim3A = arith.constant 0.000000e+00 : f32
    %broadcast_in_dim3A_3 = vector.broadcast %broadcast_in_dim3A : f32 to vector<16xf32>
    %broadcast_in_dim3A_4 = arith.constant 1.000000e+00 : f32
    %broadcast_in_dim3A_5 = vector.broadcast %broadcast_in_dim3A_4 : f32 to vector<16xf32>
    %scan3A = arith.constant 0 : i32
    %scan3A_6 = arith.constant 0 : i32
    %scan3A_7 = arith.constant 640 : i32
    %scan3A_8 = arith.addi %scan3A_6, %scan3A_7 : i32
    %scan3A_9 = arith.constant 1 : i32
    %scan3A_10 = scf.for %scan3A_33 = %scan3A_6 to %scan3A_8 step %scan3A_9 iter_args(%scan3A_34 = %scan3A) -> (i32)  : i32 {
      %mul3A_35 = arith.constant 16 : i32
      %mul3A_36 = arith.muli %scan3A_33, %mul3A_35 : i32
      %swap3A = arith.index_cast %mul3A_36 : i32 to index
      %swap3A_37 = tpu.vector_load %arg5[%swap3A] {strides = array<i32>} : memref<10240xf32, #tpu.memory_space<vmem>>, vector<16xf32>,
      tpu.vector_store %arg5[%swap3A], %broadcast_in_dim3A_3 {strides = array<i32>} : memref<10240xf32, #tpu.memory_space<vmem>>, vector<16xf32>,
      %scan3A_38 = arith.constant 0 : i32
      scf.yield %scan3A_38 : i32
    }
    %scan3A_11 = arith.constant 640 : i32
    %scan3A_12 = arith.constant 0 : i32
    %scan3A_13 = arith.constant 0 : i32
    %scan3A_14 = arith.constant 625 : i32
    %scan3A_15 = arith.addi %scan3A_13, %scan3A_14 : i32
    %scan3A_16 = arith.constant 1 : i32
    %scan3A_17 = scf.for %scan3A_33 = %scan3A_13 to %scan3A_15 step %scan3A_16 iter_args(%scan3A_34 = %scan3A_12) -> (i32)  : i32 {
      %mul3A_35 = arith.constant 16 : i32
      %mul3A_36 = arith.muli %scan3A_33, %mul3A_35 : i32
      %get3A = arith.index_cast %mul3A_36 : i32 to index
      %get3A_37 = tpu.vector_load %arg4[%get3A] {strides = array<i32>} : memref<10000xi32, #tpu.memory_space<vmem>>, vector<16xi32>,
      tpu.vector_store_idx %arg5[%get3A_37], %broadcast_in_dim3A_5 {add = true} : memref<10240xf32, #tpu.memory_space<vmem>>[vector<16xi32>], vector<16xf32>,
      %scan3A_38 = arith.constant 0 : i32
      scf.yield %scan3A_38 : i32
    }
    %scan3A_18 = arith.constant 625 : i32
    "tpu.region"() ({
      %run_scoped3A_33 = tpu.sem_alloc : memref<!tpu.dma_semaphore, #tpu.memory_space<semaphore_mem>>
      %dma_start3A = arith.constant 0 : i32
      %dma_start3A_34 = tpu.memref_slice %arg8[%arg1, %dma_start3A] : memref<16x10240xf32, #tpu.memory_space<vmem_shared>> -> memref<1x10240xf32, #tpu.memory_space<vmem_shared>>
      %dma_start3A_35 = tpu.memref_squeeze %dma_start3A_34 : memref<1x10240xf32, #tpu.memory_space<vmem_shared>> -> memref<10240xf32, #tpu.memory_space<vmem_shared>>
      %dma_start3A_36 = arith.constant 0 : i32
      %dma_start3A_37 = tpu.memref_slice %arg8[%arg1, %dma_start3A_36] : memref<16x10240xf32, #tpu.memory_space<vmem_shared>> -> memref<1x10240xf32, #tpu.memory_space<vmem_shared>>
      %dma_start3A_38 = tpu.memref_squeeze %dma_start3A_37 : memref<1x10240xf32, #tpu.memory_space<vmem_shared>> -> memref<10240xf32, #tpu.memory_space<vmem_shared>>
      tpu.enqueue_dma source(%arg5 : memref<10240xf32, #tpu.memory_space<vmem>>) target(%dma_start3A_38 : memref<10240xf32, #tpu.memory_space<vmem_shared>>) target_semaphore(%run_scoped3A_33 : memref<!tpu.dma_semaphore, #tpu.memory_space<semaphore_mem>>)
      %dma_wait3A = arith.constant 0 : i32
      %dma_wait3A_39 = tpu.memref_slice %arg8[%arg1, %dma_wait3A] : memref<16x10240xf32, #tpu.memory_space<vmem_shared>> -> memref<1x10240xf32, #tpu.memory_space<vmem_shared>>
      %dma_wait3A_40 = tpu.memref_squeeze %dma_wait3A_39 : memref<1x10240xf32, #tpu.memory_space<vmem_shared>> -> memref<10240xf32, #tpu.memory_space<vmem_shared>>
      %dma_wait3A_41 = arith.constant 0 : i32
      %dma_wait3A_42 = tpu.memref_slice %arg8[%arg1, %dma_wait3A_41] : memref<16x10240xf32, #tpu.memory_space<vmem_shared>> -> memref<1x10240xf32, #tpu.memory_space<vmem_shared>>
      %dma_wait3A_43 = tpu.memref_squeeze %dma_wait3A_42 : memref<1x10240xf32, #tpu.memory_space<vmem_shared>> -> memref<10240xf32, #tpu.memory_space<vmem_shared>>
      tpu.wait_dma2 semaphore(%run_scoped3A_33 : memref<!tpu.dma_semaphore, #tpu.memory_space<semaphore_mem>>) src(%arg5 : memref<10240xf32, #tpu.memory_space<vmem>>) dst(%dma_wait3A_43 : memref<10240xf32, #tpu.memory_space<vmem_shared>>)
      tpu.yield
    }) : () -> ()
    %barrier3A = arith.constant 0 : index
    tpu.barrier barrier_id(%barrier3A)
    %mul3A_19 = arith.constant 640 : i32
    %mul3A_20 = arith.muli %arg1, %mul3A_19 : i32
    %run_scoped3A = arith.constant 0 : i32
    "tpu.region"() ({
      %run_scoped3A_33 = tpu.sem_alloc : memref<!tpu.dma_semaphore, #tpu.memory_space<semaphore_mem>>
      %dma_start3A = tpu.memref_slice %arg8[%run_scoped3A, %mul3A_20] : memref<16x10240xf32, #tpu.memory_space<vmem_shared>> -> memref<1x640xf32, #tpu.memory_space<vmem_shared>>
      %dma_start3A_34 = tpu.memref_squeeze %dma_start3A : memref<1x640xf32, #tpu.memory_space<vmem_shared>> -> memref<640xf32, #tpu.memory_space<vmem_shared>>
      %dma_start3A_35 = tpu.memref_slice %arg8[%run_scoped3A, %mul3A_20] : memref<16x10240xf32, #tpu.memory_space<vmem_shared>> -> memref<1x640xf32, #tpu.memory_space<vmem_shared>>
      %dma_start3A_36 = tpu.memref_squeeze %dma_start3A_35 : memref<1x640xf32, #tpu.memory_space<vmem_shared>> -> memref<640xf32, #tpu.memory_space<vmem_shared>>
      tpu.enqueue_dma source(%dma_start3A_36 : memref<640xf32, #tpu.memory_space<vmem_shared>>) target(%arg7 : memref<640xf32, #tpu.memory_space<vmem>>) target_semaphore(%run_scoped3A_33 : memref<!tpu.dma_semaphore, #tpu.memory_space<semaphore_mem>>)
      %dma_wait3A = tpu.memref_slice %arg8[%run_scoped3A, %mul3A_20] : memref<16x10240xf32, #tpu.memory_space<vmem_shared>> -> memref<1x640xf32, #tpu.memory_space<vmem_shared>>
      %dma_wait3A_37 = tpu.memref_squeeze %dma_wait3A : memref<1x640xf32, #tpu.memory_space<vmem_shared>> -> memref<640xf32, #tpu.memory_space<vmem_shared>>
      %dma_wait3A_38 = tpu.memref_slice %arg8[%run_scoped3A, %mul3A_20] : memref<16x10240xf32, #tpu.memory_space<vmem_shared>> -> memref<1x640xf32, #tpu.memory_space<vmem_shared>>
      %dma_wait3A_39 = tpu.memref_squeeze %dma_wait3A_38 : memref<1x640xf32, #tpu.memory_space<vmem_shared>> -> memref<640xf32, #tpu.memory_space<vmem_shared>>
      tpu.wait_dma2 semaphore(%run_scoped3A_33 : memref<!tpu.dma_semaphore, #tpu.memory_space<semaphore_mem>>) src(%dma_wait3A_39 : memref<640xf32, #tpu.memory_space<vmem_shared>>) dst(%arg7 : memref<640xf32, #tpu.memory_space<vmem>>)
      tpu.yield
    }) : () -> ()
    %scan3A_21 = arith.constant 0 : i32
    %scan3A_22 = arith.constant 1 : i32
    %scan3A_23 = arith.constant 15 : i32
    %scan3A_24 = arith.addi %scan3A_22, %scan3A_23 : i32
    %scan3A_25 = arith.constant 1 : i32
    %scan3A_26 = scf.for %scan3A_33 = %scan3A_22 to %scan3A_24 step %scan3A_25 iter_args(%scan3A_34 = %scan3A_21) -> (i32)  : i32 {
      %mul3A_35 = arith.constant 640 : i32
      %mul3A_36 = arith.muli %arg1, %mul3A_35 : i32
      "tpu.region"() ({
        %run_scoped3A_45 = tpu.sem_alloc : memref<!tpu.dma_semaphore, #tpu.memory_space<semaphore_mem>>
        %dma_start3A = tpu.memref_slice %arg8[%scan3A_33, %mul3A_36] : memref<16x10240xf32, #tpu.memory_space<vmem_shared>> -> memref<1x640xf32, #tpu.memory_space<vmem_shared>>
        %dma_start3A_46 = tpu.memref_squeeze %dma_start3A : memref<1x640xf32, #tpu.memory_space<vmem_shared>> -> memref<640xf32, #tpu.memory_space<vmem_shared>>
        %dma_start3A_47 = tpu.memref_slice %arg8[%scan3A_33, %mul3A_36] : memref<16x10240xf32, #tpu.memory_space<vmem_shared>> -> memref<1x640xf32, #tpu.memory_space<vmem_shared>>
        %dma_start3A_48 = tpu.memref_squeeze %dma_start3A_47 : memref<1x640xf32, #tpu.memory_space<vmem_shared>> -> memref<640xf32, #tpu.memory_space<vmem_shared>>
        tpu.enqueue_dma source(%dma_start3A_48 : memref<640xf32, #tpu.memory_space<vmem_shared>>) target(%arg6 : memref<640xf32, #tpu.memory_space<vmem>>) target_semaphore(%run_scoped3A_45 : memref<!tpu.dma_semaphore, #tpu.memory_space<semaphore_mem>>)
        %dma_wait3A = tpu.memref_slice %arg8[%scan3A_33, %mul3A_36] : memref<16x10240xf32, #tpu.memory_space<vmem_shared>> -> memref<1x640xf32, #tpu.memory_space<vmem_shared>>
        %dma_wait3A_49 = tpu.memref_squeeze %dma_wait3A : memref<1x640xf32, #tpu.memory_space<vmem_shared>> -> memref<640xf32, #tpu.memory_space<vmem_shared>>
        %dma_wait3A_50 = tpu.memref_slice %arg8[%scan3A_33, %mul3A_36] : memref<16x10240xf32, #tpu.memory_space<vmem_shared>> -> memref<1x640xf32, #tpu.memory_space<vmem_shared>>
        %dma_wait3A_51 = tpu.memref_squeeze %dma_wait3A_50 : memref<1x640xf32, #tpu.memory_space<vmem_shared>> -> memref<640xf32, #tpu.memory_space<vmem_shared>>
        tpu.wait_dma2 semaphore(%run_scoped3A_45 : memref<!tpu.dma_semaphore, #tpu.memory_space<semaphore_mem>>) src(%dma_wait3A_51 : memref<640xf32, #tpu.memory_space<vmem_shared>>) dst(%arg6 : memref<640xf32, #tpu.memory_space<vmem>>)
        tpu.yield
      }) : () -> ()
      %scan3A_37 = arith.constant 0 : i32
      %scan3A_38 = arith.constant 0 : i32
      %scan3A_39 = arith.constant 40 : i32
      %scan3A_40 = arith.addi %scan3A_38, %scan3A_39 : i32
      %scan3A_41 = arith.constant 1 : i32
      %scan3A_42 = scf.for %scan3A_45 = %scan3A_38 to %scan3A_40 step %scan3A_41 iter_args(%scan3A_46 = %scan3A_37) -> (i32)  : i32 {
        %mul3A_47 = arith.constant 16 : i32
        %mul3A_48 = arith.muli %scan3A_45, %mul3A_47 : i32
        %get3A = arith.index_cast %mul3A_48 : i32 to index
        %get3A_49 = tpu.vector_load %arg7[%get3A] {strides = array<i32>} : memref<640xf32, #tpu.memory_space<vmem>>, vector<16xf32>,
        %mul3A_50 = arith.constant 16 : i32
        %mul3A_51 = arith.muli %scan3A_45, %mul3A_50 : i32
        %get3A_52 = arith.index_cast %mul3A_51 : i32 to index
        %get3A_53 = tpu.vector_load %arg6[%get3A_52] {strides = array<i32>} : memref<640xf32, #tpu.memory_space<vmem>>, vector<16xf32>,
        %add3A_54 = arith.addf %get3A_49, %get3A_53 : vector<16xf32>
        %mul3A_55 = arith.constant 16 : i32
        %mul3A_56 = arith.muli %scan3A_45, %mul3A_55 : i32
        %swap3A = arith.index_cast %mul3A_56 : i32 to index
        %swap3A_57 = tpu.vector_load %arg7[%swap3A] {strides = array<i32>} : memref<640xf32, #tpu.memory_space<vmem>>, vector<16xf32>,
        tpu.vector_store %arg7[%swap3A], %add3A_54 {strides = array<i32>} : memref<640xf32, #tpu.memory_space<vmem>>, vector<16xf32>,
        %scan3A_58 = arith.constant 0 : i32
        scf.yield %scan3A_58 : i32
      }
      %scan3A_43 = arith.constant 40 : i32
      %scan3A_44 = arith.constant 0 : i32
      scf.yield %scan3A_44 : i32
    }
    %scan3A_27 = arith.constant 15 : i32
    %mul3A_28 = arith.constant 10240 : i32
    %mul3A_29 = arith.muli %arg0, %mul3A_28 : i32
    %mul3A_30 = arith.constant 640 : i32
    %mul3A_31 = arith.muli %arg1, %mul3A_30 : i32
    %add3A_32 = arith.addi %mul3A_29, %mul3A_31 : i32
    "tpu.region"() ({
      %run_scoped3A_33 = tpu.sem_alloc : memref<!tpu.dma_semaphore, #tpu.memory_space<semaphore_mem>>
      %dma_start3A = tpu.memref_slice %arg3[%add3A_32] : memref<20480xf32, #tpu.memory_space<hbm>> -> memref<640xf32, #tpu.memory_space<hbm>>
      %dma_start3A_34 = tpu.memref_slice %arg3[%add3A_32] : memref<20480xf32, #tpu.memory_space<hbm>> -> memref<640xf32, #tpu.memory_space<hbm>>
      tpu.enqueue_dma source(%arg7 : memref<640xf32, #tpu.memory_space<vmem>>) target(%dma_start3A_34 : memref<640xf32, #tpu.memory_space<hbm>>) target_semaphore(%run_scoped3A_33 : memref<!tpu.dma_semaphore, #tpu.memory_space<semaphore_mem>>)
      %dma_wait3A = tpu.memref_slice %arg3[%add3A_32] : memref<20480xf32, #tpu.memory_space<hbm>> -> memref<640xf32, #tpu.memory_space<hbm>>
      %dma_wait3A_35 = tpu.memref_slice %arg3[%add3A_32] : memref<20480xf32, #tpu.memory_space<hbm>> -> memref<640xf32, #tpu.memory_space<hbm>>
      tpu.wait_dma2 semaphore(%run_scoped3A_33 : memref<!tpu.dma_semaphore, #tpu.memory_space<semaphore_mem>>) src(%arg7 : memref<640xf32, #tpu.memory_space<vmem>>) dst(%dma_wait3A_35 : memref<640xf32, #tpu.memory_space<hbm>>)
      tpu.yield
    }) : () -> ()
    return
  }
}

#map = affine_map<(d0, d1) -> (0, 0)>
#map1 = affine_map<(d0, d1) -> (0)>
module attributes {stable_mosaic.version = 14 : i64} {
  func.func @_agg_body(%arg0: i32, %arg1: i32, %arg2: memref<20000x128xf32, #tpu.memory_space<hbm>>, %arg3: memref<645120xi32, #tpu.memory_space<hbm>>, %arg4: memref<322560xi32, #tpu.memory_space<hbm>>, %arg5: memref<20480x128xf32, #tpu.memory_space<hbm>>, %arg6: memref<80xi32, #tpu.memory_space<vmem>>, %arg7: memref<80xi32, #tpu.memory_space<vmem>>, %arg8: memref<80xi32, #tpu.memory_space<vmem>>, %arg9: memref<80xi32, #tpu.memory_space<vmem>>, %arg10: memref<80xi32, #tpu.memory_space<vmem>>, %arg11: memref<80xi32, #tpu.memory_space<vmem>>, %arg12: memref<80xi32, #tpu.memory_space<vmem>>, %arg13: memref<80xi32, #tpu.memory_space<vmem>>, %arg14: memref<80x128xf32, #tpu.memory_space<vmem>>, %arg15: memref<80x128xf32, #tpu.memory_space<vmem>>, %arg16: memref<80x128xf32, #tpu.memory_space<vmem>>, %arg17: memref<80x128xf32, #tpu.memory_space<vmem>>, %arg18: memref<10240x128xf32, #tpu.memory_space<vmem_shared>>, %arg19: memref<!tpu.dma_semaphore, #tpu.memory_space<semaphore_mem>>, %arg20: memref<!tpu.dma_semaphore, #tpu.memory_space<semaphore_mem>>, %arg21: memref<!tpu.dma_semaphore, #tpu.memory_space<semaphore_mem>>, %arg22: memref<!tpu.dma_semaphore, #tpu.memory_space<semaphore_mem>>, %arg23: memref<!tpu.dma_semaphore, #tpu.memory_space<semaphore_mem>>, %arg24: memref<!tpu.dma_semaphore, #tpu.memory_space<semaphore_mem>>, %arg25: memref<!tpu.dma_semaphore, #tpu.memory_space<semaphore_mem>>, %arg26: memref<!tpu.dma_semaphore, #tpu.memory_space<semaphore_mem>>, %arg27: memref<!tpu.dma_semaphore, #tpu.memory_space<semaphore_mem>>, %arg28: memref<!tpu.dma_semaphore, #tpu.memory_space<semaphore_mem>>, %arg29: memref<!tpu.dma_semaphore, #tpu.memory_space<semaphore_mem>>, %arg30: memref<!tpu.dma_semaphore, #tpu.memory_space<semaphore_mem>>) attributes {dimension_semantics = [#tpu.dimension_semantics<core_parallel>, #tpu.dimension_semantics<subcore_parallel>], iteration_bounds = array<i64: 2, 16>, scalar_prefetch = 0 : i64, scratch_operands = 25 : i64, tpu.core_type = #tpu.core_type<sc_vector_subcore>, window_params = [{transform_indices = #map}, {transform_indices = #map1}, {transform_indices = #map1}, {transform_indices = #map}]} {
    %broadcast_in_dim3A = arith.constant 0.000000e+00 : f32
    %broadcast_in_dim3A_0 = vector.broadcast %broadcast_in_dim3A : f32 to vector<16xf32>
    %scan3A = arith.constant 0 : i32
    %scan3A_1 = arith.constant 0 : i32
    %scan3A_2 = arith.constant 640 : i32
    %scan3A_3 = arith.addi %scan3A_1, %scan3A_2 : i32
    %scan3A_4 = arith.constant 1 : i32
    %scan3A_5 = scf.for %scan3A_79 = %scan3A_1 to %scan3A_3 step %scan3A_4 iter_args(%scan3A_80 = %scan3A) -> (i32)  : i32 {
      %jit3A = arith.constant 8 : i32
      %div3A = arith.divsi %scan3A_79, %jit3A : i32
      %sign3A = arith.constant 0 : i32
      %sign3A_81 = arith.cmpi sgt, %scan3A_79, %sign3A : i32
      %sign3A_82 = arith.extui %sign3A_81 : i1 to i32
      %sign3A_83 = arith.constant 0 : i32
      %sign3A_84 = arith.cmpi slt, %scan3A_79, %sign3A_83 : i32
      %sign3A_85 = arith.extui %sign3A_84 : i1 to i32
      %sign3A_86 = arith.subi %sign3A_82, %sign3A_85 : i32
      %sign3A_87 = arith.constant 0 : i32
      %sign3A_88 = arith.cmpi sgt, %jit3A, %sign3A_87 : i32
      %sign3A_89 = arith.extui %sign3A_88 : i1 to i32
      %sign3A_90 = arith.constant 0 : i32
      %sign3A_91 = arith.cmpi slt, %jit3A, %sign3A_90 : i32
      %sign3A_92 = arith.extui %sign3A_91 : i1 to i32
      %sign3A_93 = arith.subi %sign3A_89, %sign3A_92 : i32
      %ne3A = arith.cmpi ne, %sign3A_86, %sign3A_93 : i32
      %rem3A = arith.remsi %scan3A_79, %jit3A : i32
      %ne3A_94 = arith.constant 0 : i32
      %ne3A_95 = arith.cmpi ne, %rem3A, %ne3A_94 : i32
      %and3A = arith.andi %ne3A, %ne3A_95 : i1
      %sub3A = arith.constant 1 : i32
      %sub3A_96 = arith.subi %div3A, %sub3A : i32
      %select_n3A = arith.select %and3A, %sub3A_96, %div3A : i32
      %jit3A_97 = arith.constant 8 : i32
      %eq3A = arith.constant 0 : i32
      %eq3A_98 = arith.cmpi eq, %jit3A_97, %eq3A : i32
      %jit3A_99 = arith.constant 1 : i32
      %select_n3A_100 = arith.select %eq3A_98, %jit3A_99, %jit3A_97 : i32
      %rem3A_101 = arith.remsi %scan3A_79, %select_n3A_100 : i32
      %ne3A_102 = arith.constant 0 : i32
      %ne3A_103 = arith.cmpi ne, %rem3A_101, %ne3A_102 : i32
      %lt3A = arith.constant 0 : i32
      %lt3A_104 = arith.cmpi slt, %rem3A_101, %lt3A : i32
      %lt3A_105 = arith.constant 0 : i32
      %lt3A_106 = arith.cmpi slt, %select_n3A_100, %lt3A_105 : i32
      %ne3A_107 = arith.xori %lt3A_104, %lt3A_106 : i1
      %and3A_108 = arith.andi %ne3A_107, %ne3A_103 : i1
      %add3A_109 = arith.addi %rem3A_101, %select_n3A_100 : i32
      %select_n3A_110 = arith.select %and3A_108, %add3A_109, %rem3A_101 : i32
      %mul3A_111 = arith.constant 16 : i32
      %mul3A_112 = arith.muli %select_n3A_110, %mul3A_111 : i32
      %swap3A = arith.index_cast %select_n3A : i32 to index
      %swap3A_113 = arith.index_cast %mul3A_112 : i32 to index
      %swap3A_114 = tpu.vector_load %arg14[%swap3A, %swap3A_113] {strides = array<i32>} : memref<80x128xf32, #tpu.memory_space<vmem>>, vector<16xf32>,
      tpu.vector_store %arg14[%swap3A, %swap3A_113], %broadcast_in_dim3A_0 {strides = array<i32>} : memref<80x128xf32, #tpu.memory_space<vmem>>, vector<16xf32>,
      %scan3A_115 = arith.constant 0 : i32
      scf.yield %scan3A_115 : i32
    }
    %scan3A_6 = arith.constant 640 : i32
    %scan3A_7 = arith.constant 0 : i32
    %scan3A_8 = arith.constant 0 : i32
    %scan3A_9 = arith.constant 8 : i32
    %scan3A_10 = arith.addi %scan3A_8, %scan3A_9 : i32
    %scan3A_11 = arith.constant 1 : i32
    %scan3A_12 = scf.for %scan3A_79 = %scan3A_8 to %scan3A_10 step %scan3A_11 iter_args(%scan3A_80 = %scan3A_7) -> (i32)  : i32 {
      %mul3A_81 = arith.constant 640 : i32
      %mul3A_82 = arith.muli %arg1, %mul3A_81 : i32
      %mul3A_83 = arith.constant 80 : i32
      %mul3A_84 = arith.muli %scan3A_79, %mul3A_83 : i32
      %add3A_85 = arith.addi %mul3A_82, %mul3A_84 : i32
      "tpu.region"() ({
        %run_scoped3A = tpu.sem_alloc : memref<!tpu.dma_semaphore, #tpu.memory_space<semaphore_mem>>
        %dma_start3A_87 = arith.constant 0 : i32
        %dma_start3A_88 = tpu.memref_slice %arg18[%add3A_85, %dma_start3A_87] : memref<10240x128xf32, #tpu.memory_space<vmem_shared>> -> memref<80x128xf32, #tpu.memory_space<vmem_shared>>
        %dma_start3A_89 = arith.constant 0 : i32
        %dma_start3A_90 = tpu.memref_slice %arg18[%add3A_85, %dma_start3A_89] : memref<10240x128xf32, #tpu.memory_space<vmem_shared>> -> memref<80x128xf32, #tpu.memory_space<vmem_shared>>
        tpu.enqueue_dma source(%arg14 : memref<80x128xf32, #tpu.memory_space<vmem>>) target(%dma_start3A_90 : memref<80x128xf32, #tpu.memory_space<vmem_shared>>) target_semaphore(%run_scoped3A : memref<!tpu.dma_semaphore, #tpu.memory_space<semaphore_mem>>)
        %dma_wait3A_91 = arith.constant 0 : i32
        %dma_wait3A_92 = tpu.memref_slice %arg18[%add3A_85, %dma_wait3A_91] : memref<10240x128xf32, #tpu.memory_space<vmem_shared>> -> memref<80x128xf32, #tpu.memory_space<vmem_shared>>
        %dma_wait3A_93 = arith.constant 0 : i32
        %dma_wait3A_94 = tpu.memref_slice %arg18[%add3A_85, %dma_wait3A_93] : memref<10240x128xf32, #tpu.memory_space<vmem_shared>> -> memref<80x128xf32, #tpu.memory_space<vmem_shared>>
        tpu.wait_dma2 semaphore(%run_scoped3A : memref<!tpu.dma_semaphore, #tpu.memory_space<semaphore_mem>>) src(%arg14 : memref<80x128xf32, #tpu.memory_space<vmem>>) dst(%dma_wait3A_94 : memref<80x128xf32, #tpu.memory_space<vmem_shared>>)
        tpu.yield
      }) : () -> ()
      %scan3A_86 = arith.constant 0 : i32
      scf.yield %scan3A_86 : i32
    }
    %scan3A_13 = arith.constant 8 : i32
    %barrier3A = arith.constant 0 : index
    tpu.barrier barrier_id(%barrier3A)
    %mul3A = arith.constant 322560 : i32
    %mul3A_14 = arith.muli %arg0, %mul3A : i32
    %mul3A_15 = arith.constant 20160 : i32
    %mul3A_16 = arith.muli %arg1, %mul3A_15 : i32
    %add3A = arith.addi %mul3A_14, %mul3A_16 : i32
    %add3A_17 = arith.constant 0 : i32
    %add3A_18 = arith.addi %add3A, %add3A_17 : i32
    %dma_start3A = tpu.memref_slice %arg3[%add3A_18] : memref<645120xi32, #tpu.memory_space<hbm>> -> memref<80xi32, #tpu.memory_space<hbm>>
    %dma_start3A_19 = tpu.memref_slice %arg3[%add3A_18] : memref<645120xi32, #tpu.memory_space<hbm>> -> memref<80xi32, #tpu.memory_space<hbm>>
    tpu.enqueue_dma source(%dma_start3A_19 : memref<80xi32, #tpu.memory_space<hbm>>) target(%arg6 : memref<80xi32, #tpu.memory_space<vmem>>) target_semaphore(%arg19 : memref<!tpu.dma_semaphore, #tpu.memory_space<semaphore_mem>>)
    %mul3A_20 = arith.constant 20160 : i32
    %mul3A_21 = arith.muli %arg1, %mul3A_20 : i32
    %add3A_22 = arith.constant 0 : i32
    %add3A_23 = arith.addi %mul3A_21, %add3A_22 : i32
    %dma_start3A_24 = tpu.memref_slice %arg4[%add3A_23] : memref<322560xi32, #tpu.memory_space<hbm>> -> memref<80xi32, #tpu.memory_space<hbm>>
    %dma_start3A_25 = tpu.memref_slice %arg4[%add3A_23] : memref<322560xi32, #tpu.memory_space<hbm>> -> memref<80xi32, #tpu.memory_space<hbm>>
    tpu.enqueue_dma source(%dma_start3A_25 : memref<80xi32, #tpu.memory_space<hbm>>) target(%arg10 : memref<80xi32, #tpu.memory_space<vmem>>) target_semaphore(%arg19 : memref<!tpu.dma_semaphore, #tpu.memory_space<semaphore_mem>>)
    %mul3A_26 = arith.constant 322560 : i32
    %mul3A_27 = arith.muli %arg0, %mul3A_26 : i32
    %mul3A_28 = arith.constant 20160 : i32
    %mul3A_29 = arith.muli %arg1, %mul3A_28 : i32
    %add3A_30 = arith.addi %mul3A_27, %mul3A_29 : i32
    %add3A_31 = arith.constant 80 : i32
    %add3A_32 = arith.addi %add3A_30, %add3A_31 : i32
    %dma_start3A_33 = tpu.memref_slice %arg3[%add3A_32] : memref<645120xi32, #tpu.memory_space<hbm>> -> memref<80xi32, #tpu.memory_space<hbm>>
    %dma_start3A_34 = tpu.memref_slice %arg3[%add3A_32] : memref<645120xi32, #tpu.memory_space<hbm>> -> memref<80xi32, #tpu.memory_space<hbm>>
    tpu.enqueue_dma source(%dma_start3A_34 : memref<80xi32, #tpu.memory_space<hbm>>) target(%arg7 : memref<80xi32, #tpu.memory_space<vmem>>) target_semaphore(%arg20 : memref<!tpu.dma_semaphore, #tpu.memory_space<semaphore_mem>>)
    %mul3A_35 = arith.constant 20160 : i32
    %mul3A_36 = arith.muli %arg1, %mul3A_35 : i32
    %add3A_37 = arith.constant 80 : i32
    %add3A_38 = arith.addi %mul3A_36, %add3A_37 : i32
    %dma_start3A_39 = tpu.memref_slice %arg4[%add3A_38] : memref<322560xi32, #tpu.memory_space<hbm>> -> memref<80xi32, #tpu.memory_space<hbm>>
    %dma_start3A_40 = tpu.memref_slice %arg4[%add3A_38] : memref<322560xi32, #tpu.memory_space<hbm>> -> memref<80xi32, #tpu.memory_space<hbm>>
    tpu.enqueue_dma source(%dma_start3A_40 : memref<80xi32, #tpu.memory_space<hbm>>) target(%arg11 : memref<80xi32, #tpu.memory_space<vmem>>) target_semaphore(%arg20 : memref<!tpu.dma_semaphore, #tpu.memory_space<semaphore_mem>>)
    %mul3A_41 = arith.constant 322560 : i32
    %mul3A_42 = arith.muli %arg0, %mul3A_41 : i32
    %mul3A_43 = arith.constant 20160 : i32
    %mul3A_44 = arith.muli %arg1, %mul3A_43 : i32
    %add3A_45 = arith.addi %mul3A_42, %mul3A_44 : i32
    %add3A_46 = arith.constant 0 : i32
    %add3A_47 = arith.addi %add3A_45, %add3A_46 : i32
    %dma_wait3A = tpu.memref_slice %arg3[%add3A_47] : memref<645120xi32, #tpu.memory_space<hbm>> -> memref<80xi32, #tpu.memory_space<hbm>>
    %dma_wait3A_48 = tpu.memref_slice %arg3[%add3A_47] : memref<645120xi32, #tpu.memory_space<hbm>> -> memref<80xi32, #tpu.memory_space<hbm>>
    tpu.wait_dma2 semaphore(%arg19 : memref<!tpu.dma_semaphore, #tpu.memory_space<semaphore_mem>>) src(%dma_wait3A_48 : memref<80xi32, #tpu.memory_space<hbm>>) dst(%arg6 : memref<80xi32, #tpu.memory_space<vmem>>)
    %mul3A_49 = arith.constant 20160 : i32
    %mul3A_50 = arith.muli %arg1, %mul3A_49 : i32
    %add3A_51 = arith.constant 0 : i32
    %add3A_52 = arith.addi %mul3A_50, %add3A_51 : i32
    %dma_wait3A_53 = tpu.memref_slice %arg4[%add3A_52] : memref<322560xi32, #tpu.memory_space<hbm>> -> memref<80xi32, #tpu.memory_space<hbm>>
    %dma_wait3A_54 = tpu.memref_slice %arg4[%add3A_52] : memref<322560xi32, #tpu.memory_space<hbm>> -> memref<80xi32, #tpu.memory_space<hbm>>
    tpu.wait_dma2 semaphore(%arg19 : memref<!tpu.dma_semaphore, #tpu.memory_space<semaphore_mem>>) src(%dma_wait3A_54 : memref<80xi32, #tpu.memory_space<hbm>>) dst(%arg10 : memref<80xi32, #tpu.memory_space<vmem>>)
    %dma_start3A_55 = arith.constant 0 : i32
    %dma_start3A_56 = arith.constant 0 : i32
    %dma_start3A_57 = tpu.memref_slice %arg2[%dma_start3A_55, %dma_start3A_56] : memref<20000x128xf32, #tpu.memory_space<hbm>> -> memref<20000x128xf32, #tpu.memory_space<hbm>>
    tpu.enqueue_indirect_dma source(%dma_start3A_57 : memref<20000x128xf32, #tpu.memory_space<hbm>>) target(%arg14 : memref<80x128xf32, #tpu.memory_space<vmem>>) offsets(%arg6 : memref<80xi32, #tpu.memory_space<vmem>>) semaphore(%arg23 : memref<!tpu.dma_semaphore, #tpu.memory_space<semaphore_mem>>)
    %scan3A_58 = arith.constant 0 : i32
    %scan3A_59 = arith.constant 0 : i32
    %scan3A_60 = arith.constant 63 : i32
    %scan3A_61 = arith.addi %scan3A_59, %scan3A_60 : i32
    %scan3A_62 = arith.constant 1 : i32
    %scan3A_63 = scf.for %scan3A_79 = %scan3A_59 to %scan3A_61 step %scan3A_62 iter_args(%scan3A_80 = %scan3A_58) -> (i32)  : i32 {
      %mul3A_81 = arith.constant 4 : i32
      %mul3A_82 = arith.muli %mul3A_81, %scan3A_79 : i32
      %add3A_83 = arith.constant 0 : i32
      %add3A_84 = arith.addi %mul3A_82, %add3A_83 : i32
      %ge3A = arith.constant 2 : i32
      %ge3A_85 = arith.cmpi sge, %add3A_84, %ge3A : i32
      %convert_element_type3A = arith.extui %ge3A_85 : i1 to i32
      %cond3A = arith.constant 0 : i32
      %cond3A_86 = arith.cmpi ne, %convert_element_type3A, %cond3A : i32
      scf.if %cond3A_86 {
        %dma_wait3A_194 = arith.constant 0 : i32
        %dma_wait3A_195 = arith.constant 0 : i32
        %dma_wait3A_196 = tpu.memref_slice %arg18[%dma_wait3A_194, %dma_wait3A_195] : memref<10240x128xf32, #tpu.memory_space<vmem_shared>> -> memref<10240x128xf32, #tpu.memory_space<vmem_shared>>
        tpu.wait_indirect_dma semaphore(%arg29 : memref<!tpu.dma_semaphore, #tpu.memory_space<semaphore_mem>>) src(%arg16 : memref<80x128xf32, #tpu.memory_space<vmem>>) dst(%dma_wait3A_196 : memref<10240x128xf32, #tpu.memory_space<vmem_shared>>)
      } else {
      }
      %add3A_87 = arith.constant 2 : i32
      %add3A_88 = arith.addi %add3A_84, %add3A_87 : i32
      %lt3A = arith.constant 252 : i32
      %lt3A_89 = arith.cmpi slt, %add3A_88, %lt3A : i32
      %convert_element_type3A_90 = arith.extui %lt3A_89 : i1 to i32
      %cond3A_91 = arith.constant 0 : i32
      %cond3A_92 = arith.cmpi ne, %convert_element_type3A_90, %cond3A_91 : i32
      scf.if %cond3A_92 {
        %add3A_194 = arith.constant 2 : i32
        %add3A_195 = arith.addi %add3A_84, %add3A_194 : i32
        %mul3A_196 = arith.constant 322560 : i32
        %mul3A_197 = arith.muli %arg0, %mul3A_196 : i32
        %mul3A_198 = arith.constant 20160 : i32
        %mul3A_199 = arith.muli %arg1, %mul3A_198 : i32
        %add3A_200 = arith.addi %mul3A_197, %mul3A_199 : i32
        %mul3A_201 = arith.constant 80 : i32
        %mul3A_202 = arith.muli %add3A_195, %mul3A_201 : i32
        %add3A_203 = arith.addi %add3A_200, %mul3A_202 : i32
        %dma_start3A_204 = tpu.memref_slice %arg3[%add3A_203] : memref<645120xi32, #tpu.memory_space<hbm>> -> memref<80xi32, #tpu.memory_space<hbm>>
        %dma_start3A_205 = tpu.memref_slice %arg3[%add3A_203] : memref<645120xi32, #tpu.memory_space<hbm>> -> memref<80xi32, #tpu.memory_space<hbm>>
        tpu.enqueue_dma source(%dma_start3A_205 : memref<80xi32, #tpu.memory_space<hbm>>) target(%arg8 : memref<80xi32, #tpu.memory_space<vmem>>) target_semaphore(%arg21 : memref<!tpu.dma_semaphore, #tpu.memory_space<semaphore_mem>>)
        %mul3A_206 = arith.constant 20160 : i32
        %mul3A_207 = arith.muli %arg1, %mul3A_206 : i32
        %mul3A_208 = arith.constant 80 : i32
        %mul3A_209 = arith.muli %add3A_195, %mul3A_208 : i32
        %add3A_210 = arith.addi %mul3A_207, %mul3A_209 : i32
        %dma_start3A_211 = tpu.memref_slice %arg4[%add3A_210] : memref<322560xi32, #tpu.memory_space<hbm>> -> memref<80xi32, #tpu.memory_space<hbm>>
        %dma_start3A_212 = tpu.memref_slice %arg4[%add3A_210] : memref<322560xi32, #tpu.memory_space<hbm>> -> memref<80xi32, #tpu.memory_space<hbm>>
        tpu.enqueue_dma source(%dma_start3A_212 : memref<80xi32, #tpu.memory_space<hbm>>) target(%arg12 : memref<80xi32, #tpu.memory_space<vmem>>) target_semaphore(%arg21 : memref<!tpu.dma_semaphore, #tpu.memory_space<semaphore_mem>>)
      } else {
      }
      %add3A_93 = arith.constant 1 : i32
      %add3A_94 = arith.addi %add3A_84, %add3A_93 : i32
      %lt3A_95 = arith.constant 252 : i32
      %lt3A_96 = arith.cmpi slt, %add3A_94, %lt3A_95 : i32
      %convert_element_type3A_97 = arith.extui %lt3A_96 : i1 to i32
      %cond3A_98 = arith.constant 0 : i32
      %cond3A_99 = arith.cmpi ne, %convert_element_type3A_97, %cond3A_98 : i32
      scf.if %cond3A_99 {
        %add3A_194 = arith.constant 1 : i32
        %add3A_195 = arith.addi %add3A_84, %add3A_194 : i32
        %mul3A_196 = arith.constant 322560 : i32
        %mul3A_197 = arith.muli %arg0, %mul3A_196 : i32
        %mul3A_198 = arith.constant 20160 : i32
        %mul3A_199 = arith.muli %arg1, %mul3A_198 : i32
        %add3A_200 = arith.addi %mul3A_197, %mul3A_199 : i32
        %mul3A_201 = arith.constant 80 : i32
        %mul3A_202 = arith.muli %add3A_195, %mul3A_201 : i32
        %add3A_203 = arith.addi %add3A_200, %mul3A_202 : i32
        %dma_wait3A_204 = tpu.memref_slice %arg3[%add3A_203] : memref<645120xi32, #tpu.memory_space<hbm>> -> memref<80xi32, #tpu.memory_space<hbm>>
        %dma_wait3A_205 = tpu.memref_slice %arg3[%add3A_203] : memref<645120xi32, #tpu.memory_space<hbm>> -> memref<80xi32, #tpu.memory_space<hbm>>
        tpu.wait_dma2 semaphore(%arg20 : memref<!tpu.dma_semaphore, #tpu.memory_space<semaphore_mem>>) src(%dma_wait3A_205 : memref<80xi32, #tpu.memory_space<hbm>>) dst(%arg7 : memref<80xi32, #tpu.memory_space<vmem>>)
        %mul3A_206 = arith.constant 20160 : i32
        %mul3A_207 = arith.muli %arg1, %mul3A_206 : i32
        %mul3A_208 = arith.constant 80 : i32
        %mul3A_209 = arith.muli %add3A_195, %mul3A_208 : i32
        %add3A_210 = arith.addi %mul3A_207, %mul3A_209 : i32
        %dma_wait3A_211 = tpu.memref_slice %arg4[%add3A_210] : memref<322560xi32, #tpu.memory_space<hbm>> -> memref<80xi32, #tpu.memory_space<hbm>>
        %dma_wait3A_212 = tpu.memref_slice %arg4[%add3A_210] : memref<322560xi32, #tpu.memory_space<hbm>> -> memref<80xi32, #tpu.memory_space<hbm>>
        tpu.wait_dma2 semaphore(%arg20 : memref<!tpu.dma_semaphore, #tpu.memory_space<semaphore_mem>>) src(%dma_wait3A_212 : memref<80xi32, #tpu.memory_space<hbm>>) dst(%arg11 : memref<80xi32, #tpu.memory_space<vmem>>)
        %dma_start3A_213 = arith.constant 0 : i32
        %dma_start3A_214 = arith.constant 0 : i32
        %dma_start3A_215 = tpu.memref_slice %arg2[%dma_start3A_213, %dma_start3A_214] : memref<20000x128xf32, #tpu.memory_space<hbm>> -> memref<20000x128xf32, #tpu.memory_space<hbm>>
        tpu.enqueue_indirect_dma source(%dma_start3A_215 : memref<20000x128xf32, #tpu.memory_space<hbm>>) target(%arg15 : memref<80x128xf32, #tpu.memory_space<vmem>>) offsets(%arg7 : memref<80xi32, #tpu.memory_space<vmem>>) semaphore(%arg24 : memref<!tpu.dma_semaphore, #tpu.memory_space<semaphore_mem>>)
      } else {
      }
      %dma_wait3A_100 = arith.constant 0 : i32
      %dma_wait3A_101 = arith.constant 0 : i32
      %dma_wait3A_102 = tpu.memref_slice %arg2[%dma_wait3A_100, %dma_wait3A_101] : memref<20000x128xf32, #tpu.memory_space<hbm>> -> memref<20000x128xf32, #tpu.memory_space<hbm>>
      tpu.wait_indirect_dma semaphore(%arg23 : memref<!tpu.dma_semaphore, #tpu.memory_space<semaphore_mem>>) src(%dma_wait3A_102 : memref<20000x128xf32, #tpu.memory_space<hbm>>) dst(%arg14 : memref<80x128xf32, #tpu.memory_space<vmem>>)
      %dma_start3A_103 = arith.constant 0 : i32
      %dma_start3A_104 = arith.constant 0 : i32
      %dma_start3A_105 = tpu.memref_slice %arg18[%dma_start3A_103, %dma_start3A_104] : memref<10240x128xf32, #tpu.memory_space<vmem_shared>> -> memref<10240x128xf32, #tpu.memory_space<vmem_shared>>
      tpu.enqueue_indirect_dma source(%arg14 : memref<80x128xf32, #tpu.memory_space<vmem>>) target(%dma_start3A_105 : memref<10240x128xf32, #tpu.memory_space<vmem_shared>>) offsets(%arg10 : memref<80xi32, #tpu.memory_space<vmem>>) semaphore(%arg27 : memref<!tpu.dma_semaphore, #tpu.memory_space<semaphore_mem>>) {add = true}
      %mul3A_106 = arith.constant 4 : i32
      %mul3A_107 = arith.muli %mul3A_106, %scan3A_79 : i32
      %add3A_108 = arith.constant 1 : i32
      %add3A_109 = arith.addi %mul3A_107, %add3A_108 : i32
      %ge3A_110 = arith.constant 2 : i32
      %ge3A_111 = arith.cmpi sge, %add3A_109, %ge3A_110 : i32
      %convert_element_type3A_112 = arith.extui %ge3A_111 : i1 to i32
      %cond3A_113 = arith.constant 0 : i32
      %cond3A_114 = arith.cmpi ne, %convert_element_type3A_112, %cond3A_113 : i32
      scf.if %cond3A_114 {
        %dma_wait3A_194 = arith.constant 0 : i32
        %dma_wait3A_195 = arith.constant 0 : i32
        %dma_wait3A_196 = tpu.memref_slice %arg18[%dma_wait3A_194, %dma_wait3A_195] : memref<10240x128xf32, #tpu.memory_space<vmem_shared>> -> memref<10240x128xf32, #tpu.memory_space<vmem_shared>>
        tpu.wait_indirect_dma semaphore(%arg30 : memref<!tpu.dma_semaphore, #tpu.memory_space<semaphore_mem>>) src(%arg17 : memref<80x128xf32, #tpu.memory_space<vmem>>) dst(%dma_wait3A_196 : memref<10240x128xf32, #tpu.memory_space<vmem_shared>>)
      } else {
      }
      %add3A_115 = arith.constant 2 : i32
      %add3A_116 = arith.addi %add3A_109, %add3A_115 : i32
      %lt3A_117 = arith.constant 252 : i32
      %lt3A_118 = arith.cmpi slt, %add3A_116, %lt3A_117 : i32
      %convert_element_type3A_119 = arith.extui %lt3A_118 : i1 to i32
      %cond3A_120 = arith.constant 0 : i32
      %cond3A_121 = arith.cmpi ne, %convert_element_type3A_119, %cond3A_120 : i32
      scf.if %cond3A_121 {
        %add3A_194 = arith.constant 2 : i32
        %add3A_195 = arith.addi %add3A_109, %add3A_194 : i32
        %mul3A_196 = arith.constant 322560 : i32
        %mul3A_197 = arith.muli %arg0, %mul3A_196 : i32
        %mul3A_198 = arith.constant 20160 : i32
        %mul3A_199 = arith.muli %arg1, %mul3A_198 : i32
        %add3A_200 = arith.addi %mul3A_197, %mul3A_199 : i32
        %mul3A_201 = arith.constant 80 : i32
        %mul3A_202 = arith.muli %add3A_195, %mul3A_201 : i32
        %add3A_203 = arith.addi %add3A_200, %mul3A_202 : i32
        %dma_start3A_204 = tpu.memref_slice %arg3[%add3A_203] : memref<645120xi32, #tpu.memory_space<hbm>> -> memref<80xi32, #tpu.memory_space<hbm>>
        %dma_start3A_205 = tpu.memref_slice %arg3[%add3A_203] : memref<645120xi32, #tpu.memory_space<hbm>> -> memref<80xi32, #tpu.memory_space<hbm>>
        tpu.enqueue_dma source(%dma_start3A_205 : memref<80xi32, #tpu.memory_space<hbm>>) target(%arg9 : memref<80xi32, #tpu.memory_space<vmem>>) target_semaphore(%arg22 : memref<!tpu.dma_semaphore, #tpu.memory_space<semaphore_mem>>)
        %mul3A_206 = arith.constant 20160 : i32
        %mul3A_207 = arith.muli %arg1, %mul3A_206 : i32
        %mul3A_208 = arith.constant 80 : i32
        %mul3A_209 = arith.muli %add3A_195, %mul3A_208 : i32
        %add3A_210 = arith.addi %mul3A_207, %mul3A_209 : i32
        %dma_start3A_211 = tpu.memref_slice %arg4[%add3A_210] : memref<322560xi32, #tpu.memory_space<hbm>> -> memref<80xi32, #tpu.memory_space<hbm>>
        %dma_start3A_212 = tpu.memref_slice %arg4[%add3A_210] : memref<322560xi32, #tpu.memory_space<hbm>> -> memref<80xi32, #tpu.memory_space<hbm>>
        tpu.enqueue_dma source(%dma_start3A_212 : memref<80xi32, #tpu.memory_space<hbm>>) target(%arg13 : memref<80xi32, #tpu.memory_space<vmem>>) target_semaphore(%arg22 : memref<!tpu.dma_semaphore, #tpu.memory_space<semaphore_mem>>)
      } else {
      }
      %add3A_122 = arith.constant 1 : i32
      %add3A_123 = arith.addi %add3A_109, %add3A_122 : i32
      %lt3A_124 = arith.constant 252 : i32
      %lt3A_125 = arith.cmpi slt, %add3A_123, %lt3A_124 : i32
      %convert_element_type3A_126 = arith.extui %lt3A_125 : i1 to i32
      %cond3A_127 = arith.constant 0 : i32
      %cond3A_128 = arith.cmpi ne, %convert_element_type3A_126, %cond3A_127 : i32
      scf.if %cond3A_128 {
        %add3A_194 = arith.constant 1 : i32
        %add3A_195 = arith.addi %add3A_109, %add3A_194 : i32
        %mul3A_196 = arith.constant 322560 : i32
        %mul3A_197 = arith.muli %arg0, %mul3A_196 : i32
        %mul3A_198 = arith.constant 20160 : i32
        %mul3A_199 = arith.muli %arg1, %mul3A_198 : i32
        %add3A_200 = arith.addi %mul3A_197, %mul3A_199 : i32
        %mul3A_201 = arith.constant 80 : i32
        %mul3A_202 = arith.muli %add3A_195, %mul3A_201 : i32
        %add3A_203 = arith.addi %add3A_200, %mul3A_202 : i32
        %dma_wait3A_204 = tpu.memref_slice %arg3[%add3A_203] : memref<645120xi32, #tpu.memory_space<hbm>> -> memref<80xi32, #tpu.memory_space<hbm>>
        %dma_wait3A_205 = tpu.memref_slice %arg3[%add3A_203] : memref<645120xi32, #tpu.memory_space<hbm>> -> memref<80xi32, #tpu.memory_space<hbm>>
        tpu.wait_dma2 semaphore(%arg21 : memref<!tpu.dma_semaphore, #tpu.memory_space<semaphore_mem>>) src(%dma_wait3A_205 : memref<80xi32, #tpu.memory_space<hbm>>) dst(%arg8 : memref<80xi32, #tpu.memory_space<vmem>>)
        %mul3A_206 = arith.constant 20160 : i32
        %mul3A_207 = arith.muli %arg1, %mul3A_206 : i32
        %mul3A_208 = arith.constant 80 : i32
        %mul3A_209 = arith.muli %add3A_195, %mul3A_208 : i32
        %add3A_210 = arith.addi %mul3A_207, %mul3A_209 : i32
        %dma_wait3A_211 = tpu.memref_slice %arg4[%add3A_210] : memref<322560xi32, #tpu.memory_space<hbm>> -> memref<80xi32, #tpu.memory_space<hbm>>
        %dma_wait3A_212 = tpu.memref_slice %arg4[%add3A_210] : memref<322560xi32, #tpu.memory_space<hbm>> -> memref<80xi32, #tpu.memory_space<hbm>>
        tpu.wait_dma2 semaphore(%arg21 : memref<!tpu.dma_semaphore, #tpu.memory_space<semaphore_mem>>) src(%dma_wait3A_212 : memref<80xi32, #tpu.memory_space<hbm>>) dst(%arg12 : memref<80xi32, #tpu.memory_space<vmem>>)
        %dma_start3A_213 = arith.constant 0 : i32
        %dma_start3A_214 = arith.constant 0 : i32
        %dma_start3A_215 = tpu.memref_slice %arg2[%dma_start3A_213, %dma_start3A_214] : memref<20000x128xf32, #tpu.memory_space<hbm>> -> memref<20000x128xf32, #tpu.memory_space<hbm>>
        tpu.enqueue_indirect_dma source(%dma_start3A_215 : memref<20000x128xf32, #tpu.memory_space<hbm>>) target(%arg16 : memref<80x128xf32, #tpu.memory_space<vmem>>) offsets(%arg8 : memref<80xi32, #tpu.memory_space<vmem>>) semaphore(%arg25 : memref<!tpu.dma_semaphore, #tpu.memory_space<semaphore_mem>>)
      } else {
      }
      %dma_wait3A_129 = arith.constant 0 : i32
      %dma_wait3A_130 = arith.constant 0 : i32
      %dma_wait3A_131 = tpu.memref_slice %arg2[%dma_wait3A_129, %dma_wait3A_130] : memref<20000x128xf32, #tpu.memory_space<hbm>> -> memref<20000x128xf32, #tpu.memory_space<hbm>>
      tpu.wait_indirect_dma semaphore(%arg24 : memref<!tpu.dma_semaphore, #tpu.memory_space<semaphore_mem>>) src(%dma_wait3A_131 : memref<20000x128xf32, #tpu.memory_space<hbm>>) dst(%arg15 : memref<80x128xf32, #tpu.memory_space<vmem>>)
      %dma_start3A_132 = arith.constant 0 : i32
      %dma_start3A_133 = arith.constant 0 : i32
      %dma_start3A_134 = tpu.memref_slice %arg18[%dma_start3A_132, %dma_start3A_133] : memref<10240x128xf32, #tpu.memory_space<vmem_shared>> -> memref<10240x128xf32, #tpu.memory_space<vmem_shared>>
      tpu.enqueue_indirect_dma source(%arg15 : memref<80x128xf32, #tpu.memory_space<vmem>>) target(%dma_start3A_134 : memref<10240x128xf32, #tpu.memory_space<vmem_shared>>) offsets(%arg11 : memref<80xi32, #tpu.memory_space<vmem>>) semaphore(%arg28 : memref<!tpu.dma_semaphore, #tpu.memory_space<semaphore_mem>>) {add = true}
      %mul3A_135 = arith.constant 4 : i32
      %mul3A_136 = arith.muli %mul3A_135, %scan3A_79 : i32
      %add3A_137 = arith.constant 2 : i32
      %add3A_138 = arith.addi %mul3A_136, %add3A_137 : i32
      %ge3A_139 = arith.constant 2 : i32
      %ge3A_140 = arith.cmpi sge, %add3A_138, %ge3A_139 : i32
      %convert_element_type3A_141 = arith.extui %ge3A_140 : i1 to i32
      %cond3A_142 = arith.constant 0 : i32
      %cond3A_143 = arith.cmpi ne, %convert_element_type3A_141, %cond3A_142 : i32
      scf.if %cond3A_143 {
        %dma_wait3A_194 = arith.constant 0 : i32
        %dma_wait3A_195 = arith.constant 0 : i32
        %dma_wait3A_196 = tpu.memref_slice %arg18[%dma_wait3A_194, %dma_wait3A_195] : memref<10240x128xf32, #tpu.memory_space<vmem_shared>> -> memref<10240x128xf32, #tpu.memory_space<vmem_shared>>
        tpu.wait_indirect_dma semaphore(%arg27 : memref<!tpu.dma_semaphore, #tpu.memory_space<semaphore_mem>>) src(%arg14 : memref<80x128xf32, #tpu.memory_space<vmem>>) dst(%dma_wait3A_196 : memref<10240x128xf32, #tpu.memory_space<vmem_shared>>)
      } else {
      }
      %add3A_144 = arith.constant 2 : i32
      %add3A_145 = arith.addi %add3A_138, %add3A_144 : i32
      %lt3A_146 = arith.constant 252 : i32
      %lt3A_147 = arith.cmpi slt, %add3A_145, %lt3A_146 : i32
      %convert_element_type3A_148 = arith.extui %lt3A_147 : i1 to i32
      %cond3A_149 = arith.constant 0 : i32
      %cond3A_150 = arith.cmpi ne, %convert_element_type3A_148, %cond3A_149 : i32
      scf.if %cond3A_150 {
        %add3A_194 = arith.constant 2 : i32
        %add3A_195 = arith.addi %add3A_138, %add3A_194 : i32
        %mul3A_196 = arith.constant 322560 : i32
        %mul3A_197 = arith.muli %arg0, %mul3A_196 : i32
        %mul3A_198 = arith.constant 20160 : i32
        %mul3A_199 = arith.muli %arg1, %mul3A_198 : i32
        %add3A_200 = arith.addi %mul3A_197, %mul3A_199 : i32
        %mul3A_201 = arith.constant 80 : i32
        %mul3A_202 = arith.muli %add3A_195, %mul3A_201 : i32
        %add3A_203 = arith.addi %add3A_200, %mul3A_202 : i32
        %dma_start3A_204 = tpu.memref_slice %arg3[%add3A_203] : memref<645120xi32, #tpu.memory_space<hbm>> -> memref<80xi32, #tpu.memory_space<hbm>>
        %dma_start3A_205 = tpu.memref_slice %arg3[%add3A_203] : memref<645120xi32, #tpu.memory_space<hbm>> -> memref<80xi32, #tpu.memory_space<hbm>>
        tpu.enqueue_dma source(%dma_start3A_205 : memref<80xi32, #tpu.memory_space<hbm>>) target(%arg6 : memref<80xi32, #tpu.memory_space<vmem>>) target_semaphore(%arg19 : memref<!tpu.dma_semaphore, #tpu.memory_space<semaphore_mem>>)
        %mul3A_206 = arith.constant 20160 : i32
        %mul3A_207 = arith.muli %arg1, %mul3A_206 : i32
        %mul3A_208 = arith.constant 80 : i32
        %mul3A_209 = arith.muli %add3A_195, %mul3A_208 : i32
        %add3A_210 = arith.addi %mul3A_207, %mul3A_209 : i32
        %dma_start3A_211 = tpu.memref_slice %arg4[%add3A_210] : memref<322560xi32, #tpu.memory_space<hbm>> -> memref<80xi32, #tpu.memory_space<hbm>>
        %dma_start3A_212 = tpu.memref_slice %arg4[%add3A_210] : memref<322560xi32, #tpu.memory_space<hbm>> -> memref<80xi32, #tpu.memory_space<hbm>>
        tpu.enqueue_dma source(%dma_start3A_212 : memref<80xi32, #tpu.memory_space<hbm>>) target(%arg10 : memref<80xi32, #tpu.memory_space<vmem>>) target_semaphore(%arg19 : memref<!tpu.dma_semaphore, #tpu.memory_space<semaphore_mem>>)
      } else {
      }
      %add3A_151 = arith.constant 1 : i32
      %add3A_152 = arith.addi %add3A_138, %add3A_151 : i32
      %lt3A_153 = arith.constant 252 : i32
      %lt3A_154 = arith.cmpi slt, %add3A_152, %lt3A_153 : i32
      %convert_element_type3A_155 = arith.extui %lt3A_154 : i1 to i32
      %cond3A_156 = arith.constant 0 : i32
      %cond3A_157 = arith.cmpi ne, %convert_element_type3A_155, %cond3A_156 : i32
      scf.if %cond3A_157 {
        %add3A_194 = arith.constant 1 : i32
        %add3A_195 = arith.addi %add3A_138, %add3A_194 : i32
        %mul3A_196 = arith.constant 322560 : i32
        %mul3A_197 = arith.muli %arg0, %mul3A_196 : i32
        %mul3A_198 = arith.constant 20160 : i32
        %mul3A_199 = arith.muli %arg1, %mul3A_198 : i32
        %add3A_200 = arith.addi %mul3A_197, %mul3A_199 : i32
        %mul3A_201 = arith.constant 80 : i32
        %mul3A_202 = arith.muli %add3A_195, %mul3A_201 : i32
        %add3A_203 = arith.addi %add3A_200, %mul3A_202 : i32
        %dma_wait3A_204 = tpu.memref_slice %arg3[%add3A_203] : memref<645120xi32, #tpu.memory_space<hbm>> -> memref<80xi32, #tpu.memory_space<hbm>>
        %dma_wait3A_205 = tpu.memref_slice %arg3[%add3A_203] : memref<645120xi32, #tpu.memory_space<hbm>> -> memref<80xi32, #tpu.memory_space<hbm>>
        tpu.wait_dma2 semaphore(%arg22 : memref<!tpu.dma_semaphore, #tpu.memory_space<semaphore_mem>>) src(%dma_wait3A_205 : memref<80xi32, #tpu.memory_space<hbm>>) dst(%arg9 : memref<80xi32, #tpu.memory_space<vmem>>)
        %mul3A_206 = arith.constant 20160 : i32
        %mul3A_207 = arith.muli %arg1, %mul3A_206 : i32
        %mul3A_208 = arith.constant 80 : i32
        %mul3A_209 = arith.muli %add3A_195, %mul3A_208 : i32
        %add3A_210 = arith.addi %mul3A_207, %mul3A_209 : i32
        %dma_wait3A_211 = tpu.memref_slice %arg4[%add3A_210] : memref<322560xi32, #tpu.memory_space<hbm>> -> memref<80xi32, #tpu.memory_space<hbm>>
        %dma_wait3A_212 = tpu.memref_slice %arg4[%add3A_210] : memref<322560xi32, #tpu.memory_space<hbm>> -> memref<80xi32, #tpu.memory_space<hbm>>
        tpu.wait_dma2 semaphore(%arg22 : memref<!tpu.dma_semaphore, #tpu.memory_space<semaphore_mem>>) src(%dma_wait3A_212 : memref<80xi32, #tpu.memory_space<hbm>>) dst(%arg13 : memref<80xi32, #tpu.memory_space<vmem>>)
        %dma_start3A_213 = arith.constant 0 : i32
        %dma_start3A_214 = arith.constant 0 : i32
        %dma_start3A_215 = tpu.memref_slice %arg2[%dma_start3A_213, %dma_start3A_214] : memref<20000x128xf32, #tpu.memory_space<hbm>> -> memref<20000x128xf32, #tpu.memory_space<hbm>>
        tpu.enqueue_indirect_dma source(%dma_start3A_215 : memref<20000x128xf32, #tpu.memory_space<hbm>>) target(%arg17 : memref<80x128xf32, #tpu.memory_space<vmem>>) offsets(%arg9 : memref<80xi32, #tpu.memory_space<vmem>>) semaphore(%arg26 : memref<!tpu.dma_semaphore, #tpu.memory_space<semaphore_mem>>)
      } else {
      }
      %dma_wait3A_158 = arith.constant 0 : i32
      %dma_wait3A_159 = arith.constant 0 : i32
      %dma_wait3A_160 = tpu.memref_slice %arg2[%dma_wait3A_158, %dma_wait3A_159] : memref<20000x128xf32, #tpu.memory_space<hbm>> -> memref<20000x128xf32, #tpu.memory_space<hbm>>
      tpu.wait_indirect_dma semaphore(%arg25 : memref<!tpu.dma_semaphore, #tpu.memory_space<semaphore_mem>>) src(%dma_wait3A_160 : memref<20000x128xf32, #tpu.memory_space<hbm>>) dst(%arg16 : memref<80x128xf32, #tpu.memory_space<vmem>>)
      %dma_start3A_161 = arith.constant 0 : i32
      %dma_start3A_162 = arith.constant 0 : i32
      %dma_start3A_163 = tpu.memref_slice %arg18[%dma_start3A_161, %dma_start3A_162] : memref<10240x128xf32, #tpu.memory_space<vmem_shared>> -> memref<10240x128xf32, #tpu.memory_space<vmem_shared>>
      tpu.enqueue_indirect_dma source(%arg16 : memref<80x128xf32, #tpu.memory_space<vmem>>) target(%dma_start3A_163 : memref<10240x128xf32, #tpu.memory_space<vmem_shared>>) offsets(%arg12 : memref<80xi32, #tpu.memory_space<vmem>>) semaphore(%arg29 : memref<!tpu.dma_semaphore, #tpu.memory_space<semaphore_mem>>) {add = true}
      %mul3A_164 = arith.constant 4 : i32
      %mul3A_165 = arith.muli %mul3A_164, %scan3A_79 : i32
      %add3A_166 = arith.constant 3 : i32
      %add3A_167 = arith.addi %mul3A_165, %add3A_166 : i32
      %ge3A_168 = arith.constant 2 : i32
      %ge3A_169 = arith.cmpi sge, %add3A_167, %ge3A_168 : i32
      %convert_element_type3A_170 = arith.extui %ge3A_169 : i1 to i32
      %cond3A_171 = arith.constant 0 : i32
      %cond3A_172 = arith.cmpi ne, %convert_element_type3A_170, %cond3A_171 : i32
      scf.if %cond3A_172 {
        %dma_wait3A_194 = arith.constant 0 : i32
        %dma_wait3A_195 = arith.constant 0 : i32
        %dma_wait3A_196 = tpu.memref_slice %arg18[%dma_wait3A_194, %dma_wait3A_195] : memref<10240x128xf32, #tpu.memory_space<vmem_shared>> -> memref<10240x128xf32, #tpu.memory_space<vmem_shared>>
        tpu.wait_indirect_dma semaphore(%arg28 : memref<!tpu.dma_semaphore, #tpu.memory_space<semaphore_mem>>) src(%arg15 : memref<80x128xf32, #tpu.memory_space<vmem>>) dst(%dma_wait3A_196 : memref<10240x128xf32, #tpu.memory_space<vmem_shared>>)
      } else {
      }
      %add3A_173 = arith.constant 2 : i32
      %add3A_174 = arith.addi %add3A_167, %add3A_173 : i32
      %lt3A_175 = arith.constant 252 : i32
      %lt3A_176 = arith.cmpi slt, %add3A_174, %lt3A_175 : i32
      %convert_element_type3A_177 = arith.extui %lt3A_176 : i1 to i32
      %cond3A_178 = arith.constant 0 : i32
      %cond3A_179 = arith.cmpi ne, %convert_element_type3A_177, %cond3A_178 : i32
      scf.if %cond3A_179 {
        %add3A_194 = arith.constant 2 : i32
        %add3A_195 = arith.addi %add3A_167, %add3A_194 : i32
        %mul3A_196 = arith.constant 322560 : i32
        %mul3A_197 = arith.muli %arg0, %mul3A_196 : i32
        %mul3A_198 = arith.constant 20160 : i32
        %mul3A_199 = arith.muli %arg1, %mul3A_198 : i32
        %add3A_200 = arith.addi %mul3A_197, %mul3A_199 : i32
        %mul3A_201 = arith.constant 80 : i32
        %mul3A_202 = arith.muli %add3A_195, %mul3A_201 : i32
        %add3A_203 = arith.addi %add3A_200, %mul3A_202 : i32
        %dma_start3A_204 = tpu.memref_slice %arg3[%add3A_203] : memref<645120xi32, #tpu.memory_space<hbm>> -> memref<80xi32, #tpu.memory_space<hbm>>
        %dma_start3A_205 = tpu.memref_slice %arg3[%add3A_203] : memref<645120xi32, #tpu.memory_space<hbm>> -> memref<80xi32, #tpu.memory_space<hbm>>
        tpu.enqueue_dma source(%dma_start3A_205 : memref<80xi32, #tpu.memory_space<hbm>>) target(%arg7 : memref<80xi32, #tpu.memory_space<vmem>>) target_semaphore(%arg20 : memref<!tpu.dma_semaphore, #tpu.memory_space<semaphore_mem>>)
        %mul3A_206 = arith.constant 20160 : i32
        %mul3A_207 = arith.muli %arg1, %mul3A_206 : i32
        %mul3A_208 = arith.constant 80 : i32
        %mul3A_209 = arith.muli %add3A_195, %mul3A_208 : i32
        %add3A_210 = arith.addi %mul3A_207, %mul3A_209 : i32
        %dma_start3A_211 = tpu.memref_slice %arg4[%add3A_210] : memref<322560xi32, #tpu.memory_space<hbm>> -> memref<80xi32, #tpu.memory_space<hbm>>
        %dma_start3A_212 = tpu.memref_slice %arg4[%add3A_210] : memref<322560xi32, #tpu.memory_space<hbm>> -> memref<80xi32, #tpu.memory_space<hbm>>
        tpu.enqueue_dma source(%dma_start3A_212 : memref<80xi32, #tpu.memory_space<hbm>>) target(%arg11 : memref<80xi32, #tpu.memory_space<vmem>>) target_semaphore(%arg20 : memref<!tpu.dma_semaphore, #tpu.memory_space<semaphore_mem>>)
      } else {
      }
      %add3A_180 = arith.constant 1 : i32
      %add3A_181 = arith.addi %add3A_167, %add3A_180 : i32
      %lt3A_182 = arith.constant 252 : i32
      %lt3A_183 = arith.cmpi slt, %add3A_181, %lt3A_182 : i32
      %convert_element_type3A_184 = arith.extui %lt3A_183 : i1 to i32
      %cond3A_185 = arith.constant 0 : i32
      %cond3A_186 = arith.cmpi ne, %convert_element_type3A_184, %cond3A_185 : i32
      scf.if %cond3A_186 {
        %add3A_194 = arith.constant 1 : i32
        %add3A_195 = arith.addi %add3A_167, %add3A_194 : i32
        %mul3A_196 = arith.constant 322560 : i32
        %mul3A_197 = arith.muli %arg0, %mul3A_196 : i32
        %mul3A_198 = arith.constant 20160 : i32
        %mul3A_199 = arith.muli %arg1, %mul3A_198 : i32
        %add3A_200 = arith.addi %mul3A_197, %mul3A_199 : i32
        %mul3A_201 = arith.constant 80 : i32
        %mul3A_202 = arith.muli %add3A_195, %mul3A_201 : i32
        %add3A_203 = arith.addi %add3A_200, %mul3A_202 : i32
        %dma_wait3A_204 = tpu.memref_slice %arg3[%add3A_203] : memref<645120xi32, #tpu.memory_space<hbm>> -> memref<80xi32, #tpu.memory_space<hbm>>
        %dma_wait3A_205 = tpu.memref_slice %arg3[%add3A_203] : memref<645120xi32, #tpu.memory_space<hbm>> -> memref<80xi32, #tpu.memory_space<hbm>>
        tpu.wait_dma2 semaphore(%arg19 : memref<!tpu.dma_semaphore, #tpu.memory_space<semaphore_mem>>) src(%dma_wait3A_205 : memref<80xi32, #tpu.memory_space<hbm>>) dst(%arg6 : memref<80xi32, #tpu.memory_space<vmem>>)
        %mul3A_206 = arith.constant 20160 : i32
        %mul3A_207 = arith.muli %arg1, %mul3A_206 : i32
        %mul3A_208 = arith.constant 80 : i32
        %mul3A_209 = arith.muli %add3A_195, %mul3A_208 : i32
        %add3A_210 = arith.addi %mul3A_207, %mul3A_209 : i32
        %dma_wait3A_211 = tpu.memref_slice %arg4[%add3A_210] : memref<322560xi32, #tpu.memory_space<hbm>> -> memref<80xi32, #tpu.memory_space<hbm>>
        %dma_wait3A_212 = tpu.memref_slice %arg4[%add3A_210] : memref<322560xi32, #tpu.memory_space<hbm>> -> memref<80xi32, #tpu.memory_space<hbm>>
        tpu.wait_dma2 semaphore(%arg19 : memref<!tpu.dma_semaphore, #tpu.memory_space<semaphore_mem>>) src(%dma_wait3A_212 : memref<80xi32, #tpu.memory_space<hbm>>) dst(%arg10 : memref<80xi32, #tpu.memory_space<vmem>>)
        %dma_start3A_213 = arith.constant 0 : i32
        %dma_start3A_214 = arith.constant 0 : i32
        %dma_start3A_215 = tpu.memref_slice %arg2[%dma_start3A_213, %dma_start3A_214] : memref<20000x128xf32, #tpu.memory_space<hbm>> -> memref<20000x128xf32, #tpu.memory_space<hbm>>
        tpu.enqueue_indirect_dma source(%dma_start3A_215 : memref<20000x128xf32, #tpu.memory_space<hbm>>) target(%arg14 : memref<80x128xf32, #tpu.memory_space<vmem>>) offsets(%arg6 : memref<80xi32, #tpu.memory_space<vmem>>) semaphore(%arg23 : memref<!tpu.dma_semaphore, #tpu.memory_space<semaphore_mem>>)
      } else {
      }
      %dma_wait3A_187 = arith.constant 0 : i32
      %dma_wait3A_188 = arith.constant 0 : i32
      %dma_wait3A_189 = tpu.memref_slice %arg2[%dma_wait3A_187, %dma_wait3A_188] : memref<20000x128xf32, #tpu.memory_space<hbm>> -> memref<20000x128xf32, #tpu.memory_space<hbm>>
      tpu.wait_indirect_dma semaphore(%arg26 : memref<!tpu.dma_semaphore, #tpu.memory_space<semaphore_mem>>) src(%dma_wait3A_189 : memref<20000x128xf32, #tpu.memory_space<hbm>>) dst(%arg17 : memref<80x128xf32, #tpu.memory_space<vmem>>)
      %dma_start3A_190 = arith.constant 0 : i32
      %dma_start3A_191 = arith.constant 0 : i32
      %dma_start3A_192 = tpu.memref_slice %arg18[%dma_start3A_190, %dma_start3A_191] : memref<10240x128xf32, #tpu.memory_space<vmem_shared>> -> memref<10240x128xf32, #tpu.memory_space<vmem_shared>>
      tpu.enqueue_indirect_dma source(%arg17 : memref<80x128xf32, #tpu.memory_space<vmem>>) target(%dma_start3A_192 : memref<10240x128xf32, #tpu.memory_space<vmem_shared>>) offsets(%arg13 : memref<80xi32, #tpu.memory_space<vmem>>) semaphore(%arg30 : memref<!tpu.dma_semaphore, #tpu.memory_space<semaphore_mem>>) {add = true}
      %scan3A_193 = arith.constant 0 : i32
      scf.yield %scan3A_193 : i32
    }
    %scan3A_64 = arith.constant 63 : i32
    %dma_wait3A_65 = arith.constant 0 : i32
    %dma_wait3A_66 = arith.constant 0 : i32
    %dma_wait3A_67 = tpu.memref_slice %arg18[%dma_wait3A_65, %dma_wait3A_66] : memref<10240x128xf32, #tpu.memory_space<vmem_shared>> -> memref<10240x128xf32, #tpu.memory_space<vmem_shared>>
    tpu.wait_indirect_dma semaphore(%arg29 : memref<!tpu.dma_semaphore, #tpu.memory_space<semaphore_mem>>) src(%arg16 : memref<80x128xf32, #tpu.memory_space<vmem>>) dst(%dma_wait3A_67 : memref<10240x128xf32, #tpu.memory_space<vmem_shared>>)
    %dma_wait3A_68 = arith.constant 0 : i32
    %dma_wait3A_69 = arith.constant 0 : i32
    %dma_wait3A_70 = tpu.memref_slice %arg18[%dma_wait3A_68, %dma_wait3A_69] : memref<10240x128xf32, #tpu.memory_space<vmem_shared>> -> memref<10240x128xf32, #tpu.memory_space<vmem_shared>>
    tpu.wait_indirect_dma semaphore(%arg30 : memref<!tpu.dma_semaphore, #tpu.memory_space<semaphore_mem>>) src(%arg17 : memref<80x128xf32, #tpu.memory_space<vmem>>) dst(%dma_wait3A_70 : memref<10240x128xf32, #tpu.memory_space<vmem_shared>>)
    %barrier3A_71 = arith.constant 0 : index
    tpu.barrier barrier_id(%barrier3A_71)
    %scan3A_72 = arith.constant 0 : i32
    %scan3A_73 = arith.constant 0 : i32
    %scan3A_74 = arith.constant 8 : i32
    %scan3A_75 = arith.addi %scan3A_73, %scan3A_74 : i32
    %scan3A_76 = arith.constant 1 : i32
    %scan3A_77 = scf.for %scan3A_79 = %scan3A_73 to %scan3A_75 step %scan3A_76 iter_args(%scan3A_80 = %scan3A_72) -> (i32)  : i32 {
      %mul3A_81 = arith.constant 640 : i32
      %mul3A_82 = arith.muli %arg1, %mul3A_81 : i32
      %mul3A_83 = arith.constant 80 : i32
      %mul3A_84 = arith.muli %scan3A_79, %mul3A_83 : i32
      %add3A_85 = arith.addi %mul3A_82, %mul3A_84 : i32
      "tpu.region"() ({
        %run_scoped3A = tpu.sem_alloc : memref<!tpu.dma_semaphore, #tpu.memory_space<semaphore_mem>>
        %dma_start3A_90 = arith.constant 0 : i32
        %dma_start3A_91 = tpu.memref_slice %arg18[%add3A_85, %dma_start3A_90] : memref<10240x128xf32, #tpu.memory_space<vmem_shared>> -> memref<80x128xf32, #tpu.memory_space<vmem_shared>>
        %dma_start3A_92 = arith.constant 0 : i32
        %dma_start3A_93 = tpu.memref_slice %arg18[%add3A_85, %dma_start3A_92] : memref<10240x128xf32, #tpu.memory_space<vmem_shared>> -> memref<80x128xf32, #tpu.memory_space<vmem_shared>>
        tpu.enqueue_dma source(%dma_start3A_93 : memref<80x128xf32, #tpu.memory_space<vmem_shared>>) target(%arg14 : memref<80x128xf32, #tpu.memory_space<vmem>>) target_semaphore(%run_scoped3A : memref<!tpu.dma_semaphore, #tpu.memory_space<semaphore_mem>>)
        %dma_wait3A_94 = arith.constant 0 : i32
        %dma_wait3A_95 = tpu.memref_slice %arg18[%add3A_85, %dma_wait3A_94] : memref<10240x128xf32, #tpu.memory_space<vmem_shared>> -> memref<80x128xf32, #tpu.memory_space<vmem_shared>>
        %dma_wait3A_96 = arith.constant 0 : i32
        %dma_wait3A_97 = tpu.memref_slice %arg18[%add3A_85, %dma_wait3A_96] : memref<10240x128xf32, #tpu.memory_space<vmem_shared>> -> memref<80x128xf32, #tpu.memory_space<vmem_shared>>
        tpu.wait_dma2 semaphore(%run_scoped3A : memref<!tpu.dma_semaphore, #tpu.memory_space<semaphore_mem>>) src(%dma_wait3A_97 : memref<80x128xf32, #tpu.memory_space<vmem_shared>>) dst(%arg14 : memref<80x128xf32, #tpu.memory_space<vmem>>)
        tpu.yield
      }) : () -> ()
      %mul3A_86 = arith.constant 10240 : i32
      %mul3A_87 = arith.muli %arg0, %mul3A_86 : i32
      %add3A_88 = arith.addi %mul3A_87, %add3A_85 : i32
      "tpu.region"() ({
        %run_scoped3A = tpu.sem_alloc : memref<!tpu.dma_semaphore, #tpu.memory_space<semaphore_mem>>
        %dma_start3A_90 = arith.constant 0 : i32
        %dma_start3A_91 = tpu.memref_slice %arg5[%add3A_88, %dma_start3A_90] : memref<20480x128xf32, #tpu.memory_space<hbm>> -> memref<80x128xf32, #tpu.memory_space<hbm>>
        %dma_start3A_92 = arith.constant 0 : i32
        %dma_start3A_93 = tpu.memref_slice %arg5[%add3A_88, %dma_start3A_92] : memref<20480x128xf32, #tpu.memory_space<hbm>> -> memref<80x128xf32, #tpu.memory_space<hbm>>
        tpu.enqueue_dma source(%arg14 : memref<80x128xf32, #tpu.memory_space<vmem>>) target(%dma_start3A_93 : memref<80x128xf32, #tpu.memory_space<hbm>>) target_semaphore(%run_scoped3A : memref<!tpu.dma_semaphore, #tpu.memory_space<semaphore_mem>>)
        %dma_wait3A_94 = arith.constant 0 : i32
        %dma_wait3A_95 = tpu.memref_slice %arg5[%add3A_88, %dma_wait3A_94] : memref<20480x128xf32, #tpu.memory_space<hbm>> -> memref<80x128xf32, #tpu.memory_space<hbm>>
        %dma_wait3A_96 = arith.constant 0 : i32
        %dma_wait3A_97 = tpu.memref_slice %arg5[%add3A_88, %dma_wait3A_96] : memref<20480x128xf32, #tpu.memory_space<hbm>> -> memref<80x128xf32, #tpu.memory_space<hbm>>
        tpu.wait_dma2 semaphore(%run_scoped3A : memref<!tpu.dma_semaphore, #tpu.memory_space<semaphore_mem>>) src(%arg14 : memref<80x128xf32, #tpu.memory_space<vmem>>) dst(%dma_wait3A_97 : memref<80x128xf32, #tpu.memory_space<hbm>>)
        tpu.yield
      }) : () -> ()
      %scan3A_89 = arith.constant 0 : i32
      scf.yield %scan3A_89 : i32
    }
    %scan3A_78 = arith.constant 8 : i32
    return
  }
}

#map = affine_map<(d0, d1) -> (0, 0)>
#map1 = affine_map<(d0, d1) -> (0)>
module attributes {stable_mosaic.version = 14 : i64} {
  func.func @_agg_body(%arg0: i32, %arg1: i32, %arg2: memref<20000x128xf32, #tpu.memory_space<hbm>>, %arg3: memref<645120xi32, #tpu.memory_space<hbm>>, %arg4: memref<322560xi32, #tpu.memory_space<hbm>>, %arg5: memref<20480x128xf32, #tpu.memory_space<hbm>>, %arg6: memref<80xi32, #tpu.memory_space<vmem>>, %arg7: memref<80xi32, #tpu.memory_space<vmem>>, %arg8: memref<80xi32, #tpu.memory_space<vmem>>, %arg9: memref<80xi32, #tpu.memory_space<vmem>>, %arg10: memref<80xi32, #tpu.memory_space<vmem>>, %arg11: memref<80xi32, #tpu.memory_space<vmem>>, %arg12: memref<80xi32, #tpu.memory_space<vmem>>, %arg13: memref<80xi32, #tpu.memory_space<vmem>>, %arg14: memref<80x128xf32, #tpu.memory_space<vmem>>, %arg15: memref<80x128xf32, #tpu.memory_space<vmem>>, %arg16: memref<80x128xf32, #tpu.memory_space<vmem>>, %arg17: memref<80x128xf32, #tpu.memory_space<vmem>>, %arg18: memref<10240x128xf32, #tpu.memory_space<vmem_shared>>, %arg19: memref<!tpu.dma_semaphore, #tpu.memory_space<semaphore_mem>>, %arg20: memref<!tpu.dma_semaphore, #tpu.memory_space<semaphore_mem>>, %arg21: memref<!tpu.dma_semaphore, #tpu.memory_space<semaphore_mem>>, %arg22: memref<!tpu.dma_semaphore, #tpu.memory_space<semaphore_mem>>, %arg23: memref<!tpu.dma_semaphore, #tpu.memory_space<semaphore_mem>>, %arg24: memref<!tpu.dma_semaphore, #tpu.memory_space<semaphore_mem>>, %arg25: memref<!tpu.dma_semaphore, #tpu.memory_space<semaphore_mem>>, %arg26: memref<!tpu.dma_semaphore, #tpu.memory_space<semaphore_mem>>, %arg27: memref<!tpu.dma_semaphore, #tpu.memory_space<semaphore_mem>>, %arg28: memref<!tpu.dma_semaphore, #tpu.memory_space<semaphore_mem>>, %arg29: memref<!tpu.dma_semaphore, #tpu.memory_space<semaphore_mem>>, %arg30: memref<!tpu.dma_semaphore, #tpu.memory_space<semaphore_mem>>) attributes {dimension_semantics = [#tpu.dimension_semantics<core_parallel>, #tpu.dimension_semantics<subcore_parallel>], iteration_bounds = array<i64: 2, 16>, scalar_prefetch = 0 : i64, scratch_operands = 25 : i64, tpu.core_type = #tpu.core_type<sc_vector_subcore>, window_params = [{transform_indices = #map}, {transform_indices = #map1}, {transform_indices = #map1}, {transform_indices = #map}]} {
    %broadcast_in_dim3A = arith.constant 0.000000e+00 : f32
    %broadcast_in_dim3A_0 = vector.broadcast %broadcast_in_dim3A : f32 to vector<16xf32>
    %scan3A = arith.constant 0 : i32
    %scan3A_1 = arith.constant 0 : i32
    %scan3A_2 = arith.constant 640 : i32
    %scan3A_3 = arith.addi %scan3A_1, %scan3A_2 : i32
    %scan3A_4 = arith.constant 1 : i32
    %scan3A_5 = scf.for %scan3A_79 = %scan3A_1 to %scan3A_3 step %scan3A_4 iter_args(%scan3A_80 = %scan3A) -> (i32)  : i32 {
      %jit3A = arith.constant 8 : i32
      %div3A = arith.divsi %scan3A_79, %jit3A : i32
      %sign3A = arith.constant 0 : i32
      %sign3A_81 = arith.cmpi sgt, %scan3A_79, %sign3A : i32
      %sign3A_82 = arith.extui %sign3A_81 : i1 to i32
      %sign3A_83 = arith.constant 0 : i32
      %sign3A_84 = arith.cmpi slt, %scan3A_79, %sign3A_83 : i32
      %sign3A_85 = arith.extui %sign3A_84 : i1 to i32
      %sign3A_86 = arith.subi %sign3A_82, %sign3A_85 : i32
      %sign3A_87 = arith.constant 0 : i32
      %sign3A_88 = arith.cmpi sgt, %jit3A, %sign3A_87 : i32
      %sign3A_89 = arith.extui %sign3A_88 : i1 to i32
      %sign3A_90 = arith.constant 0 : i32
      %sign3A_91 = arith.cmpi slt, %jit3A, %sign3A_90 : i32
      %sign3A_92 = arith.extui %sign3A_91 : i1 to i32
      %sign3A_93 = arith.subi %sign3A_89, %sign3A_92 : i32
      %ne3A = arith.cmpi ne, %sign3A_86, %sign3A_93 : i32
      %rem3A = arith.remsi %scan3A_79, %jit3A : i32
      %ne3A_94 = arith.constant 0 : i32
      %ne3A_95 = arith.cmpi ne, %rem3A, %ne3A_94 : i32
      %and3A = arith.andi %ne3A, %ne3A_95 : i1
      %sub3A = arith.constant 1 : i32
      %sub3A_96 = arith.subi %div3A, %sub3A : i32
      %select_n3A = arith.select %and3A, %sub3A_96, %div3A : i32
      %jit3A_97 = arith.constant 8 : i32
      %eq3A = arith.constant 0 : i32
      %eq3A_98 = arith.cmpi eq, %jit3A_97, %eq3A : i32
      %jit3A_99 = arith.constant 1 : i32
      %select_n3A_100 = arith.select %eq3A_98, %jit3A_99, %jit3A_97 : i32
      %rem3A_101 = arith.remsi %scan3A_79, %select_n3A_100 : i32
      %ne3A_102 = arith.constant 0 : i32
      %ne3A_103 = arith.cmpi ne, %rem3A_101, %ne3A_102 : i32
      %lt3A = arith.constant 0 : i32
      %lt3A_104 = arith.cmpi slt, %rem3A_101, %lt3A : i32
      %lt3A_105 = arith.constant 0 : i32
      %lt3A_106 = arith.cmpi slt, %select_n3A_100, %lt3A_105 : i32
      %ne3A_107 = arith.xori %lt3A_104, %lt3A_106 : i1
      %and3A_108 = arith.andi %ne3A_107, %ne3A_103 : i1
      %add3A_109 = arith.addi %rem3A_101, %select_n3A_100 : i32
      %select_n3A_110 = arith.select %and3A_108, %add3A_109, %rem3A_101 : i32
      %mul3A_111 = arith.constant 16 : i32
      %mul3A_112 = arith.muli %select_n3A_110, %mul3A_111 : i32
      %swap3A = arith.index_cast %select_n3A : i32 to index
      %swap3A_113 = arith.index_cast %mul3A_112 : i32 to index
      %swap3A_114 = tpu.vector_load %arg14[%swap3A, %swap3A_113] {strides = array<i32>} : memref<80x128xf32, #tpu.memory_space<vmem>>, vector<16xf32>,
      tpu.vector_store %arg14[%swap3A, %swap3A_113], %broadcast_in_dim3A_0 {strides = array<i32>} : memref<80x128xf32, #tpu.memory_space<vmem>>, vector<16xf32>,
      %scan3A_115 = arith.constant 0 : i32
      scf.yield %scan3A_115 : i32
    }
    %scan3A_6 = arith.constant 640 : i32
    %scan3A_7 = arith.constant 0 : i32
    %scan3A_8 = arith.constant 0 : i32
    %scan3A_9 = arith.constant 8 : i32
    %scan3A_10 = arith.addi %scan3A_8, %scan3A_9 : i32
    %scan3A_11 = arith.constant 1 : i32
    %scan3A_12 = scf.for %scan3A_79 = %scan3A_8 to %scan3A_10 step %scan3A_11 iter_args(%scan3A_80 = %scan3A_7) -> (i32)  : i32 {
      %mul3A_81 = arith.constant 640 : i32
      %mul3A_82 = arith.muli %arg1, %mul3A_81 : i32
      %mul3A_83 = arith.constant 80 : i32
      %mul3A_84 = arith.muli %scan3A_79, %mul3A_83 : i32
      %add3A_85 = arith.addi %mul3A_82, %mul3A_84 : i32
      "tpu.region"() ({
        %run_scoped3A = tpu.sem_alloc : memref<!tpu.dma_semaphore, #tpu.memory_space<semaphore_mem>>
        %dma_start3A_87 = arith.constant 0 : i32
        %dma_start3A_88 = tpu.memref_slice %arg18[%add3A_85, %dma_start3A_87] : memref<10240x128xf32, #tpu.memory_space<vmem_shared>> -> memref<80x128xf32, #tpu.memory_space<vmem_shared>>
        %dma_start3A_89 = arith.constant 0 : i32
        %dma_start3A_90 = tpu.memref_slice %arg18[%add3A_85, %dma_start3A_89] : memref<10240x128xf32, #tpu.memory_space<vmem_shared>> -> memref<80x128xf32, #tpu.memory_space<vmem_shared>>
        tpu.enqueue_dma source(%arg14 : memref<80x128xf32, #tpu.memory_space<vmem>>) target(%dma_start3A_90 : memref<80x128xf32, #tpu.memory_space<vmem_shared>>) target_semaphore(%run_scoped3A : memref<!tpu.dma_semaphore, #tpu.memory_space<semaphore_mem>>)
        %dma_wait3A_91 = arith.constant 0 : i32
        %dma_wait3A_92 = tpu.memref_slice %arg18[%add3A_85, %dma_wait3A_91] : memref<10240x128xf32, #tpu.memory_space<vmem_shared>> -> memref<80x128xf32, #tpu.memory_space<vmem_shared>>
        %dma_wait3A_93 = arith.constant 0 : i32
        %dma_wait3A_94 = tpu.memref_slice %arg18[%add3A_85, %dma_wait3A_93] : memref<10240x128xf32, #tpu.memory_space<vmem_shared>> -> memref<80x128xf32, #tpu.memory_space<vmem_shared>>
        tpu.wait_dma2 semaphore(%run_scoped3A : memref<!tpu.dma_semaphore, #tpu.memory_space<semaphore_mem>>) src(%arg14 : memref<80x128xf32, #tpu.memory_space<vmem>>) dst(%dma_wait3A_94 : memref<80x128xf32, #tpu.memory_space<vmem_shared>>)
        tpu.yield
      }) : () -> ()
      %scan3A_86 = arith.constant 0 : i32
      scf.yield %scan3A_86 : i32
    }
    %scan3A_13 = arith.constant 8 : i32
    %barrier3A = arith.constant 0 : index
    tpu.barrier barrier_id(%barrier3A)
    %mul3A = arith.constant 322560 : i32
    %mul3A_14 = arith.muli %arg0, %mul3A : i32
    %mul3A_15 = arith.constant 20160 : i32
    %mul3A_16 = arith.muli %arg1, %mul3A_15 : i32
    %add3A = arith.addi %mul3A_14, %mul3A_16 : i32
    %add3A_17 = arith.constant 0 : i32
    %add3A_18 = arith.addi %add3A, %add3A_17 : i32
    %dma_start3A = tpu.memref_slice %arg3[%add3A_18] : memref<645120xi32, #tpu.memory_space<hbm>> -> memref<80xi32, #tpu.memory_space<hbm>>
    %dma_start3A_19 = tpu.memref_slice %arg3[%add3A_18] : memref<645120xi32, #tpu.memory_space<hbm>> -> memref<80xi32, #tpu.memory_space<hbm>>
    tpu.enqueue_dma source(%dma_start3A_19 : memref<80xi32, #tpu.memory_space<hbm>>) target(%arg6 : memref<80xi32, #tpu.memory_space<vmem>>) target_semaphore(%arg19 : memref<!tpu.dma_semaphore, #tpu.memory_space<semaphore_mem>>)
    %mul3A_20 = arith.constant 20160 : i32
    %mul3A_21 = arith.muli %arg1, %mul3A_20 : i32
    %add3A_22 = arith.constant 0 : i32
    %add3A_23 = arith.addi %mul3A_21, %add3A_22 : i32
    %dma_start3A_24 = tpu.memref_slice %arg4[%add3A_23] : memref<322560xi32, #tpu.memory_space<hbm>> -> memref<80xi32, #tpu.memory_space<hbm>>
    %dma_start3A_25 = tpu.memref_slice %arg4[%add3A_23] : memref<322560xi32, #tpu.memory_space<hbm>> -> memref<80xi32, #tpu.memory_space<hbm>>
    tpu.enqueue_dma source(%dma_start3A_25 : memref<80xi32, #tpu.memory_space<hbm>>) target(%arg10 : memref<80xi32, #tpu.memory_space<vmem>>) target_semaphore(%arg19 : memref<!tpu.dma_semaphore, #tpu.memory_space<semaphore_mem>>)
    %mul3A_26 = arith.constant 322560 : i32
    %mul3A_27 = arith.muli %arg0, %mul3A_26 : i32
    %mul3A_28 = arith.constant 20160 : i32
    %mul3A_29 = arith.muli %arg1, %mul3A_28 : i32
    %add3A_30 = arith.addi %mul3A_27, %mul3A_29 : i32
    %add3A_31 = arith.constant 80 : i32
    %add3A_32 = arith.addi %add3A_30, %add3A_31 : i32
    %dma_start3A_33 = tpu.memref_slice %arg3[%add3A_32] : memref<645120xi32, #tpu.memory_space<hbm>> -> memref<80xi32, #tpu.memory_space<hbm>>
    %dma_start3A_34 = tpu.memref_slice %arg3[%add3A_32] : memref<645120xi32, #tpu.memory_space<hbm>> -> memref<80xi32, #tpu.memory_space<hbm>>
    tpu.enqueue_dma source(%dma_start3A_34 : memref<80xi32, #tpu.memory_space<hbm>>) target(%arg7 : memref<80xi32, #tpu.memory_space<vmem>>) target_semaphore(%arg20 : memref<!tpu.dma_semaphore, #tpu.memory_space<semaphore_mem>>)
    %mul3A_35 = arith.constant 20160 : i32
    %mul3A_36 = arith.muli %arg1, %mul3A_35 : i32
    %add3A_37 = arith.constant 80 : i32
    %add3A_38 = arith.addi %mul3A_36, %add3A_37 : i32
    %dma_start3A_39 = tpu.memref_slice %arg4[%add3A_38] : memref<322560xi32, #tpu.memory_space<hbm>> -> memref<80xi32, #tpu.memory_space<hbm>>
    %dma_start3A_40 = tpu.memref_slice %arg4[%add3A_38] : memref<322560xi32, #tpu.memory_space<hbm>> -> memref<80xi32, #tpu.memory_space<hbm>>
    tpu.enqueue_dma source(%dma_start3A_40 : memref<80xi32, #tpu.memory_space<hbm>>) target(%arg11 : memref<80xi32, #tpu.memory_space<vmem>>) target_semaphore(%arg20 : memref<!tpu.dma_semaphore, #tpu.memory_space<semaphore_mem>>)
    %mul3A_41 = arith.constant 322560 : i32
    %mul3A_42 = arith.muli %arg0, %mul3A_41 : i32
    %mul3A_43 = arith.constant 20160 : i32
    %mul3A_44 = arith.muli %arg1, %mul3A_43 : i32
    %add3A_45 = arith.addi %mul3A_42, %mul3A_44 : i32
    %add3A_46 = arith.constant 0 : i32
    %add3A_47 = arith.addi %add3A_45, %add3A_46 : i32
    %dma_wait3A = tpu.memref_slice %arg3[%add3A_47] : memref<645120xi32, #tpu.memory_space<hbm>> -> memref<80xi32, #tpu.memory_space<hbm>>
    %dma_wait3A_48 = tpu.memref_slice %arg3[%add3A_47] : memref<645120xi32, #tpu.memory_space<hbm>> -> memref<80xi32, #tpu.memory_space<hbm>>
    tpu.wait_dma2 semaphore(%arg19 : memref<!tpu.dma_semaphore, #tpu.memory_space<semaphore_mem>>) src(%dma_wait3A_48 : memref<80xi32, #tpu.memory_space<hbm>>) dst(%arg6 : memref<80xi32, #tpu.memory_space<vmem>>)
    %mul3A_49 = arith.constant 20160 : i32
    %mul3A_50 = arith.muli %arg1, %mul3A_49 : i32
    %add3A_51 = arith.constant 0 : i32
    %add3A_52 = arith.addi %mul3A_50, %add3A_51 : i32
    %dma_wait3A_53 = tpu.memref_slice %arg4[%add3A_52] : memref<322560xi32, #tpu.memory_space<hbm>> -> memref<80xi32, #tpu.memory_space<hbm>>
    %dma_wait3A_54 = tpu.memref_slice %arg4[%add3A_52] : memref<322560xi32, #tpu.memory_space<hbm>> -> memref<80xi32, #tpu.memory_space<hbm>>
    tpu.wait_dma2 semaphore(%arg19 : memref<!tpu.dma_semaphore, #tpu.memory_space<semaphore_mem>>) src(%dma_wait3A_54 : memref<80xi32, #tpu.memory_space<hbm>>) dst(%arg10 : memref<80xi32, #tpu.memory_space<vmem>>)
    %dma_start3A_55 = arith.constant 0 : i32
    %dma_start3A_56 = arith.constant 0 : i32
    %dma_start3A_57 = tpu.memref_slice %arg2[%dma_start3A_55, %dma_start3A_56] : memref<20000x128xf32, #tpu.memory_space<hbm>> -> memref<20000x128xf32, #tpu.memory_space<hbm>>
    tpu.enqueue_indirect_dma source(%dma_start3A_57 : memref<20000x128xf32, #tpu.memory_space<hbm>>) target(%arg14 : memref<80x128xf32, #tpu.memory_space<vmem>>) offsets(%arg6 : memref<80xi32, #tpu.memory_space<vmem>>) semaphore(%arg23 : memref<!tpu.dma_semaphore, #tpu.memory_space<semaphore_mem>>)
    %scan3A_58 = arith.constant 0 : i32
    %scan3A_59 = arith.constant 0 : i32
    %scan3A_60 = arith.constant 63 : i32
    %scan3A_61 = arith.addi %scan3A_59, %scan3A_60 : i32
    %scan3A_62 = arith.constant 1 : i32
    %scan3A_63 = scf.for %scan3A_79 = %scan3A_59 to %scan3A_61 step %scan3A_62 iter_args(%scan3A_80 = %scan3A_58) -> (i32)  : i32 {
      %mul3A_81 = arith.constant 4 : i32
      %mul3A_82 = arith.muli %mul3A_81, %scan3A_79 : i32
      %add3A_83 = arith.constant 0 : i32
      %add3A_84 = arith.addi %mul3A_82, %add3A_83 : i32
      %ge3A = arith.constant 2 : i32
      %ge3A_85 = arith.cmpi sge, %add3A_84, %ge3A : i32
      %convert_element_type3A = arith.extui %ge3A_85 : i1 to i32
      %cond3A = arith.constant 0 : i32
      %cond3A_86 = arith.cmpi ne, %convert_element_type3A, %cond3A : i32
      scf.if %cond3A_86 {
        %dma_wait3A_194 = arith.constant 0 : i32
        %dma_wait3A_195 = arith.constant 0 : i32
        %dma_wait3A_196 = tpu.memref_slice %arg18[%dma_wait3A_194, %dma_wait3A_195] : memref<10240x128xf32, #tpu.memory_space<vmem_shared>> -> memref<10240x128xf32, #tpu.memory_space<vmem_shared>>
        tpu.wait_indirect_dma semaphore(%arg29 : memref<!tpu.dma_semaphore, #tpu.memory_space<semaphore_mem>>) src(%arg16 : memref<80x128xf32, #tpu.memory_space<vmem>>) dst(%dma_wait3A_196 : memref<10240x128xf32, #tpu.memory_space<vmem_shared>>)
      } else {
      }
      %add3A_87 = arith.constant 2 : i32
      %add3A_88 = arith.addi %add3A_84, %add3A_87 : i32
      %lt3A = arith.constant 252 : i32
      %lt3A_89 = arith.cmpi slt, %add3A_88, %lt3A : i32
      %convert_element_type3A_90 = arith.extui %lt3A_89 : i1 to i32
      %cond3A_91 = arith.constant 0 : i32
      %cond3A_92 = arith.cmpi ne, %convert_element_type3A_90, %cond3A_91 : i32
      scf.if %cond3A_92 {
        %add3A_194 = arith.constant 2 : i32
        %add3A_195 = arith.addi %add3A_84, %add3A_194 : i32
        %mul3A_196 = arith.constant 322560 : i32
        %mul3A_197 = arith.muli %arg0, %mul3A_196 : i32
        %mul3A_198 = arith.constant 20160 : i32
        %mul3A_199 = arith.muli %arg1, %mul3A_198 : i32
        %add3A_200 = arith.addi %mul3A_197, %mul3A_199 : i32
        %mul3A_201 = arith.constant 80 : i32
        %mul3A_202 = arith.muli %add3A_195, %mul3A_201 : i32
        %add3A_203 = arith.addi %add3A_200, %mul3A_202 : i32
        %dma_start3A_204 = tpu.memref_slice %arg3[%add3A_203] : memref<645120xi32, #tpu.memory_space<hbm>> -> memref<80xi32, #tpu.memory_space<hbm>>
        %dma_start3A_205 = tpu.memref_slice %arg3[%add3A_203] : memref<645120xi32, #tpu.memory_space<hbm>> -> memref<80xi32, #tpu.memory_space<hbm>>
        tpu.enqueue_dma source(%dma_start3A_205 : memref<80xi32, #tpu.memory_space<hbm>>) target(%arg8 : memref<80xi32, #tpu.memory_space<vmem>>) target_semaphore(%arg21 : memref<!tpu.dma_semaphore, #tpu.memory_space<semaphore_mem>>)
        %mul3A_206 = arith.constant 20160 : i32
        %mul3A_207 = arith.muli %arg1, %mul3A_206 : i32
        %mul3A_208 = arith.constant 80 : i32
        %mul3A_209 = arith.muli %add3A_195, %mul3A_208 : i32
        %add3A_210 = arith.addi %mul3A_207, %mul3A_209 : i32
        %dma_start3A_211 = tpu.memref_slice %arg4[%add3A_210] : memref<322560xi32, #tpu.memory_space<hbm>> -> memref<80xi32, #tpu.memory_space<hbm>>
        %dma_start3A_212 = tpu.memref_slice %arg4[%add3A_210] : memref<322560xi32, #tpu.memory_space<hbm>> -> memref<80xi32, #tpu.memory_space<hbm>>
        tpu.enqueue_dma source(%dma_start3A_212 : memref<80xi32, #tpu.memory_space<hbm>>) target(%arg12 : memref<80xi32, #tpu.memory_space<vmem>>) target_semaphore(%arg21 : memref<!tpu.dma_semaphore, #tpu.memory_space<semaphore_mem>>)
      } else {
      }
      %add3A_93 = arith.constant 1 : i32
      %add3A_94 = arith.addi %add3A_84, %add3A_93 : i32
      %lt3A_95 = arith.constant 252 : i32
      %lt3A_96 = arith.cmpi slt, %add3A_94, %lt3A_95 : i32
      %convert_element_type3A_97 = arith.extui %lt3A_96 : i1 to i32
      %cond3A_98 = arith.constant 0 : i32
      %cond3A_99 = arith.cmpi ne, %convert_element_type3A_97, %cond3A_98 : i32
      scf.if %cond3A_99 {
        %add3A_194 = arith.constant 1 : i32
        %add3A_195 = arith.addi %add3A_84, %add3A_194 : i32
        %mul3A_196 = arith.constant 322560 : i32
        %mul3A_197 = arith.muli %arg0, %mul3A_196 : i32
        %mul3A_198 = arith.constant 20160 : i32
        %mul3A_199 = arith.muli %arg1, %mul3A_198 : i32
        %add3A_200 = arith.addi %mul3A_197, %mul3A_199 : i32
        %mul3A_201 = arith.constant 80 : i32
        %mul3A_202 = arith.muli %add3A_195, %mul3A_201 : i32
        %add3A_203 = arith.addi %add3A_200, %mul3A_202 : i32
        %dma_wait3A_204 = tpu.memref_slice %arg3[%add3A_203] : memref<645120xi32, #tpu.memory_space<hbm>> -> memref<80xi32, #tpu.memory_space<hbm>>
        %dma_wait3A_205 = tpu.memref_slice %arg3[%add3A_203] : memref<645120xi32, #tpu.memory_space<hbm>> -> memref<80xi32, #tpu.memory_space<hbm>>
        tpu.wait_dma2 semaphore(%arg20 : memref<!tpu.dma_semaphore, #tpu.memory_space<semaphore_mem>>) src(%dma_wait3A_205 : memref<80xi32, #tpu.memory_space<hbm>>) dst(%arg7 : memref<80xi32, #tpu.memory_space<vmem>>)
        %mul3A_206 = arith.constant 20160 : i32
        %mul3A_207 = arith.muli %arg1, %mul3A_206 : i32
        %mul3A_208 = arith.constant 80 : i32
        %mul3A_209 = arith.muli %add3A_195, %mul3A_208 : i32
        %add3A_210 = arith.addi %mul3A_207, %mul3A_209 : i32
        %dma_wait3A_211 = tpu.memref_slice %arg4[%add3A_210] : memref<322560xi32, #tpu.memory_space<hbm>> -> memref<80xi32, #tpu.memory_space<hbm>>
        %dma_wait3A_212 = tpu.memref_slice %arg4[%add3A_210] : memref<322560xi32, #tpu.memory_space<hbm>> -> memref<80xi32, #tpu.memory_space<hbm>>
        tpu.wait_dma2 semaphore(%arg20 : memref<!tpu.dma_semaphore, #tpu.memory_space<semaphore_mem>>) src(%dma_wait3A_212 : memref<80xi32, #tpu.memory_space<hbm>>) dst(%arg11 : memref<80xi32, #tpu.memory_space<vmem>>)
        %dma_start3A_213 = arith.constant 0 : i32
        %dma_start3A_214 = arith.constant 0 : i32
        %dma_start3A_215 = tpu.memref_slice %arg2[%dma_start3A_213, %dma_start3A_214] : memref<20000x128xf32, #tpu.memory_space<hbm>> -> memref<20000x128xf32, #tpu.memory_space<hbm>>
        tpu.enqueue_indirect_dma source(%dma_start3A_215 : memref<20000x128xf32, #tpu.memory_space<hbm>>) target(%arg15 : memref<80x128xf32, #tpu.memory_space<vmem>>) offsets(%arg7 : memref<80xi32, #tpu.memory_space<vmem>>) semaphore(%arg24 : memref<!tpu.dma_semaphore, #tpu.memory_space<semaphore_mem>>)
      } else {
      }
      %dma_wait3A_100 = arith.constant 0 : i32
      %dma_wait3A_101 = arith.constant 0 : i32
      %dma_wait3A_102 = tpu.memref_slice %arg2[%dma_wait3A_100, %dma_wait3A_101] : memref<20000x128xf32, #tpu.memory_space<hbm>> -> memref<20000x128xf32, #tpu.memory_space<hbm>>
      tpu.wait_indirect_dma semaphore(%arg23 : memref<!tpu.dma_semaphore, #tpu.memory_space<semaphore_mem>>) src(%dma_wait3A_102 : memref<20000x128xf32, #tpu.memory_space<hbm>>) dst(%arg14 : memref<80x128xf32, #tpu.memory_space<vmem>>)
      %dma_start3A_103 = arith.constant 0 : i32
      %dma_start3A_104 = arith.constant 0 : i32
      %dma_start3A_105 = tpu.memref_slice %arg18[%dma_start3A_103, %dma_start3A_104] : memref<10240x128xf32, #tpu.memory_space<vmem_shared>> -> memref<10240x128xf32, #tpu.memory_space<vmem_shared>>
      tpu.enqueue_indirect_dma source(%arg14 : memref<80x128xf32, #tpu.memory_space<vmem>>) target(%dma_start3A_105 : memref<10240x128xf32, #tpu.memory_space<vmem_shared>>) offsets(%arg10 : memref<80xi32, #tpu.memory_space<vmem>>) semaphore(%arg27 : memref<!tpu.dma_semaphore, #tpu.memory_space<semaphore_mem>>) {add = true}
      %mul3A_106 = arith.constant 4 : i32
      %mul3A_107 = arith.muli %mul3A_106, %scan3A_79 : i32
      %add3A_108 = arith.constant 1 : i32
      %add3A_109 = arith.addi %mul3A_107, %add3A_108 : i32
      %ge3A_110 = arith.constant 2 : i32
      %ge3A_111 = arith.cmpi sge, %add3A_109, %ge3A_110 : i32
      %convert_element_type3A_112 = arith.extui %ge3A_111 : i1 to i32
      %cond3A_113 = arith.constant 0 : i32
      %cond3A_114 = arith.cmpi ne, %convert_element_type3A_112, %cond3A_113 : i32
      scf.if %cond3A_114 {
        %dma_wait3A_194 = arith.constant 0 : i32
        %dma_wait3A_195 = arith.constant 0 : i32
        %dma_wait3A_196 = tpu.memref_slice %arg18[%dma_wait3A_194, %dma_wait3A_195] : memref<10240x128xf32, #tpu.memory_space<vmem_shared>> -> memref<10240x128xf32, #tpu.memory_space<vmem_shared>>
        tpu.wait_indirect_dma semaphore(%arg30 : memref<!tpu.dma_semaphore, #tpu.memory_space<semaphore_mem>>) src(%arg17 : memref<80x128xf32, #tpu.memory_space<vmem>>) dst(%dma_wait3A_196 : memref<10240x128xf32, #tpu.memory_space<vmem_shared>>)
      } else {
      }
      %add3A_115 = arith.constant 2 : i32
      %add3A_116 = arith.addi %add3A_109, %add3A_115 : i32
      %lt3A_117 = arith.constant 252 : i32
      %lt3A_118 = arith.cmpi slt, %add3A_116, %lt3A_117 : i32
      %convert_element_type3A_119 = arith.extui %lt3A_118 : i1 to i32
      %cond3A_120 = arith.constant 0 : i32
      %cond3A_121 = arith.cmpi ne, %convert_element_type3A_119, %cond3A_120 : i32
      scf.if %cond3A_121 {
        %add3A_194 = arith.constant 2 : i32
        %add3A_195 = arith.addi %add3A_109, %add3A_194 : i32
        %mul3A_196 = arith.constant 322560 : i32
        %mul3A_197 = arith.muli %arg0, %mul3A_196 : i32
        %mul3A_198 = arith.constant 20160 : i32
        %mul3A_199 = arith.muli %arg1, %mul3A_198 : i32
        %add3A_200 = arith.addi %mul3A_197, %mul3A_199 : i32
        %mul3A_201 = arith.constant 80 : i32
        %mul3A_202 = arith.muli %add3A_195, %mul3A_201 : i32
        %add3A_203 = arith.addi %add3A_200, %mul3A_202 : i32
        %dma_start3A_204 = tpu.memref_slice %arg3[%add3A_203] : memref<645120xi32, #tpu.memory_space<hbm>> -> memref<80xi32, #tpu.memory_space<hbm>>
        %dma_start3A_205 = tpu.memref_slice %arg3[%add3A_203] : memref<645120xi32, #tpu.memory_space<hbm>> -> memref<80xi32, #tpu.memory_space<hbm>>
        tpu.enqueue_dma source(%dma_start3A_205 : memref<80xi32, #tpu.memory_space<hbm>>) target(%arg9 : memref<80xi32, #tpu.memory_space<vmem>>) target_semaphore(%arg22 : memref<!tpu.dma_semaphore, #tpu.memory_space<semaphore_mem>>)
        %mul3A_206 = arith.constant 20160 : i32
        %mul3A_207 = arith.muli %arg1, %mul3A_206 : i32
        %mul3A_208 = arith.constant 80 : i32
        %mul3A_209 = arith.muli %add3A_195, %mul3A_208 : i32
        %add3A_210 = arith.addi %mul3A_207, %mul3A_209 : i32
        %dma_start3A_211 = tpu.memref_slice %arg4[%add3A_210] : memref<322560xi32, #tpu.memory_space<hbm>> -> memref<80xi32, #tpu.memory_space<hbm>>
        %dma_start3A_212 = tpu.memref_slice %arg4[%add3A_210] : memref<322560xi32, #tpu.memory_space<hbm>> -> memref<80xi32, #tpu.memory_space<hbm>>
        tpu.enqueue_dma source(%dma_start3A_212 : memref<80xi32, #tpu.memory_space<hbm>>) target(%arg13 : memref<80xi32, #tpu.memory_space<vmem>>) target_semaphore(%arg22 : memref<!tpu.dma_semaphore, #tpu.memory_space<semaphore_mem>>)
      } else {
      }
      %add3A_122 = arith.constant 1 : i32
      %add3A_123 = arith.addi %add3A_109, %add3A_122 : i32
      %lt3A_124 = arith.constant 252 : i32
      %lt3A_125 = arith.cmpi slt, %add3A_123, %lt3A_124 : i32
      %convert_element_type3A_126 = arith.extui %lt3A_125 : i1 to i32
      %cond3A_127 = arith.constant 0 : i32
      %cond3A_128 = arith.cmpi ne, %convert_element_type3A_126, %cond3A_127 : i32
      scf.if %cond3A_128 {
        %add3A_194 = arith.constant 1 : i32
        %add3A_195 = arith.addi %add3A_109, %add3A_194 : i32
        %mul3A_196 = arith.constant 322560 : i32
        %mul3A_197 = arith.muli %arg0, %mul3A_196 : i32
        %mul3A_198 = arith.constant 20160 : i32
        %mul3A_199 = arith.muli %arg1, %mul3A_198 : i32
        %add3A_200 = arith.addi %mul3A_197, %mul3A_199 : i32
        %mul3A_201 = arith.constant 80 : i32
        %mul3A_202 = arith.muli %add3A_195, %mul3A_201 : i32
        %add3A_203 = arith.addi %add3A_200, %mul3A_202 : i32
        %dma_wait3A_204 = tpu.memref_slice %arg3[%add3A_203] : memref<645120xi32, #tpu.memory_space<hbm>> -> memref<80xi32, #tpu.memory_space<hbm>>
        %dma_wait3A_205 = tpu.memref_slice %arg3[%add3A_203] : memref<645120xi32, #tpu.memory_space<hbm>> -> memref<80xi32, #tpu.memory_space<hbm>>
        tpu.wait_dma2 semaphore(%arg21 : memref<!tpu.dma_semaphore, #tpu.memory_space<semaphore_mem>>) src(%dma_wait3A_205 : memref<80xi32, #tpu.memory_space<hbm>>) dst(%arg8 : memref<80xi32, #tpu.memory_space<vmem>>)
        %mul3A_206 = arith.constant 20160 : i32
        %mul3A_207 = arith.muli %arg1, %mul3A_206 : i32
        %mul3A_208 = arith.constant 80 : i32
        %mul3A_209 = arith.muli %add3A_195, %mul3A_208 : i32
        %add3A_210 = arith.addi %mul3A_207, %mul3A_209 : i32
        %dma_wait3A_211 = tpu.memref_slice %arg4[%add3A_210] : memref<322560xi32, #tpu.memory_space<hbm>> -> memref<80xi32, #tpu.memory_space<hbm>>
        %dma_wait3A_212 = tpu.memref_slice %arg4[%add3A_210] : memref<322560xi32, #tpu.memory_space<hbm>> -> memref<80xi32, #tpu.memory_space<hbm>>
        tpu.wait_dma2 semaphore(%arg21 : memref<!tpu.dma_semaphore, #tpu.memory_space<semaphore_mem>>) src(%dma_wait3A_212 : memref<80xi32, #tpu.memory_space<hbm>>) dst(%arg12 : memref<80xi32, #tpu.memory_space<vmem>>)
        %dma_start3A_213 = arith.constant 0 : i32
        %dma_start3A_214 = arith.constant 0 : i32
        %dma_start3A_215 = tpu.memref_slice %arg2[%dma_start3A_213, %dma_start3A_214] : memref<20000x128xf32, #tpu.memory_space<hbm>> -> memref<20000x128xf32, #tpu.memory_space<hbm>>
        tpu.enqueue_indirect_dma source(%dma_start3A_215 : memref<20000x128xf32, #tpu.memory_space<hbm>>) target(%arg16 : memref<80x128xf32, #tpu.memory_space<vmem>>) offsets(%arg8 : memref<80xi32, #tpu.memory_space<vmem>>) semaphore(%arg25 : memref<!tpu.dma_semaphore, #tpu.memory_space<semaphore_mem>>)
      } else {
      }
      %dma_wait3A_129 = arith.constant 0 : i32
      %dma_wait3A_130 = arith.constant 0 : i32
      %dma_wait3A_131 = tpu.memref_slice %arg2[%dma_wait3A_129, %dma_wait3A_130] : memref<20000x128xf32, #tpu.memory_space<hbm>> -> memref<20000x128xf32, #tpu.memory_space<hbm>>
      tpu.wait_indirect_dma semaphore(%arg24 : memref<!tpu.dma_semaphore, #tpu.memory_space<semaphore_mem>>) src(%dma_wait3A_131 : memref<20000x128xf32, #tpu.memory_space<hbm>>) dst(%arg15 : memref<80x128xf32, #tpu.memory_space<vmem>>)
      %dma_start3A_132 = arith.constant 0 : i32
      %dma_start3A_133 = arith.constant 0 : i32
      %dma_start3A_134 = tpu.memref_slice %arg18[%dma_start3A_132, %dma_start3A_133] : memref<10240x128xf32, #tpu.memory_space<vmem_shared>> -> memref<10240x128xf32, #tpu.memory_space<vmem_shared>>
      tpu.enqueue_indirect_dma source(%arg15 : memref<80x128xf32, #tpu.memory_space<vmem>>) target(%dma_start3A_134 : memref<10240x128xf32, #tpu.memory_space<vmem_shared>>) offsets(%arg11 : memref<80xi32, #tpu.memory_space<vmem>>) semaphore(%arg28 : memref<!tpu.dma_semaphore, #tpu.memory_space<semaphore_mem>>) {add = true}
      %mul3A_135 = arith.constant 4 : i32
      %mul3A_136 = arith.muli %mul3A_135, %scan3A_79 : i32
      %add3A_137 = arith.constant 2 : i32
      %add3A_138 = arith.addi %mul3A_136, %add3A_137 : i32
      %ge3A_139 = arith.constant 2 : i32
      %ge3A_140 = arith.cmpi sge, %add3A_138, %ge3A_139 : i32
      %convert_element_type3A_141 = arith.extui %ge3A_140 : i1 to i32
      %cond3A_142 = arith.constant 0 : i32
      %cond3A_143 = arith.cmpi ne, %convert_element_type3A_141, %cond3A_142 : i32
      scf.if %cond3A_143 {
        %dma_wait3A_194 = arith.constant 0 : i32
        %dma_wait3A_195 = arith.constant 0 : i32
        %dma_wait3A_196 = tpu.memref_slice %arg18[%dma_wait3A_194, %dma_wait3A_195] : memref<10240x128xf32, #tpu.memory_space<vmem_shared>> -> memref<10240x128xf32, #tpu.memory_space<vmem_shared>>
        tpu.wait_indirect_dma semaphore(%arg27 : memref<!tpu.dma_semaphore, #tpu.memory_space<semaphore_mem>>) src(%arg14 : memref<80x128xf32, #tpu.memory_space<vmem>>) dst(%dma_wait3A_196 : memref<10240x128xf32, #tpu.memory_space<vmem_shared>>)
      } else {
      }
      %add3A_144 = arith.constant 2 : i32
      %add3A_145 = arith.addi %add3A_138, %add3A_144 : i32
      %lt3A_146 = arith.constant 252 : i32
      %lt3A_147 = arith.cmpi slt, %add3A_145, %lt3A_146 : i32
      %convert_element_type3A_148 = arith.extui %lt3A_147 : i1 to i32
      %cond3A_149 = arith.constant 0 : i32
      %cond3A_150 = arith.cmpi ne, %convert_element_type3A_148, %cond3A_149 : i32
      scf.if %cond3A_150 {
        %add3A_194 = arith.constant 2 : i32
        %add3A_195 = arith.addi %add3A_138, %add3A_194 : i32
        %mul3A_196 = arith.constant 322560 : i32
        %mul3A_197 = arith.muli %arg0, %mul3A_196 : i32
        %mul3A_198 = arith.constant 20160 : i32
        %mul3A_199 = arith.muli %arg1, %mul3A_198 : i32
        %add3A_200 = arith.addi %mul3A_197, %mul3A_199 : i32
        %mul3A_201 = arith.constant 80 : i32
        %mul3A_202 = arith.muli %add3A_195, %mul3A_201 : i32
        %add3A_203 = arith.addi %add3A_200, %mul3A_202 : i32
        %dma_start3A_204 = tpu.memref_slice %arg3[%add3A_203] : memref<645120xi32, #tpu.memory_space<hbm>> -> memref<80xi32, #tpu.memory_space<hbm>>
        %dma_start3A_205 = tpu.memref_slice %arg3[%add3A_203] : memref<645120xi32, #tpu.memory_space<hbm>> -> memref<80xi32, #tpu.memory_space<hbm>>
        tpu.enqueue_dma source(%dma_start3A_205 : memref<80xi32, #tpu.memory_space<hbm>>) target(%arg6 : memref<80xi32, #tpu.memory_space<vmem>>) target_semaphore(%arg19 : memref<!tpu.dma_semaphore, #tpu.memory_space<semaphore_mem>>)
        %mul3A_206 = arith.constant 20160 : i32
        %mul3A_207 = arith.muli %arg1, %mul3A_206 : i32
        %mul3A_208 = arith.constant 80 : i32
        %mul3A_209 = arith.muli %add3A_195, %mul3A_208 : i32
        %add3A_210 = arith.addi %mul3A_207, %mul3A_209 : i32
        %dma_start3A_211 = tpu.memref_slice %arg4[%add3A_210] : memref<322560xi32, #tpu.memory_space<hbm>> -> memref<80xi32, #tpu.memory_space<hbm>>
        %dma_start3A_212 = tpu.memref_slice %arg4[%add3A_210] : memref<322560xi32, #tpu.memory_space<hbm>> -> memref<80xi32, #tpu.memory_space<hbm>>
        tpu.enqueue_dma source(%dma_start3A_212 : memref<80xi32, #tpu.memory_space<hbm>>) target(%arg10 : memref<80xi32, #tpu.memory_space<vmem>>) target_semaphore(%arg19 : memref<!tpu.dma_semaphore, #tpu.memory_space<semaphore_mem>>)
      } else {
      }
      %add3A_151 = arith.constant 1 : i32
      %add3A_152 = arith.addi %add3A_138, %add3A_151 : i32
      %lt3A_153 = arith.constant 252 : i32
      %lt3A_154 = arith.cmpi slt, %add3A_152, %lt3A_153 : i32
      %convert_element_type3A_155 = arith.extui %lt3A_154 : i1 to i32
      %cond3A_156 = arith.constant 0 : i32
      %cond3A_157 = arith.cmpi ne, %convert_element_type3A_155, %cond3A_156 : i32
      scf.if %cond3A_157 {
        %add3A_194 = arith.constant 1 : i32
        %add3A_195 = arith.addi %add3A_138, %add3A_194 : i32
        %mul3A_196 = arith.constant 322560 : i32
        %mul3A_197 = arith.muli %arg0, %mul3A_196 : i32
        %mul3A_198 = arith.constant 20160 : i32
        %mul3A_199 = arith.muli %arg1, %mul3A_198 : i32
        %add3A_200 = arith.addi %mul3A_197, %mul3A_199 : i32
        %mul3A_201 = arith.constant 80 : i32
        %mul3A_202 = arith.muli %add3A_195, %mul3A_201 : i32
        %add3A_203 = arith.addi %add3A_200, %mul3A_202 : i32
        %dma_wait3A_204 = tpu.memref_slice %arg3[%add3A_203] : memref<645120xi32, #tpu.memory_space<hbm>> -> memref<80xi32, #tpu.memory_space<hbm>>
        %dma_wait3A_205 = tpu.memref_slice %arg3[%add3A_203] : memref<645120xi32, #tpu.memory_space<hbm>> -> memref<80xi32, #tpu.memory_space<hbm>>
        tpu.wait_dma2 semaphore(%arg22 : memref<!tpu.dma_semaphore, #tpu.memory_space<semaphore_mem>>) src(%dma_wait3A_205 : memref<80xi32, #tpu.memory_space<hbm>>) dst(%arg9 : memref<80xi32, #tpu.memory_space<vmem>>)
        %mul3A_206 = arith.constant 20160 : i32
        %mul3A_207 = arith.muli %arg1, %mul3A_206 : i32
        %mul3A_208 = arith.constant 80 : i32
        %mul3A_209 = arith.muli %add3A_195, %mul3A_208 : i32
        %add3A_210 = arith.addi %mul3A_207, %mul3A_209 : i32
        %dma_wait3A_211 = tpu.memref_slice %arg4[%add3A_210] : memref<322560xi32, #tpu.memory_space<hbm>> -> memref<80xi32, #tpu.memory_space<hbm>>
        %dma_wait3A_212 = tpu.memref_slice %arg4[%add3A_210] : memref<322560xi32, #tpu.memory_space<hbm>> -> memref<80xi32, #tpu.memory_space<hbm>>
        tpu.wait_dma2 semaphore(%arg22 : memref<!tpu.dma_semaphore, #tpu.memory_space<semaphore_mem>>) src(%dma_wait3A_212 : memref<80xi32, #tpu.memory_space<hbm>>) dst(%arg13 : memref<80xi32, #tpu.memory_space<vmem>>)
        %dma_start3A_213 = arith.constant 0 : i32
        %dma_start3A_214 = arith.constant 0 : i32
        %dma_start3A_215 = tpu.memref_slice %arg2[%dma_start3A_213, %dma_start3A_214] : memref<20000x128xf32, #tpu.memory_space<hbm>> -> memref<20000x128xf32, #tpu.memory_space<hbm>>
        tpu.enqueue_indirect_dma source(%dma_start3A_215 : memref<20000x128xf32, #tpu.memory_space<hbm>>) target(%arg17 : memref<80x128xf32, #tpu.memory_space<vmem>>) offsets(%arg9 : memref<80xi32, #tpu.memory_space<vmem>>) semaphore(%arg26 : memref<!tpu.dma_semaphore, #tpu.memory_space<semaphore_mem>>)
      } else {
      }
      %dma_wait3A_158 = arith.constant 0 : i32
      %dma_wait3A_159 = arith.constant 0 : i32
      %dma_wait3A_160 = tpu.memref_slice %arg2[%dma_wait3A_158, %dma_wait3A_159] : memref<20000x128xf32, #tpu.memory_space<hbm>> -> memref<20000x128xf32, #tpu.memory_space<hbm>>
      tpu.wait_indirect_dma semaphore(%arg25 : memref<!tpu.dma_semaphore, #tpu.memory_space<semaphore_mem>>) src(%dma_wait3A_160 : memref<20000x128xf32, #tpu.memory_space<hbm>>) dst(%arg16 : memref<80x128xf32, #tpu.memory_space<vmem>>)
      %dma_start3A_161 = arith.constant 0 : i32
      %dma_start3A_162 = arith.constant 0 : i32
      %dma_start3A_163 = tpu.memref_slice %arg18[%dma_start3A_161, %dma_start3A_162] : memref<10240x128xf32, #tpu.memory_space<vmem_shared>> -> memref<10240x128xf32, #tpu.memory_space<vmem_shared>>
      tpu.enqueue_indirect_dma source(%arg16 : memref<80x128xf32, #tpu.memory_space<vmem>>) target(%dma_start3A_163 : memref<10240x128xf32, #tpu.memory_space<vmem_shared>>) offsets(%arg12 : memref<80xi32, #tpu.memory_space<vmem>>) semaphore(%arg29 : memref<!tpu.dma_semaphore, #tpu.memory_space<semaphore_mem>>) {add = true}
      %mul3A_164 = arith.constant 4 : i32
      %mul3A_165 = arith.muli %mul3A_164, %scan3A_79 : i32
      %add3A_166 = arith.constant 3 : i32
      %add3A_167 = arith.addi %mul3A_165, %add3A_166 : i32
      %ge3A_168 = arith.constant 2 : i32
      %ge3A_169 = arith.cmpi sge, %add3A_167, %ge3A_168 : i32
      %convert_element_type3A_170 = arith.extui %ge3A_169 : i1 to i32
      %cond3A_171 = arith.constant 0 : i32
      %cond3A_172 = arith.cmpi ne, %convert_element_type3A_170, %cond3A_171 : i32
      scf.if %cond3A_172 {
        %dma_wait3A_194 = arith.constant 0 : i32
        %dma_wait3A_195 = arith.constant 0 : i32
        %dma_wait3A_196 = tpu.memref_slice %arg18[%dma_wait3A_194, %dma_wait3A_195] : memref<10240x128xf32, #tpu.memory_space<vmem_shared>> -> memref<10240x128xf32, #tpu.memory_space<vmem_shared>>
        tpu.wait_indirect_dma semaphore(%arg28 : memref<!tpu.dma_semaphore, #tpu.memory_space<semaphore_mem>>) src(%arg15 : memref<80x128xf32, #tpu.memory_space<vmem>>) dst(%dma_wait3A_196 : memref<10240x128xf32, #tpu.memory_space<vmem_shared>>)
      } else {
      }
      %add3A_173 = arith.constant 2 : i32
      %add3A_174 = arith.addi %add3A_167, %add3A_173 : i32
      %lt3A_175 = arith.constant 252 : i32
      %lt3A_176 = arith.cmpi slt, %add3A_174, %lt3A_175 : i32
      %convert_element_type3A_177 = arith.extui %lt3A_176 : i1 to i32
      %cond3A_178 = arith.constant 0 : i32
      %cond3A_179 = arith.cmpi ne, %convert_element_type3A_177, %cond3A_178 : i32
      scf.if %cond3A_179 {
        %add3A_194 = arith.constant 2 : i32
        %add3A_195 = arith.addi %add3A_167, %add3A_194 : i32
        %mul3A_196 = arith.constant 322560 : i32
        %mul3A_197 = arith.muli %arg0, %mul3A_196 : i32
        %mul3A_198 = arith.constant 20160 : i32
        %mul3A_199 = arith.muli %arg1, %mul3A_198 : i32
        %add3A_200 = arith.addi %mul3A_197, %mul3A_199 : i32
        %mul3A_201 = arith.constant 80 : i32
        %mul3A_202 = arith.muli %add3A_195, %mul3A_201 : i32
        %add3A_203 = arith.addi %add3A_200, %mul3A_202 : i32
        %dma_start3A_204 = tpu.memref_slice %arg3[%add3A_203] : memref<645120xi32, #tpu.memory_space<hbm>> -> memref<80xi32, #tpu.memory_space<hbm>>
        %dma_start3A_205 = tpu.memref_slice %arg3[%add3A_203] : memref<645120xi32, #tpu.memory_space<hbm>> -> memref<80xi32, #tpu.memory_space<hbm>>
        tpu.enqueue_dma source(%dma_start3A_205 : memref<80xi32, #tpu.memory_space<hbm>>) target(%arg7 : memref<80xi32, #tpu.memory_space<vmem>>) target_semaphore(%arg20 : memref<!tpu.dma_semaphore, #tpu.memory_space<semaphore_mem>>)
        %mul3A_206 = arith.constant 20160 : i32
        %mul3A_207 = arith.muli %arg1, %mul3A_206 : i32
        %mul3A_208 = arith.constant 80 : i32
        %mul3A_209 = arith.muli %add3A_195, %mul3A_208 : i32
        %add3A_210 = arith.addi %mul3A_207, %mul3A_209 : i32
        %dma_start3A_211 = tpu.memref_slice %arg4[%add3A_210] : memref<322560xi32, #tpu.memory_space<hbm>> -> memref<80xi32, #tpu.memory_space<hbm>>
        %dma_start3A_212 = tpu.memref_slice %arg4[%add3A_210] : memref<322560xi32, #tpu.memory_space<hbm>> -> memref<80xi32, #tpu.memory_space<hbm>>
        tpu.enqueue_dma source(%dma_start3A_212 : memref<80xi32, #tpu.memory_space<hbm>>) target(%arg11 : memref<80xi32, #tpu.memory_space<vmem>>) target_semaphore(%arg20 : memref<!tpu.dma_semaphore, #tpu.memory_space<semaphore_mem>>)
      } else {
      }
      %add3A_180 = arith.constant 1 : i32
      %add3A_181 = arith.addi %add3A_167, %add3A_180 : i32
      %lt3A_182 = arith.constant 252 : i32
      %lt3A_183 = arith.cmpi slt, %add3A_181, %lt3A_182 : i32
      %convert_element_type3A_184 = arith.extui %lt3A_183 : i1 to i32
      %cond3A_185 = arith.constant 0 : i32
      %cond3A_186 = arith.cmpi ne, %convert_element_type3A_184, %cond3A_185 : i32
      scf.if %cond3A_186 {
        %add3A_194 = arith.constant 1 : i32
        %add3A_195 = arith.addi %add3A_167, %add3A_194 : i32
        %mul3A_196 = arith.constant 322560 : i32
        %mul3A_197 = arith.muli %arg0, %mul3A_196 : i32
        %mul3A_198 = arith.constant 20160 : i32
        %mul3A_199 = arith.muli %arg1, %mul3A_198 : i32
        %add3A_200 = arith.addi %mul3A_197, %mul3A_199 : i32
        %mul3A_201 = arith.constant 80 : i32
        %mul3A_202 = arith.muli %add3A_195, %mul3A_201 : i32
        %add3A_203 = arith.addi %add3A_200, %mul3A_202 : i32
        %dma_wait3A_204 = tpu.memref_slice %arg3[%add3A_203] : memref<645120xi32, #tpu.memory_space<hbm>> -> memref<80xi32, #tpu.memory_space<hbm>>
        %dma_wait3A_205 = tpu.memref_slice %arg3[%add3A_203] : memref<645120xi32, #tpu.memory_space<hbm>> -> memref<80xi32, #tpu.memory_space<hbm>>
        tpu.wait_dma2 semaphore(%arg19 : memref<!tpu.dma_semaphore, #tpu.memory_space<semaphore_mem>>) src(%dma_wait3A_205 : memref<80xi32, #tpu.memory_space<hbm>>) dst(%arg6 : memref<80xi32, #tpu.memory_space<vmem>>)
        %mul3A_206 = arith.constant 20160 : i32
        %mul3A_207 = arith.muli %arg1, %mul3A_206 : i32
        %mul3A_208 = arith.constant 80 : i32
        %mul3A_209 = arith.muli %add3A_195, %mul3A_208 : i32
        %add3A_210 = arith.addi %mul3A_207, %mul3A_209 : i32
        %dma_wait3A_211 = tpu.memref_slice %arg4[%add3A_210] : memref<322560xi32, #tpu.memory_space<hbm>> -> memref<80xi32, #tpu.memory_space<hbm>>
        %dma_wait3A_212 = tpu.memref_slice %arg4[%add3A_210] : memref<322560xi32, #tpu.memory_space<hbm>> -> memref<80xi32, #tpu.memory_space<hbm>>
        tpu.wait_dma2 semaphore(%arg19 : memref<!tpu.dma_semaphore, #tpu.memory_space<semaphore_mem>>) src(%dma_wait3A_212 : memref<80xi32, #tpu.memory_space<hbm>>) dst(%arg10 : memref<80xi32, #tpu.memory_space<vmem>>)
        %dma_start3A_213 = arith.constant 0 : i32
        %dma_start3A_214 = arith.constant 0 : i32
        %dma_start3A_215 = tpu.memref_slice %arg2[%dma_start3A_213, %dma_start3A_214] : memref<20000x128xf32, #tpu.memory_space<hbm>> -> memref<20000x128xf32, #tpu.memory_space<hbm>>
        tpu.enqueue_indirect_dma source(%dma_start3A_215 : memref<20000x128xf32, #tpu.memory_space<hbm>>) target(%arg14 : memref<80x128xf32, #tpu.memory_space<vmem>>) offsets(%arg6 : memref<80xi32, #tpu.memory_space<vmem>>) semaphore(%arg23 : memref<!tpu.dma_semaphore, #tpu.memory_space<semaphore_mem>>)
      } else {
      }
      %dma_wait3A_187 = arith.constant 0 : i32
      %dma_wait3A_188 = arith.constant 0 : i32
      %dma_wait3A_189 = tpu.memref_slice %arg2[%dma_wait3A_187, %dma_wait3A_188] : memref<20000x128xf32, #tpu.memory_space<hbm>> -> memref<20000x128xf32, #tpu.memory_space<hbm>>
      tpu.wait_indirect_dma semaphore(%arg26 : memref<!tpu.dma_semaphore, #tpu.memory_space<semaphore_mem>>) src(%dma_wait3A_189 : memref<20000x128xf32, #tpu.memory_space<hbm>>) dst(%arg17 : memref<80x128xf32, #tpu.memory_space<vmem>>)
      %dma_start3A_190 = arith.constant 0 : i32
      %dma_start3A_191 = arith.constant 0 : i32
      %dma_start3A_192 = tpu.memref_slice %arg18[%dma_start3A_190, %dma_start3A_191] : memref<10240x128xf32, #tpu.memory_space<vmem_shared>> -> memref<10240x128xf32, #tpu.memory_space<vmem_shared>>
      tpu.enqueue_indirect_dma source(%arg17 : memref<80x128xf32, #tpu.memory_space<vmem>>) target(%dma_start3A_192 : memref<10240x128xf32, #tpu.memory_space<vmem_shared>>) offsets(%arg13 : memref<80xi32, #tpu.memory_space<vmem>>) semaphore(%arg30 : memref<!tpu.dma_semaphore, #tpu.memory_space<semaphore_mem>>) {add = true}
      %scan3A_193 = arith.constant 0 : i32
      scf.yield %scan3A_193 : i32
    }
    %scan3A_64 = arith.constant 63 : i32
    %dma_wait3A_65 = arith.constant 0 : i32
    %dma_wait3A_66 = arith.constant 0 : i32
    %dma_wait3A_67 = tpu.memref_slice %arg18[%dma_wait3A_65, %dma_wait3A_66] : memref<10240x128xf32, #tpu.memory_space<vmem_shared>> -> memref<10240x128xf32, #tpu.memory_space<vmem_shared>>
    tpu.wait_indirect_dma semaphore(%arg29 : memref<!tpu.dma_semaphore, #tpu.memory_space<semaphore_mem>>) src(%arg16 : memref<80x128xf32, #tpu.memory_space<vmem>>) dst(%dma_wait3A_67 : memref<10240x128xf32, #tpu.memory_space<vmem_shared>>)
    %dma_wait3A_68 = arith.constant 0 : i32
    %dma_wait3A_69 = arith.constant 0 : i32
    %dma_wait3A_70 = tpu.memref_slice %arg18[%dma_wait3A_68, %dma_wait3A_69] : memref<10240x128xf32, #tpu.memory_space<vmem_shared>> -> memref<10240x128xf32, #tpu.memory_space<vmem_shared>>
    tpu.wait_indirect_dma semaphore(%arg30 : memref<!tpu.dma_semaphore, #tpu.memory_space<semaphore_mem>>) src(%arg17 : memref<80x128xf32, #tpu.memory_space<vmem>>) dst(%dma_wait3A_70 : memref<10240x128xf32, #tpu.memory_space<vmem_shared>>)
    %barrier3A_71 = arith.constant 0 : index
    tpu.barrier barrier_id(%barrier3A_71)
    %scan3A_72 = arith.constant 0 : i32
    %scan3A_73 = arith.constant 0 : i32
    %scan3A_74 = arith.constant 8 : i32
    %scan3A_75 = arith.addi %scan3A_73, %scan3A_74 : i32
    %scan3A_76 = arith.constant 1 : i32
    %scan3A_77 = scf.for %scan3A_79 = %scan3A_73 to %scan3A_75 step %scan3A_76 iter_args(%scan3A_80 = %scan3A_72) -> (i32)  : i32 {
      %mul3A_81 = arith.constant 640 : i32
      %mul3A_82 = arith.muli %arg1, %mul3A_81 : i32
      %mul3A_83 = arith.constant 80 : i32
      %mul3A_84 = arith.muli %scan3A_79, %mul3A_83 : i32
      %add3A_85 = arith.addi %mul3A_82, %mul3A_84 : i32
      "tpu.region"() ({
        %run_scoped3A = tpu.sem_alloc : memref<!tpu.dma_semaphore, #tpu.memory_space<semaphore_mem>>
        %dma_start3A_90 = arith.constant 0 : i32
        %dma_start3A_91 = tpu.memref_slice %arg18[%add3A_85, %dma_start3A_90] : memref<10240x128xf32, #tpu.memory_space<vmem_shared>> -> memref<80x128xf32, #tpu.memory_space<vmem_shared>>
        %dma_start3A_92 = arith.constant 0 : i32
        %dma_start3A_93 = tpu.memref_slice %arg18[%add3A_85, %dma_start3A_92] : memref<10240x128xf32, #tpu.memory_space<vmem_shared>> -> memref<80x128xf32, #tpu.memory_space<vmem_shared>>
        tpu.enqueue_dma source(%dma_start3A_93 : memref<80x128xf32, #tpu.memory_space<vmem_shared>>) target(%arg14 : memref<80x128xf32, #tpu.memory_space<vmem>>) target_semaphore(%run_scoped3A : memref<!tpu.dma_semaphore, #tpu.memory_space<semaphore_mem>>)
        %dma_wait3A_94 = arith.constant 0 : i32
        %dma_wait3A_95 = tpu.memref_slice %arg18[%add3A_85, %dma_wait3A_94] : memref<10240x128xf32, #tpu.memory_space<vmem_shared>> -> memref<80x128xf32, #tpu.memory_space<vmem_shared>>
        %dma_wait3A_96 = arith.constant 0 : i32
        %dma_wait3A_97 = tpu.memref_slice %arg18[%add3A_85, %dma_wait3A_96] : memref<10240x128xf32, #tpu.memory_space<vmem_shared>> -> memref<80x128xf32, #tpu.memory_space<vmem_shared>>
        tpu.wait_dma2 semaphore(%run_scoped3A : memref<!tpu.dma_semaphore, #tpu.memory_space<semaphore_mem>>) src(%dma_wait3A_97 : memref<80x128xf32, #tpu.memory_space<vmem_shared>>) dst(%arg14 : memref<80x128xf32, #tpu.memory_space<vmem>>)
        tpu.yield
      }) : () -> ()
      %mul3A_86 = arith.constant 10240 : i32
      %mul3A_87 = arith.muli %arg0, %mul3A_86 : i32
      %add3A_88 = arith.addi %mul3A_87, %add3A_85 : i32
      "tpu.region"() ({
        %run_scoped3A = tpu.sem_alloc : memref<!tpu.dma_semaphore, #tpu.memory_space<semaphore_mem>>
        %dma_start3A_90 = arith.constant 0 : i32
        %dma_start3A_91 = tpu.memref_slice %arg5[%add3A_88, %dma_start3A_90] : memref<20480x128xf32, #tpu.memory_space<hbm>> -> memref<80x128xf32, #tpu.memory_space<hbm>>
        %dma_start3A_92 = arith.constant 0 : i32
        %dma_start3A_93 = tpu.memref_slice %arg5[%add3A_88, %dma_start3A_92] : memref<20480x128xf32, #tpu.memory_space<hbm>> -> memref<80x128xf32, #tpu.memory_space<hbm>>
        tpu.enqueue_dma source(%arg14 : memref<80x128xf32, #tpu.memory_space<vmem>>) target(%dma_start3A_93 : memref<80x128xf32, #tpu.memory_space<hbm>>) target_semaphore(%run_scoped3A : memref<!tpu.dma_semaphore, #tpu.memory_space<semaphore_mem>>)
        %dma_wait3A_94 = arith.constant 0 : i32
        %dma_wait3A_95 = tpu.memref_slice %arg5[%add3A_88, %dma_wait3A_94] : memref<20480x128xf32, #tpu.memory_space<hbm>> -> memref<80x128xf32, #tpu.memory_space<hbm>>
        %dma_wait3A_96 = arith.constant 0 : i32
        %dma_wait3A_97 = tpu.memref_slice %arg5[%add3A_88, %dma_wait3A_96] : memref<20480x128xf32, #tpu.memory_space<hbm>> -> memref<80x128xf32, #tpu.memory_space<hbm>>
        tpu.wait_dma2 semaphore(%run_scoped3A : memref<!tpu.dma_semaphore, #tpu.memory_space<semaphore_mem>>) src(%arg14 : memref<80x128xf32, #tpu.memory_space<vmem>>) dst(%dma_wait3A_97 : memref<80x128xf32, #tpu.memory_space<hbm>>)
        tpu.yield
      }) : () -> ()
      %scan3A_89 = arith.constant 0 : i32
      scf.yield %scan3A_89 : i32
    }
    %scan3A_78 = arith.constant 8 : i32
    return
  }
}

#map = affine_map<(d0, d1) -> (0)>
module attributes {stable_mosaic.version = 14 : i64} {
  func.func @_agg1_body(%arg0: i32, %arg1: i32, %arg2: memref<10240xf32, #tpu.memory_space<hbm>>, %arg3: memref<320000xi32, #tpu.memory_space<hbm>>, %arg4: memref<320000xi32, #tpu.memory_space<hbm>>, %arg5: memref<20480xf32, #tpu.memory_space<hbm>>, %arg6: memref<10240xf32, #tpu.memory_space<vmem>>, %arg7: memref<10000xi32, #tpu.memory_space<vmem>>, %arg8: memref<10000xi32, #tpu.memory_space<vmem>>, %arg9: memref<10240xf32, #tpu.memory_space<vmem>>, %arg10: memref<640xf32, #tpu.memory_space<vmem>>, %arg11: memref<640xf32, #tpu.memory_space<vmem>>, %arg12: memref<16x10240xf32, #tpu.memory_space<vmem_shared>>) attributes {dimension_semantics = [#tpu.dimension_semantics<core_parallel>, #tpu.dimension_semantics<subcore_parallel>], iteration_bounds = array<i64: 2, 16>, scalar_prefetch = 0 : i64, scratch_operands = 7 : i64, tpu.core_type = #tpu.core_type<sc_vector_subcore>, window_params = [{transform_indices = #map}, {transform_indices = #map}, {transform_indices = #map}, {transform_indices = #map}]} {
    %mul3A = arith.constant 16 : i32
    %mul3A_0 = arith.muli %arg0, %mul3A : i32
    %add3A = arith.addi %mul3A_0, %arg1 : i32
    "tpu.region"() ({
      %run_scoped3A_33 = tpu.sem_alloc : memref<!tpu.dma_semaphore, #tpu.memory_space<semaphore_mem>>
      tpu.enqueue_dma source(%arg2 : memref<10240xf32, #tpu.memory_space<hbm>>) target(%arg6 : memref<10240xf32, #tpu.memory_space<vmem>>) target_semaphore(%run_scoped3A_33 : memref<!tpu.dma_semaphore, #tpu.memory_space<semaphore_mem>>)
      tpu.wait_dma2 semaphore(%run_scoped3A_33 : memref<!tpu.dma_semaphore, #tpu.memory_space<semaphore_mem>>) src(%arg2 : memref<10240xf32, #tpu.memory_space<hbm>>) dst(%arg6 : memref<10240xf32, #tpu.memory_space<vmem>>)
      tpu.yield
    }) : () -> ()
    %mul3A_1 = arith.constant 10000 : i32
    %mul3A_2 = arith.muli %add3A, %mul3A_1 : i32
    "tpu.region"() ({
      %run_scoped3A_33 = tpu.sem_alloc : memref<!tpu.dma_semaphore, #tpu.memory_space<semaphore_mem>>
      %dma_start3A = tpu.memref_slice %arg3[%mul3A_2] : memref<320000xi32, #tpu.memory_space<hbm>> -> memref<10000xi32, #tpu.memory_space<hbm>>
      %dma_start3A_34 = tpu.memref_slice %arg3[%mul3A_2] : memref<320000xi32, #tpu.memory_space<hbm>> -> memref<10000xi32, #tpu.memory_space<hbm>>
      tpu.enqueue_dma source(%dma_start3A_34 : memref<10000xi32, #tpu.memory_space<hbm>>) target(%arg7 : memref<10000xi32, #tpu.memory_space<vmem>>) target_semaphore(%run_scoped3A_33 : memref<!tpu.dma_semaphore, #tpu.memory_space<semaphore_mem>>)
      %dma_wait3A = tpu.memref_slice %arg3[%mul3A_2] : memref<320000xi32, #tpu.memory_space<hbm>> -> memref<10000xi32, #tpu.memory_space<hbm>>
      %dma_wait3A_35 = tpu.memref_slice %arg3[%mul3A_2] : memref<320000xi32, #tpu.memory_space<hbm>> -> memref<10000xi32, #tpu.memory_space<hbm>>
      tpu.wait_dma2 semaphore(%run_scoped3A_33 : memref<!tpu.dma_semaphore, #tpu.memory_space<semaphore_mem>>) src(%dma_wait3A_35 : memref<10000xi32, #tpu.memory_space<hbm>>) dst(%arg7 : memref<10000xi32, #tpu.memory_space<vmem>>)
      tpu.yield
    }) : () -> ()
    %mul3A_3 = arith.constant 10000 : i32
    %mul3A_4 = arith.muli %add3A, %mul3A_3 : i32
    "tpu.region"() ({
      %run_scoped3A_33 = tpu.sem_alloc : memref<!tpu.dma_semaphore, #tpu.memory_space<semaphore_mem>>
      %dma_start3A = tpu.memref_slice %arg4[%mul3A_4] : memref<320000xi32, #tpu.memory_space<hbm>> -> memref<10000xi32, #tpu.memory_space<hbm>>
      %dma_start3A_34 = tpu.memref_slice %arg4[%mul3A_4] : memref<320000xi32, #tpu.memory_space<hbm>> -> memref<10000xi32, #tpu.memory_space<hbm>>
      tpu.enqueue_dma source(%dma_start3A_34 : memref<10000xi32, #tpu.memory_space<hbm>>) target(%arg8 : memref<10000xi32, #tpu.memory_space<vmem>>) target_semaphore(%run_scoped3A_33 : memref<!tpu.dma_semaphore, #tpu.memory_space<semaphore_mem>>)
      %dma_wait3A = tpu.memref_slice %arg4[%mul3A_4] : memref<320000xi32, #tpu.memory_space<hbm>> -> memref<10000xi32, #tpu.memory_space<hbm>>
      %dma_wait3A_35 = tpu.memref_slice %arg4[%mul3A_4] : memref<320000xi32, #tpu.memory_space<hbm>> -> memref<10000xi32, #tpu.memory_space<hbm>>
      tpu.wait_dma2 semaphore(%run_scoped3A_33 : memref<!tpu.dma_semaphore, #tpu.memory_space<semaphore_mem>>) src(%dma_wait3A_35 : memref<10000xi32, #tpu.memory_space<hbm>>) dst(%arg8 : memref<10000xi32, #tpu.memory_space<vmem>>)
      tpu.yield
    }) : () -> ()
    %broadcast_in_dim3A = arith.constant 0.000000e+00 : f32
    %broadcast_in_dim3A_5 = vector.broadcast %broadcast_in_dim3A : f32 to vector<16xf32>
    %scan3A = arith.constant 0 : i32
    %scan3A_6 = arith.constant 0 : i32
    %scan3A_7 = arith.constant 640 : i32
    %scan3A_8 = arith.addi %scan3A_6, %scan3A_7 : i32
    %scan3A_9 = arith.constant 1 : i32
    %scan3A_10 = scf.for %scan3A_33 = %scan3A_6 to %scan3A_8 step %scan3A_9 iter_args(%scan3A_34 = %scan3A) -> (i32)  : i32 {
      %mul3A_35 = arith.constant 16 : i32
      %mul3A_36 = arith.muli %scan3A_33, %mul3A_35 : i32
      %swap3A = arith.index_cast %mul3A_36 : i32 to index
      %swap3A_37 = tpu.vector_load %arg9[%swap3A] {strides = array<i32>} : memref<10240xf32, #tpu.memory_space<vmem>>, vector<16xf32>,
      tpu.vector_store %arg9[%swap3A], %broadcast_in_dim3A_5 {strides = array<i32>} : memref<10240xf32, #tpu.memory_space<vmem>>, vector<16xf32>,
      %scan3A_38 = arith.constant 0 : i32
      scf.yield %scan3A_38 : i32
    }
    %scan3A_11 = arith.constant 640 : i32
    %scan3A_12 = arith.constant 0 : i32
    %scan3A_13 = arith.constant 0 : i32
    %scan3A_14 = arith.constant 625 : i32
    %scan3A_15 = arith.addi %scan3A_13, %scan3A_14 : i32
    %scan3A_16 = arith.constant 1 : i32
    %scan3A_17 = scf.for %scan3A_33 = %scan3A_13 to %scan3A_15 step %scan3A_16 iter_args(%scan3A_34 = %scan3A_12) -> (i32)  : i32 {
      %mul3A_35 = arith.constant 16 : i32
      %mul3A_36 = arith.muli %scan3A_33, %mul3A_35 : i32
      %get3A = arith.index_cast %mul3A_36 : i32 to index
      %get3A_37 = tpu.vector_load %arg7[%get3A] {strides = array<i32>} : memref<10000xi32, #tpu.memory_space<vmem>>, vector<16xi32>,
      %mul3A_38 = arith.constant 16 : i32
      %mul3A_39 = arith.muli %scan3A_33, %mul3A_38 : i32
      %get3A_40 = arith.index_cast %mul3A_39 : i32 to index
      %get3A_41 = tpu.vector_load %arg8[%get3A_40] {strides = array<i32>} : memref<10000xi32, #tpu.memory_space<vmem>>, vector<16xi32>,
      %gather3A = tpu.vector_load_idx %arg6[%get3A_37] : memref<10240xf32, #tpu.memory_space<vmem>>[vector<16xi32>], vector<16xf32>,
      tpu.vector_store_idx %arg9[%get3A_41], %gather3A {add = true} : memref<10240xf32, #tpu.memory_space<vmem>>[vector<16xi32>], vector<16xf32>,
      %scan3A_42 = arith.constant 0 : i32
      scf.yield %scan3A_42 : i32
    }
    %scan3A_18 = arith.constant 625 : i32
    "tpu.region"() ({
      %run_scoped3A_33 = tpu.sem_alloc : memref<!tpu.dma_semaphore, #tpu.memory_space<semaphore_mem>>
      %dma_start3A = arith.constant 0 : i32
      %dma_start3A_34 = tpu.memref_slice %arg12[%arg1, %dma_start3A] : memref<16x10240xf32, #tpu.memory_space<vmem_shared>> -> memref<1x10240xf32, #tpu.memory_space<vmem_shared>>
      %dma_start3A_35 = tpu.memref_squeeze %dma_start3A_34 : memref<1x10240xf32, #tpu.memory_space<vmem_shared>> -> memref<10240xf32, #tpu.memory_space<vmem_shared>>
      %dma_start3A_36 = arith.constant 0 : i32
      %dma_start3A_37 = tpu.memref_slice %arg12[%arg1, %dma_start3A_36] : memref<16x10240xf32, #tpu.memory_space<vmem_shared>> -> memref<1x10240xf32, #tpu.memory_space<vmem_shared>>
      %dma_start3A_38 = tpu.memref_squeeze %dma_start3A_37 : memref<1x10240xf32, #tpu.memory_space<vmem_shared>> -> memref<10240xf32, #tpu.memory_space<vmem_shared>>
      tpu.enqueue_dma source(%arg9 : memref<10240xf32, #tpu.memory_space<vmem>>) target(%dma_start3A_38 : memref<10240xf32, #tpu.memory_space<vmem_shared>>) target_semaphore(%run_scoped3A_33 : memref<!tpu.dma_semaphore, #tpu.memory_space<semaphore_mem>>)
      %dma_wait3A = arith.constant 0 : i32
      %dma_wait3A_39 = tpu.memref_slice %arg12[%arg1, %dma_wait3A] : memref<16x10240xf32, #tpu.memory_space<vmem_shared>> -> memref<1x10240xf32, #tpu.memory_space<vmem_shared>>
      %dma_wait3A_40 = tpu.memref_squeeze %dma_wait3A_39 : memref<1x10240xf32, #tpu.memory_space<vmem_shared>> -> memref<10240xf32, #tpu.memory_space<vmem_shared>>
      %dma_wait3A_41 = arith.constant 0 : i32
      %dma_wait3A_42 = tpu.memref_slice %arg12[%arg1, %dma_wait3A_41] : memref<16x10240xf32, #tpu.memory_space<vmem_shared>> -> memref<1x10240xf32, #tpu.memory_space<vmem_shared>>
      %dma_wait3A_43 = tpu.memref_squeeze %dma_wait3A_42 : memref<1x10240xf32, #tpu.memory_space<vmem_shared>> -> memref<10240xf32, #tpu.memory_space<vmem_shared>>
      tpu.wait_dma2 semaphore(%run_scoped3A_33 : memref<!tpu.dma_semaphore, #tpu.memory_space<semaphore_mem>>) src(%arg9 : memref<10240xf32, #tpu.memory_space<vmem>>) dst(%dma_wait3A_43 : memref<10240xf32, #tpu.memory_space<vmem_shared>>)
      tpu.yield
    }) : () -> ()
    %barrier3A = arith.constant 0 : index
    tpu.barrier barrier_id(%barrier3A)
    %mul3A_19 = arith.constant 640 : i32
    %mul3A_20 = arith.muli %arg1, %mul3A_19 : i32
    %run_scoped3A = arith.constant 0 : i32
    "tpu.region"() ({
      %run_scoped3A_33 = tpu.sem_alloc : memref<!tpu.dma_semaphore, #tpu.memory_space<semaphore_mem>>
      %dma_start3A = tpu.memref_slice %arg12[%run_scoped3A, %mul3A_20] : memref<16x10240xf32, #tpu.memory_space<vmem_shared>> -> memref<1x640xf32, #tpu.memory_space<vmem_shared>>
      %dma_start3A_34 = tpu.memref_squeeze %dma_start3A : memref<1x640xf32, #tpu.memory_space<vmem_shared>> -> memref<640xf32, #tpu.memory_space<vmem_shared>>
      %dma_start3A_35 = tpu.memref_slice %arg12[%run_scoped3A, %mul3A_20] : memref<16x10240xf32, #tpu.memory_space<vmem_shared>> -> memref<1x640xf32, #tpu.memory_space<vmem_shared>>
      %dma_start3A_36 = tpu.memref_squeeze %dma_start3A_35 : memref<1x640xf32, #tpu.memory_space<vmem_shared>> -> memref<640xf32, #tpu.memory_space<vmem_shared>>
      tpu.enqueue_dma source(%dma_start3A_36 : memref<640xf32, #tpu.memory_space<vmem_shared>>) target(%arg11 : memref<640xf32, #tpu.memory_space<vmem>>) target_semaphore(%run_scoped3A_33 : memref<!tpu.dma_semaphore, #tpu.memory_space<semaphore_mem>>)
      %dma_wait3A = tpu.memref_slice %arg12[%run_scoped3A, %mul3A_20] : memref<16x10240xf32, #tpu.memory_space<vmem_shared>> -> memref<1x640xf32, #tpu.memory_space<vmem_shared>>
      %dma_wait3A_37 = tpu.memref_squeeze %dma_wait3A : memref<1x640xf32, #tpu.memory_space<vmem_shared>> -> memref<640xf32, #tpu.memory_space<vmem_shared>>
      %dma_wait3A_38 = tpu.memref_slice %arg12[%run_scoped3A, %mul3A_20] : memref<16x10240xf32, #tpu.memory_space<vmem_shared>> -> memref<1x640xf32, #tpu.memory_space<vmem_shared>>
      %dma_wait3A_39 = tpu.memref_squeeze %dma_wait3A_38 : memref<1x640xf32, #tpu.memory_space<vmem_shared>> -> memref<640xf32, #tpu.memory_space<vmem_shared>>
      tpu.wait_dma2 semaphore(%run_scoped3A_33 : memref<!tpu.dma_semaphore, #tpu.memory_space<semaphore_mem>>) src(%dma_wait3A_39 : memref<640xf32, #tpu.memory_space<vmem_shared>>) dst(%arg11 : memref<640xf32, #tpu.memory_space<vmem>>)
      tpu.yield
    }) : () -> ()
    %scan3A_21 = arith.constant 0 : i32
    %scan3A_22 = arith.constant 1 : i32
    %scan3A_23 = arith.constant 15 : i32
    %scan3A_24 = arith.addi %scan3A_22, %scan3A_23 : i32
    %scan3A_25 = arith.constant 1 : i32
    %scan3A_26 = scf.for %scan3A_33 = %scan3A_22 to %scan3A_24 step %scan3A_25 iter_args(%scan3A_34 = %scan3A_21) -> (i32)  : i32 {
      %mul3A_35 = arith.constant 640 : i32
      %mul3A_36 = arith.muli %arg1, %mul3A_35 : i32
      "tpu.region"() ({
        %run_scoped3A_45 = tpu.sem_alloc : memref<!tpu.dma_semaphore, #tpu.memory_space<semaphore_mem>>
        %dma_start3A = tpu.memref_slice %arg12[%scan3A_33, %mul3A_36] : memref<16x10240xf32, #tpu.memory_space<vmem_shared>> -> memref<1x640xf32, #tpu.memory_space<vmem_shared>>
        %dma_start3A_46 = tpu.memref_squeeze %dma_start3A : memref<1x640xf32, #tpu.memory_space<vmem_shared>> -> memref<640xf32, #tpu.memory_space<vmem_shared>>
        %dma_start3A_47 = tpu.memref_slice %arg12[%scan3A_33, %mul3A_36] : memref<16x10240xf32, #tpu.memory_space<vmem_shared>> -> memref<1x640xf32, #tpu.memory_space<vmem_shared>>
        %dma_start3A_48 = tpu.memref_squeeze %dma_start3A_47 : memref<1x640xf32, #tpu.memory_space<vmem_shared>> -> memref<640xf32, #tpu.memory_space<vmem_shared>>
        tpu.enqueue_dma source(%dma_start3A_48 : memref<640xf32, #tpu.memory_space<vmem_shared>>) target(%arg10 : memref<640xf32, #tpu.memory_space<vmem>>) target_semaphore(%run_scoped3A_45 : memref<!tpu.dma_semaphore, #tpu.memory_space<semaphore_mem>>)
        %dma_wait3A = tpu.memref_slice %arg12[%scan3A_33, %mul3A_36] : memref<16x10240xf32, #tpu.memory_space<vmem_shared>> -> memref<1x640xf32, #tpu.memory_space<vmem_shared>>
        %dma_wait3A_49 = tpu.memref_squeeze %dma_wait3A : memref<1x640xf32, #tpu.memory_space<vmem_shared>> -> memref<640xf32, #tpu.memory_space<vmem_shared>>
        %dma_wait3A_50 = tpu.memref_slice %arg12[%scan3A_33, %mul3A_36] : memref<16x10240xf32, #tpu.memory_space<vmem_shared>> -> memref<1x640xf32, #tpu.memory_space<vmem_shared>>
        %dma_wait3A_51 = tpu.memref_squeeze %dma_wait3A_50 : memref<1x640xf32, #tpu.memory_space<vmem_shared>> -> memref<640xf32, #tpu.memory_space<vmem_shared>>
        tpu.wait_dma2 semaphore(%run_scoped3A_45 : memref<!tpu.dma_semaphore, #tpu.memory_space<semaphore_mem>>) src(%dma_wait3A_51 : memref<640xf32, #tpu.memory_space<vmem_shared>>) dst(%arg10 : memref<640xf32, #tpu.memory_space<vmem>>)
        tpu.yield
      }) : () -> ()
      %scan3A_37 = arith.constant 0 : i32
      %scan3A_38 = arith.constant 0 : i32
      %scan3A_39 = arith.constant 40 : i32
      %scan3A_40 = arith.addi %scan3A_38, %scan3A_39 : i32
      %scan3A_41 = arith.constant 1 : i32
      %scan3A_42 = scf.for %scan3A_45 = %scan3A_38 to %scan3A_40 step %scan3A_41 iter_args(%scan3A_46 = %scan3A_37) -> (i32)  : i32 {
        %mul3A_47 = arith.constant 16 : i32
        %mul3A_48 = arith.muli %scan3A_45, %mul3A_47 : i32
        %get3A = arith.index_cast %mul3A_48 : i32 to index
        %get3A_49 = tpu.vector_load %arg11[%get3A] {strides = array<i32>} : memref<640xf32, #tpu.memory_space<vmem>>, vector<16xf32>,
        %mul3A_50 = arith.constant 16 : i32
        %mul3A_51 = arith.muli %scan3A_45, %mul3A_50 : i32
        %get3A_52 = arith.index_cast %mul3A_51 : i32 to index
        %get3A_53 = tpu.vector_load %arg10[%get3A_52] {strides = array<i32>} : memref<640xf32, #tpu.memory_space<vmem>>, vector<16xf32>,
        %add3A_54 = arith.addf %get3A_49, %get3A_53 : vector<16xf32>
        %mul3A_55 = arith.constant 16 : i32
        %mul3A_56 = arith.muli %scan3A_45, %mul3A_55 : i32
        %swap3A = arith.index_cast %mul3A_56 : i32 to index
        %swap3A_57 = tpu.vector_load %arg11[%swap3A] {strides = array<i32>} : memref<640xf32, #tpu.memory_space<vmem>>, vector<16xf32>,
        tpu.vector_store %arg11[%swap3A], %add3A_54 {strides = array<i32>} : memref<640xf32, #tpu.memory_space<vmem>>, vector<16xf32>,
        %scan3A_58 = arith.constant 0 : i32
        scf.yield %scan3A_58 : i32
      }
      %scan3A_43 = arith.constant 40 : i32
      %scan3A_44 = arith.constant 0 : i32
      scf.yield %scan3A_44 : i32
    }
    %scan3A_27 = arith.constant 15 : i32
    %mul3A_28 = arith.constant 10240 : i32
    %mul3A_29 = arith.muli %arg0, %mul3A_28 : i32
    %mul3A_30 = arith.constant 640 : i32
    %mul3A_31 = arith.muli %arg1, %mul3A_30 : i32
    %add3A_32 = arith.addi %mul3A_29, %mul3A_31 : i32
    "tpu.region"() ({
      %run_scoped3A_33 = tpu.sem_alloc : memref<!tpu.dma_semaphore, #tpu.memory_space<semaphore_mem>>
      %dma_start3A = tpu.memref_slice %arg5[%add3A_32] : memref<20480xf32, #tpu.memory_space<hbm>> -> memref<640xf32, #tpu.memory_space<hbm>>
      %dma_start3A_34 = tpu.memref_slice %arg5[%add3A_32] : memref<20480xf32, #tpu.memory_space<hbm>> -> memref<640xf32, #tpu.memory_space<hbm>>
      tpu.enqueue_dma source(%arg11 : memref<640xf32, #tpu.memory_space<vmem>>) target(%dma_start3A_34 : memref<640xf32, #tpu.memory_space<hbm>>) target_semaphore(%run_scoped3A_33 : memref<!tpu.dma_semaphore, #tpu.memory_space<semaphore_mem>>)
      %dma_wait3A = tpu.memref_slice %arg5[%add3A_32] : memref<20480xf32, #tpu.memory_space<hbm>> -> memref<640xf32, #tpu.memory_space<hbm>>
      %dma_wait3A_35 = tpu.memref_slice %arg5[%add3A_32] : memref<20480xf32, #tpu.memory_space<hbm>> -> memref<640xf32, #tpu.memory_space<hbm>>
      tpu.wait_dma2 semaphore(%run_scoped3A_33 : memref<!tpu.dma_semaphore, #tpu.memory_space<semaphore_mem>>) src(%arg11 : memref<640xf32, #tpu.memory_space<vmem>>) dst(%dma_wait3A_35 : memref<640xf32, #tpu.memory_space<hbm>>)
      tpu.yield
    }) : () -> ()
    return
  }
}

module attributes {stable_mosaic.version = 14 : i64} {
  func.func @_tc1_body(%arg0: i32, %arg1: memref<400x128xf32, #tpu.memory_space<vmem>>, %arg2: memref<128x256xf32, #tpu.memory_space<vmem>>, %arg3: memref<400x2xf32, #tpu.memory_space<vmem>>, %arg4: memref<2x400x128xf32, #tpu.memory_space<vmem>>) attributes {dimension_semantics = [#tpu.dimension_semantics<arbitrary>], iteration_bounds = array<i64: 25>, scalar_prefetch = 0 : i64, scratch_operands = 0 : i64, tpu.core_type = #tpu.core_type<tc>, window_params = [{transform_indices = @transform_0, window_bounds = array<i64: 400, 128>}, {pipeline_mode = #tpu.pipeline_mode<synchronous>, transform_indices = @transform_1, window_bounds = array<i64: 128, 256>}, {transform_indices = @transform_2, window_bounds = array<i64: 400, 2>}, {transform_indices = @transform_3, window_bounds = array<i64: 2, 400, 128>}]} {
    %get3A = arith.constant 0 : index
    %get3A_0 = arith.constant 0 : index
    %get3A_1 = vector.load %arg1[%get3A, %get3A_0] : memref<400x128xf32, #tpu.memory_space<vmem>>, vector<400x128xf32>
    %convert_element_type3A = arith.truncf %get3A_1 : vector<400x128xf32> to vector<400x128xbf16>
    %get3A_2 = arith.constant 0 : index
    %get3A_3 = arith.constant 0 : index
    %get3A_4 = vector.load %arg2[%get3A_2, %get3A_3] : memref<128x256xf32, #tpu.memory_space<vmem>>, vector<128x256xf32>
    %convert_element_type3A_5 = arith.truncf %get3A_4 : vector<128x256xf32> to vector<128x256xbf16>
    %dot_general3A = arith.constant dense<0.000000e+00> : vector<400x256xf32>
    %dot_general3A_6 = tpu.matmul %convert_element_type3A, %convert_element_type3A_5, %dot_general3A {dimension_numbers = #tpu.dot_dimension_numbers<[1], [0], [0], [1], [0, 0, 1, 1], [], []>, transpose_lhs_hint = false} : vector<400x128xbf16>, vector<128x256xbf16>, vector<400x256xf32> -> vector<400x256xf32>
    %get3A_7 = arith.constant 0 : index
    %get3A_8 = arith.constant 0 : index
    %get3A_9 = vector.load %arg3[%get3A_7, %get3A_8] : memref<400x2xf32, #tpu.memory_space<vmem>>, vector<400x2xf32>
    %slice3A = vector.extract_strided_slice %get3A_9 {offsets = [0, 0], sizes = [400, 1], strides = [1, 1]} : vector<400x2xf32> to vector<400x1xf32>
    %squeeze3A = vector.shape_cast %slice3A : vector<400x1xf32> to vector<400xf32>
    %slice3A_10 = vector.extract_strided_slice %get3A_9 {offsets = [0, 1], sizes = [400, 1], strides = [1, 1]} : vector<400x2xf32> to vector<400x1xf32>
    %squeeze3A_11 = vector.shape_cast %slice3A_10 : vector<400x1xf32> to vector<400xf32>
    %add3A = arith.addf %squeeze3A, %squeeze3A_11 : vector<400xf32>
    %add3A_12 = arith.constant 1.000000e+00 : f32
    %add3A_13 = vector.broadcast %add3A_12 : f32 to vector<400xf32>
    %add3A_14 = arith.addf %add3A, %add3A_13 : vector<400xf32>
    %max3A = arith.constant 1.000000e+00 : f32
    %max3A_15 = vector.broadcast %max3A : f32 to vector<400xf32>
    %max3A_16 = arith.maximumf %add3A_14, %max3A_15 : vector<400xf32>
    %rsqrt3A = math.rsqrt %max3A_16 : vector<400xf32>
    %broadcast_in_dim3A = vector.shape_cast %rsqrt3A : vector<400xf32> to vector<400x1xf32>
    %mul3A = vector.broadcast %broadcast_in_dim3A : vector<400x1xf32> to vector<400x256xf32>
    %mul3A_17 = arith.mulf %dot_general3A_6, %mul3A : vector<400x256xf32>
    %slice3A_18 = vector.extract_strided_slice %mul3A_17 {offsets = [0, 0], sizes = [400, 128], strides = [1, 1]} : vector<400x256xf32> to vector<400x128xf32>
    %swap3A = arith.constant 0 : index
    %swap3A_19 = arith.constant 0 : index
    %swap3A_20 = arith.constant 0 : index
    %swap3A_21 = vector.load %arg4[%swap3A, %swap3A_19, %swap3A_20] : memref<2x400x128xf32, #tpu.memory_space<vmem>>, vector<1x400x128xf32>
    %swap3A_22 = vector.shape_cast %swap3A_21 : vector<1x400x128xf32> to vector<400x128xf32>
    %swap3A_23 = vector.shape_cast %slice3A_18 : vector<400x128xf32> to vector<1x400x128xf32>
    tpu.vector_store %arg4[%swap3A, %swap3A_19, %swap3A_20], %swap3A_23 {strides = array<i32>} : memref<2x400x128xf32, #tpu.memory_space<vmem>>, vector<1x400x128xf32>,
    %slice3A_24 = vector.extract_strided_slice %mul3A_17 {offsets = [0, 128], sizes = [400, 128], strides = [1, 1]} : vector<400x256xf32> to vector<400x128xf32>
    %swap3A_25 = arith.constant 1 : index
    %swap3A_26 = arith.constant 0 : index
    %swap3A_27 = arith.constant 0 : index
    %swap3A_28 = vector.load %arg4[%swap3A_25, %swap3A_26, %swap3A_27] : memref<2x400x128xf32, #tpu.memory_space<vmem>>, vector<1x400x128xf32>
    %swap3A_29 = vector.shape_cast %swap3A_28 : vector<1x400x128xf32> to vector<400x128xf32>
    %swap3A_30 = vector.shape_cast %slice3A_24 : vector<400x128xf32> to vector<1x400x128xf32>
    tpu.vector_store %arg4[%swap3A_25, %swap3A_26, %swap3A_27], %swap3A_30 {strides = array<i32>} : memref<2x400x128xf32, #tpu.memory_space<vmem>>, vector<1x400x128xf32>,
    return
  }
  func.func @transform_0(%arg0: i32) -> (i32, i32) {
    %c0_i32 = arith.constant 0 : i32
    %c0_i32_0 = arith.constant 0 : i32
    return %arg0, %c0_i32 : i32, i32
  }
  func.func @transform_1(%arg0: i32) -> (i32, i32) {
    %c0_i32 = arith.constant 0 : i32
    %c0_i32_0 = arith.constant 0 : i32
    %c0_i32_1 = arith.constant 0 : i32
    return %c0_i32, %c0_i32_0 : i32, i32
  }
  func.func @transform_2(%arg0: i32) -> (i32, i32) {
    %c0_i32 = arith.constant 0 : i32
    %c0_i32_0 = arith.constant 0 : i32
    return %arg0, %c0_i32 : i32, i32
  }
  func.func @transform_3(%arg0: i32) -> (i32, i32, i32) {
    %c0_i32 = arith.constant 0 : i32
    %c0_i32_0 = arith.constant 0 : i32
    %c0_i32_1 = arith.constant 0 : i32
    return %c0_i32, %arg0, %c0_i32_0 : i32, i32, i32
  }
}

module attributes {stable_mosaic.version = 14 : i64} {
  func.func @_tc3_body(%arg0: i32, %arg1: memref<2x400x128xf32, #tpu.memory_space<vmem>>, %arg2: memref<2x400x128xf32, #tpu.memory_space<vmem>>, %arg3: memref<400x2xf32, #tpu.memory_space<vmem>>, %arg4: memref<1x256xf32, #tpu.memory_space<vmem>>, %arg5: memref<1x256xf32, #tpu.memory_space<vmem>>, %arg6: memref<400x8xf32, #tpu.memory_space<vmem>>) attributes {dimension_semantics = [#tpu.dimension_semantics<arbitrary>], iteration_bounds = array<i64: 25>, scalar_prefetch = 0 : i64, scratch_operands = 0 : i64, tpu.core_type = #tpu.core_type<tc>, window_params = [{transform_indices = @transform_0, window_bounds = array<i64: 2, 400, 128>}, {transform_indices = @transform_1, window_bounds = array<i64: 2, 400, 128>}, {transform_indices = @transform_2, window_bounds = array<i64: 400, 2>}, {pipeline_mode = #tpu.pipeline_mode<synchronous>, transform_indices = @transform_3, window_bounds = array<i64: 1, 256>}, {pipeline_mode = #tpu.pipeline_mode<synchronous>, transform_indices = @transform_4, window_bounds = array<i64: 1, 256>}, {transform_indices = @transform_5, window_bounds = array<i64: 400, 8>}]} {
    %get3A = arith.constant 0 : index
    %get3A_0 = arith.constant 0 : index
    %get3A_1 = vector.load %arg3[%get3A, %get3A_0] : memref<400x2xf32, #tpu.memory_space<vmem>>, vector<400x2xf32>
    %slice3A = vector.extract_strided_slice %get3A_1 {offsets = [0, 0], sizes = [400, 1], strides = [1, 1]} : vector<400x2xf32> to vector<400x1xf32>
    %squeeze3A = vector.shape_cast %slice3A : vector<400x1xf32> to vector<400xf32>
    %slice3A_2 = vector.extract_strided_slice %get3A_1 {offsets = [0, 1], sizes = [400, 1], strides = [1, 1]} : vector<400x2xf32> to vector<400x1xf32>
    %squeeze3A_3 = vector.shape_cast %slice3A_2 : vector<400x1xf32> to vector<400xf32>
    %add3A = arith.addf %squeeze3A, %squeeze3A_3 : vector<400xf32>
    %add3A_4 = arith.constant 1.000000e+00 : f32
    %add3A_5 = vector.broadcast %add3A_4 : f32 to vector<400xf32>
    %add3A_6 = arith.addf %add3A, %add3A_5 : vector<400xf32>
    %max3A = arith.constant 1.000000e+00 : f32
    %max3A_7 = vector.broadcast %max3A : f32 to vector<400xf32>
    %max3A_8 = arith.maximumf %add3A_6, %max3A_7 : vector<400xf32>
    %rsqrt3A = math.rsqrt %max3A_8 : vector<400xf32>
    %get3A_9 = arith.constant 0 : index
    %get3A_10 = arith.constant 0 : index
    %get3A_11 = arith.constant 0 : index
    %get3A_12 = vector.load %arg1[%get3A_9, %get3A_10, %get3A_11] : memref<2x400x128xf32, #tpu.memory_space<vmem>>, vector<1x400x128xf32>
    %get3A_13 = vector.shape_cast %get3A_12 : vector<1x400x128xf32> to vector<400x128xf32>
    %get3A_14 = arith.constant 1 : index
    %get3A_15 = arith.constant 0 : index
    %get3A_16 = arith.constant 0 : index
    %get3A_17 = vector.load %arg1[%get3A_14, %get3A_15, %get3A_16] : memref<2x400x128xf32, #tpu.memory_space<vmem>>, vector<1x400x128xf32>
    %get3A_18 = vector.shape_cast %get3A_17 : vector<1x400x128xf32> to vector<400x128xf32>
    %concatenate3A = tpu.concatenate %get3A_13, %get3A_18 in 1 : vector<400x128xf32>, vector<400x128xf32> -> vector<400x256xf32>
    %get3A_19 = arith.constant 0 : index
    %get3A_20 = arith.constant 0 : index
    %get3A_21 = arith.constant 0 : index
    %get3A_22 = vector.load %arg2[%get3A_19, %get3A_20, %get3A_21] : memref<2x400x128xf32, #tpu.memory_space<vmem>>, vector<1x400x128xf32>
    %get3A_23 = vector.shape_cast %get3A_22 : vector<1x400x128xf32> to vector<400x128xf32>
    %get3A_24 = arith.constant 1 : index
    %get3A_25 = arith.constant 0 : index
    %get3A_26 = arith.constant 0 : index
    %get3A_27 = vector.load %arg2[%get3A_24, %get3A_25, %get3A_26] : memref<2x400x128xf32, #tpu.memory_space<vmem>>, vector<1x400x128xf32>
    %get3A_28 = vector.shape_cast %get3A_27 : vector<1x400x128xf32> to vector<400x128xf32>
    %concatenate3A_29 = tpu.concatenate %get3A_23, %get3A_28 in 1 : vector<400x128xf32>, vector<400x128xf32> -> vector<400x256xf32>
    %broadcast_in_dim3A = vector.shape_cast %rsqrt3A : vector<400xf32> to vector<400x1xf32>
    %add3A_30 = arith.addf %concatenate3A, %concatenate3A_29 : vector<400x256xf32>
    %mul3A = vector.broadcast %broadcast_in_dim3A : vector<400x1xf32> to vector<400x256xf32>
    %mul3A_31 = arith.mulf %mul3A, %add3A_30 : vector<400x256xf32>
    %get3A_32 = arith.constant 0 : index
    %get3A_33 = arith.constant 0 : index
    %get3A_34 = vector.load %arg4[%get3A_32, %get3A_33] : memref<1x256xf32, #tpu.memory_space<vmem>>, vector<1x256xf32>
    %get3A_35 = vector.shape_cast %get3A_34 : vector<1x256xf32> to vector<256xf32>
    %broadcast_in_dim3A_36 = vector.shape_cast %get3A_35 : vector<256xf32> to vector<1x256xf32>
    %add3A_37 = vector.broadcast %broadcast_in_dim3A_36 : vector<1x256xf32> to vector<400x256xf32>
    %add3A_38 = arith.addf %mul3A_31, %add3A_37 : vector<400x256xf32>
    %max3A_39 = arith.constant 0.000000e+00 : f32
    %max3A_40 = vector.broadcast %max3A_39 : f32 to vector<400x256xf32>
    %max3A_41 = arith.maximumf %add3A_38, %max3A_40 : vector<400x256xf32>
    %convert_element_type3A = arith.truncf %max3A_41 : vector<400x256xf32> to vector<400x256xbf16>
    %convert_element_type3A_42 = arith.extf %convert_element_type3A : vector<400x256xbf16> to vector<400x256xf32>
    %get3A_43 = arith.constant 0 : index
    %get3A_44 = arith.constant 0 : index
    %get3A_45 = vector.load %arg5[%get3A_43, %get3A_44] : memref<1x256xf32, #tpu.memory_space<vmem>>, vector<1x256xf32>
    %get3A_46 = vector.shape_cast %get3A_45 : vector<1x256xf32> to vector<256xf32>
    %convert_element_type3A_47 = arith.truncf %get3A_46 : vector<256xf32> to vector<256xbf16>
    %convert_element_type3A_48 = arith.extf %convert_element_type3A_47 : vector<256xbf16> to vector<256xf32>
    %broadcast_in_dim3A_49 = vector.shape_cast %convert_element_type3A_48 : vector<256xf32> to vector<1x256xf32>
    %mul3A_50 = vector.broadcast %broadcast_in_dim3A_49 : vector<1x256xf32> to vector<400x256xf32>
    %mul3A_51 = arith.mulf %convert_element_type3A_42, %mul3A_50 : vector<400x256xf32>
    %reduce_sum3A = arith.constant dense<0.000000e+00> : vector<400xf32>
    %reduce_sum3A_52 = vector.multi_reduction <add>, %mul3A_51, %reduce_sum3A [1] : vector<400x256xf32> to vector<400xf32>
    %mul3A_53 = arith.mulf %reduce_sum3A_52, %rsqrt3A : vector<400xf32>
    %broadcast_in_dim3A_54 = vector.shape_cast %mul3A_53 : vector<400xf32> to vector<400x1xf32>
    %broadcast_in_dim3A_55 = vector.shape_cast %broadcast_in_dim3A_54 : vector<400x1xf32> to vector<400x1xf32>
    %broadcast_in_dim3A_56 = vector.broadcast %broadcast_in_dim3A_55 : vector<400x1xf32> to vector<400x8xf32>
    %swap3A = arith.constant 0 : index
    %swap3A_57 = arith.constant 0 : index
    %swap3A_58 = vector.load %arg6[%swap3A, %swap3A_57] : memref<400x8xf32, #tpu.memory_space<vmem>>, vector<400x8xf32>
    tpu.vector_store %arg6[%swap3A, %swap3A_57], %broadcast_in_dim3A_56 {strides = array<i32>} : memref<400x8xf32, #tpu.memory_space<vmem>>, vector<400x8xf32>,
    return
  }
  func.func @transform_0(%arg0: i32) -> (i32, i32, i32) {
    %c0_i32 = arith.constant 0 : i32
    %c0_i32_0 = arith.constant 0 : i32
    %c0_i32_1 = arith.constant 0 : i32
    return %c0_i32, %arg0, %c0_i32_0 : i32, i32, i32
  }
  func.func @transform_1(%arg0: i32) -> (i32, i32, i32) {
    %c0_i32 = arith.constant 0 : i32
    %c0_i32_0 = arith.constant 0 : i32
    %c0_i32_1 = arith.constant 0 : i32
    return %c0_i32, %arg0, %c0_i32_0 : i32, i32, i32
  }
  func.func @transform_2(%arg0: i32) -> (i32, i32) {
    %c0_i32 = arith.constant 0 : i32
    %c0_i32_0 = arith.constant 0 : i32
    return %arg0, %c0_i32 : i32, i32
  }
  func.func @transform_3(%arg0: i32) -> (i32, i32) {
    %c0_i32 = arith.constant 0 : i32
    %c0_i32_0 = arith.constant 0 : i32
    %c0_i32_1 = arith.constant 0 : i32
    return %c0_i32, %c0_i32_0 : i32, i32
  }
  func.func @transform_4(%arg0: i32) -> (i32, i32) {
    %c0_i32 = arith.constant 0 : i32
    %c0_i32_0 = arith.constant 0 : i32
    %c0_i32_1 = arith.constant 0 : i32
    return %c0_i32, %c0_i32_0 : i32, i32
  }
  func.func @transform_5(%arg0: i32) -> (i32, i32) {
    %c0_i32 = arith.constant 0 : i32
    %c0_i32_0 = arith.constant 0 : i32
    return %arg0, %c0_i32 : i32, i32
  }
}

module attributes {stable_mosaic.version = 14 : i64} {
  func.func @_tc2_body(%arg0: i32, %arg1: memref<2x400x128xf32, #tpu.memory_space<vmem>>, %arg2: memref<2x400x128xf32, #tpu.memory_space<vmem>>, %arg3: memref<400x2xf32, #tpu.memory_space<vmem>>, %arg4: memref<1x256xf32, #tpu.memory_space<vmem>>, %arg5: memref<256x256xf32, #tpu.memory_space<vmem>>, %arg6: memref<2x400x128xf32, #tpu.memory_space<vmem>>) attributes {dimension_semantics = [#tpu.dimension_semantics<arbitrary>], iteration_bounds = array<i64: 25>, scalar_prefetch = 0 : i64, scratch_operands = 0 : i64, tpu.core_type = #tpu.core_type<tc>, window_params = [{transform_indices = @transform_0, window_bounds = array<i64: 2, 400, 128>}, {transform_indices = @transform_1, window_bounds = array<i64: 2, 400, 128>}, {transform_indices = @transform_2, window_bounds = array<i64: 400, 2>}, {pipeline_mode = #tpu.pipeline_mode<synchronous>, transform_indices = @transform_3, window_bounds = array<i64: 1, 256>}, {pipeline_mode = #tpu.pipeline_mode<synchronous>, transform_indices = @transform_4, window_bounds = array<i64: 256, 256>}, {transform_indices = @transform_5, window_bounds = array<i64: 2, 400, 128>}]} {
    %get3A = arith.constant 0 : index
    %get3A_0 = arith.constant 0 : index
    %get3A_1 = vector.load %arg3[%get3A, %get3A_0] : memref<400x2xf32, #tpu.memory_space<vmem>>, vector<400x2xf32>
    %slice3A = vector.extract_strided_slice %get3A_1 {offsets = [0, 0], sizes = [400, 1], strides = [1, 1]} : vector<400x2xf32> to vector<400x1xf32>
    %squeeze3A = vector.shape_cast %slice3A : vector<400x1xf32> to vector<400xf32>
    %slice3A_2 = vector.extract_strided_slice %get3A_1 {offsets = [0, 1], sizes = [400, 1], strides = [1, 1]} : vector<400x2xf32> to vector<400x1xf32>
    %squeeze3A_3 = vector.shape_cast %slice3A_2 : vector<400x1xf32> to vector<400xf32>
    %add3A = arith.addf %squeeze3A, %squeeze3A_3 : vector<400xf32>
    %add3A_4 = arith.constant 1.000000e+00 : f32
    %add3A_5 = vector.broadcast %add3A_4 : f32 to vector<400xf32>
    %add3A_6 = arith.addf %add3A, %add3A_5 : vector<400xf32>
    %max3A = arith.constant 1.000000e+00 : f32
    %max3A_7 = vector.broadcast %max3A : f32 to vector<400xf32>
    %max3A_8 = arith.maximumf %add3A_6, %max3A_7 : vector<400xf32>
    %rsqrt3A = math.rsqrt %max3A_8 : vector<400xf32>
    %get3A_9 = arith.constant 0 : index
    %get3A_10 = arith.constant 0 : index
    %get3A_11 = arith.constant 0 : index
    %get3A_12 = vector.load %arg1[%get3A_9, %get3A_10, %get3A_11] : memref<2x400x128xf32, #tpu.memory_space<vmem>>, vector<1x400x128xf32>
    %get3A_13 = vector.shape_cast %get3A_12 : vector<1x400x128xf32> to vector<400x128xf32>
    %get3A_14 = arith.constant 1 : index
    %get3A_15 = arith.constant 0 : index
    %get3A_16 = arith.constant 0 : index
    %get3A_17 = vector.load %arg1[%get3A_14, %get3A_15, %get3A_16] : memref<2x400x128xf32, #tpu.memory_space<vmem>>, vector<1x400x128xf32>
    %get3A_18 = vector.shape_cast %get3A_17 : vector<1x400x128xf32> to vector<400x128xf32>
    %concatenate3A = tpu.concatenate %get3A_13, %get3A_18 in 1 : vector<400x128xf32>, vector<400x128xf32> -> vector<400x256xf32>
    %get3A_19 = arith.constant 0 : index
    %get3A_20 = arith.constant 0 : index
    %get3A_21 = arith.constant 0 : index
    %get3A_22 = vector.load %arg2[%get3A_19, %get3A_20, %get3A_21] : memref<2x400x128xf32, #tpu.memory_space<vmem>>, vector<1x400x128xf32>
    %get3A_23 = vector.shape_cast %get3A_22 : vector<1x400x128xf32> to vector<400x128xf32>
    %get3A_24 = arith.constant 1 : index
    %get3A_25 = arith.constant 0 : index
    %get3A_26 = arith.constant 0 : index
    %get3A_27 = vector.load %arg2[%get3A_24, %get3A_25, %get3A_26] : memref<2x400x128xf32, #tpu.memory_space<vmem>>, vector<1x400x128xf32>
    %get3A_28 = vector.shape_cast %get3A_27 : vector<1x400x128xf32> to vector<400x128xf32>
    %concatenate3A_29 = tpu.concatenate %get3A_23, %get3A_28 in 1 : vector<400x128xf32>, vector<400x128xf32> -> vector<400x256xf32>
    %broadcast_in_dim3A = vector.shape_cast %rsqrt3A : vector<400xf32> to vector<400x1xf32>
    %add3A_30 = arith.addf %concatenate3A, %concatenate3A_29 : vector<400x256xf32>
    %mul3A = vector.broadcast %broadcast_in_dim3A : vector<400x1xf32> to vector<400x256xf32>
    %mul3A_31 = arith.mulf %mul3A, %add3A_30 : vector<400x256xf32>
    %get3A_32 = arith.constant 0 : index
    %get3A_33 = arith.constant 0 : index
    %get3A_34 = vector.load %arg4[%get3A_32, %get3A_33] : memref<1x256xf32, #tpu.memory_space<vmem>>, vector<1x256xf32>
    %get3A_35 = vector.shape_cast %get3A_34 : vector<1x256xf32> to vector<256xf32>
    %broadcast_in_dim3A_36 = vector.shape_cast %get3A_35 : vector<256xf32> to vector<1x256xf32>
    %add3A_37 = vector.broadcast %broadcast_in_dim3A_36 : vector<1x256xf32> to vector<400x256xf32>
    %add3A_38 = arith.addf %mul3A_31, %add3A_37 : vector<400x256xf32>
    %max3A_39 = arith.constant 0.000000e+00 : f32
    %max3A_40 = vector.broadcast %max3A_39 : f32 to vector<400x256xf32>
    %max3A_41 = arith.maximumf %add3A_38, %max3A_40 : vector<400x256xf32>
    %convert_element_type3A = arith.truncf %max3A_41 : vector<400x256xf32> to vector<400x256xbf16>
    %get3A_42 = arith.constant 0 : index
    %get3A_43 = arith.constant 0 : index
    %get3A_44 = vector.load %arg5[%get3A_42, %get3A_43] : memref<256x256xf32, #tpu.memory_space<vmem>>, vector<256x256xf32>
    %convert_element_type3A_45 = arith.truncf %get3A_44 : vector<256x256xf32> to vector<256x256xbf16>
    %dot_general3A = arith.constant dense<0.000000e+00> : vector<400x256xf32>
    %dot_general3A_46 = tpu.matmul %convert_element_type3A, %convert_element_type3A_45, %dot_general3A {dimension_numbers = #tpu.dot_dimension_numbers<[1], [0], [0], [1], [0, 0, 1, 1], [], []>, transpose_lhs_hint = false} : vector<400x256xbf16>, vector<256x256xbf16>, vector<400x256xf32> -> vector<400x256xf32>
    %broadcast_in_dim3A_47 = vector.shape_cast %rsqrt3A : vector<400xf32> to vector<400x1xf32>
    %mul3A_48 = vector.broadcast %broadcast_in_dim3A_47 : vector<400x1xf32> to vector<400x256xf32>
    %mul3A_49 = arith.mulf %dot_general3A_46, %mul3A_48 : vector<400x256xf32>
    %slice3A_50 = vector.extract_strided_slice %mul3A_49 {offsets = [0, 0], sizes = [400, 128], strides = [1, 1]} : vector<400x256xf32> to vector<400x128xf32>
    %swap3A = arith.constant 0 : index
    %swap3A_51 = arith.constant 0 : index
    %swap3A_52 = arith.constant 0 : index
    %swap3A_53 = vector.load %arg6[%swap3A, %swap3A_51, %swap3A_52] : memref<2x400x128xf32, #tpu.memory_space<vmem>>, vector<1x400x128xf32>
    %swap3A_54 = vector.shape_cast %swap3A_53 : vector<1x400x128xf32> to vector<400x128xf32>
    %swap3A_55 = vector.shape_cast %slice3A_50 : vector<400x128xf32> to vector<1x400x128xf32>
    tpu.vector_store %arg6[%swap3A, %swap3A_51, %swap3A_52], %swap3A_55 {strides = array<i32>} : memref<2x400x128xf32, #tpu.memory_space<vmem>>, vector<1x400x128xf32>,
    %slice3A_56 = vector.extract_strided_slice %mul3A_49 {offsets = [0, 128], sizes = [400, 128], strides = [1, 1]} : vector<400x256xf32> to vector<400x128xf32>
    %swap3A_57 = arith.constant 1 : index
    %swap3A_58 = arith.constant 0 : index
    %swap3A_59 = arith.constant 0 : index
    %swap3A_60 = vector.load %arg6[%swap3A_57, %swap3A_58, %swap3A_59] : memref<2x400x128xf32, #tpu.memory_space<vmem>>, vector<1x400x128xf32>
    %swap3A_61 = vector.shape_cast %swap3A_60 : vector<1x400x128xf32> to vector<400x128xf32>
    %swap3A_62 = vector.shape_cast %slice3A_56 : vector<400x128xf32> to vector<1x400x128xf32>
    tpu.vector_store %arg6[%swap3A_57, %swap3A_58, %swap3A_59], %swap3A_62 {strides = array<i32>} : memref<2x400x128xf32, #tpu.memory_space<vmem>>, vector<1x400x128xf32>,
    return
  }
  func.func @transform_0(%arg0: i32) -> (i32, i32, i32) {
    %c0_i32 = arith.constant 0 : i32
    %c0_i32_0 = arith.constant 0 : i32
    %c0_i32_1 = arith.constant 0 : i32
    return %c0_i32, %arg0, %c0_i32_0 : i32, i32, i32
  }
  func.func @transform_1(%arg0: i32) -> (i32, i32, i32) {
    %c0_i32 = arith.constant 0 : i32
    %c0_i32_0 = arith.constant 0 : i32
    %c0_i32_1 = arith.constant 0 : i32
    return %c0_i32, %arg0, %c0_i32_0 : i32, i32, i32
  }
  func.func @transform_2(%arg0: i32) -> (i32, i32) {
    %c0_i32 = arith.constant 0 : i32
    %c0_i32_0 = arith.constant 0 : i32
    return %arg0, %c0_i32 : i32, i32
  }
  func.func @transform_3(%arg0: i32) -> (i32, i32) {
    %c0_i32 = arith.constant 0 : i32
    %c0_i32_0 = arith.constant 0 : i32
    %c0_i32_1 = arith.constant 0 : i32
    return %c0_i32, %c0_i32_0 : i32, i32
  }
  func.func @transform_4(%arg0: i32) -> (i32, i32) {
    %c0_i32 = arith.constant 0 : i32
    %c0_i32_0 = arith.constant 0 : i32
    %c0_i32_1 = arith.constant 0 : i32
    return %c0_i32, %c0_i32_0 : i32, i32
  }
  func.func @transform_5(%arg0: i32) -> (i32, i32, i32) {
    %c0_i32 = arith.constant 0 : i32
    %c0_i32_0 = arith.constant 0 : i32
    %c0_i32_1 = arith.constant 0 : i32
    return %c0_i32, %arg0, %c0_i32_0 : i32, i32, i32
  }
}

module attributes {stable_mosaic.version = 14 : i64} {
  func.func @_tc4_body(%arg0: i32, %arg1: memref<400x2xf32, #tpu.memory_space<vmem>>, %arg2: memref<400x8xf32, #tpu.memory_space<vmem>>, %arg3: memref<400x2xf32, #tpu.memory_space<vmem>>, %arg4: memref<1x1xf32, #tpu.memory_space<vmem>>, %arg5: memref<400x8xf32, #tpu.memory_space<vmem>>) attributes {dimension_semantics = [#tpu.dimension_semantics<arbitrary>], iteration_bounds = array<i64: 25>, scalar_prefetch = 0 : i64, scratch_operands = 0 : i64, tpu.core_type = #tpu.core_type<tc>, window_params = [{transform_indices = @transform_0, window_bounds = array<i64: 400, 2>}, {transform_indices = @transform_1, window_bounds = array<i64: 400, 8>}, {transform_indices = @transform_2, window_bounds = array<i64: 400, 2>}, {pipeline_mode = #tpu.pipeline_mode<synchronous>, transform_indices = @transform_3, window_bounds = array<i64: 1, 1>}, {transform_indices = @transform_4, window_bounds = array<i64: 400, 8>}]} {
    %get3A = arith.constant 0 : index
    %get3A_0 = arith.constant 0 : index
    %get3A_1 = vector.load %arg3[%get3A, %get3A_0] : memref<400x2xf32, #tpu.memory_space<vmem>>, vector<400x2xf32>
    %slice3A = vector.extract_strided_slice %get3A_1 {offsets = [0, 0], sizes = [400, 1], strides = [1, 1]} : vector<400x2xf32> to vector<400x1xf32>
    %squeeze3A = vector.shape_cast %slice3A : vector<400x1xf32> to vector<400xf32>
    %slice3A_2 = vector.extract_strided_slice %get3A_1 {offsets = [0, 1], sizes = [400, 1], strides = [1, 1]} : vector<400x2xf32> to vector<400x1xf32>
    %squeeze3A_3 = vector.shape_cast %slice3A_2 : vector<400x1xf32> to vector<400xf32>
    %add3A = arith.addf %squeeze3A, %squeeze3A_3 : vector<400xf32>
    %add3A_4 = arith.constant 1.000000e+00 : f32
    %add3A_5 = vector.broadcast %add3A_4 : f32 to vector<400xf32>
    %add3A_6 = arith.addf %add3A, %add3A_5 : vector<400xf32>
    %max3A = arith.constant 1.000000e+00 : f32
    %max3A_7 = vector.broadcast %max3A : f32 to vector<400xf32>
    %max3A_8 = arith.maximumf %add3A_6, %max3A_7 : vector<400xf32>
    %rsqrt3A = math.rsqrt %max3A_8 : vector<400xf32>
    %get3A_9 = arith.constant 0 : index
    %get3A_10 = arith.constant 0 : index
    %get3A_11 = vector.load %arg1[%get3A_9, %get3A_10] : memref<400x2xf32, #tpu.memory_space<vmem>>, vector<400x1xf32>
    %get3A_12 = vector.shape_cast %get3A_11 : vector<400x1xf32> to vector<400xf32>
    %get3A_13 = arith.constant 0 : index
    %get3A_14 = arith.constant 1 : index
    %get3A_15 = vector.load %arg1[%get3A_13, %get3A_14] : memref<400x2xf32, #tpu.memory_space<vmem>>, vector<400x1xf32>
    %get3A_16 = vector.shape_cast %get3A_15 : vector<400x1xf32> to vector<400xf32>
    %add3A_17 = arith.addf %get3A_12, %get3A_16 : vector<400xf32>
    %get3A_18 = arith.constant 0 : index
    %get3A_19 = arith.constant 0 : index
    %get3A_20 = vector.load %arg2[%get3A_18, %get3A_19] : memref<400x8xf32, #tpu.memory_space<vmem>>, vector<400x1xf32>
    %get3A_21 = vector.shape_cast %get3A_20 : vector<400x1xf32> to vector<400xf32>
    %add3A_22 = arith.addf %add3A_17, %get3A_21 : vector<400xf32>
    %mul3A = arith.mulf %rsqrt3A, %add3A_22 : vector<400xf32>
    %get3A_23 = arith.constant 0 : index
    %get3A_24 = arith.constant 0 : index
    %get3A_25 = vector.load %arg4[%get3A_23, %get3A_24] : memref<1x1xf32, #tpu.memory_space<vmem>>, vector<1x1xf32>
    %get3A_26 = vector.extract %get3A_25[0, 0] : f32 from vector<1x1xf32>
    %add3A_27 = vector.broadcast %get3A_26 : f32 to vector<400xf32>
    %add3A_28 = arith.addf %mul3A, %add3A_27 : vector<400xf32>
    %broadcast_in_dim3A = vector.shape_cast %add3A_28 : vector<400xf32> to vector<400x1xf32>
    %broadcast_in_dim3A_29 = vector.shape_cast %broadcast_in_dim3A : vector<400x1xf32> to vector<400x1xf32>
    %broadcast_in_dim3A_30 = vector.broadcast %broadcast_in_dim3A_29 : vector<400x1xf32> to vector<400x8xf32>
    %swap3A = arith.constant 0 : index
    %swap3A_31 = arith.constant 0 : index
    %swap3A_32 = vector.load %arg5[%swap3A, %swap3A_31] : memref<400x8xf32, #tpu.memory_space<vmem>>, vector<400x8xf32>
    tpu.vector_store %arg5[%swap3A, %swap3A_31], %broadcast_in_dim3A_30 {strides = array<i32>} : memref<400x8xf32, #tpu.memory_space<vmem>>, vector<400x8xf32>,
    return
  }
  func.func @transform_0(%arg0: i32) -> (i32, i32) {
    %c0_i32 = arith.constant 0 : i32
    %c0_i32_0 = arith.constant 0 : i32
    return %arg0, %c0_i32 : i32, i32
  }
  func.func @transform_1(%arg0: i32) -> (i32, i32) {
    %c0_i32 = arith.constant 0 : i32
    %c0_i32_0 = arith.constant 0 : i32
    return %arg0, %c0_i32 : i32, i32
  }
  func.func @transform_2(%arg0: i32) -> (i32, i32) {
    %c0_i32 = arith.constant 0 : i32
    %c0_i32_0 = arith.constant 0 : i32
    return %arg0, %c0_i32 : i32, i32
  }
  func.func @transform_3(%arg0: i32) -> (i32, i32) {
    %c0_i32 = arith.constant 0 : i32
    %c0_i32_0 = arith.constant 0 : i32
    %c0_i32_1 = arith.constant 0 : i32
    return %c0_i32, %c0_i32_0 : i32, i32
  }
  func.func @transform_4(%arg0: i32) -> (i32, i32) {
    %c0_i32 = arith.constant 0 : i32
    %c0_i32_0 = arith.constant 0 : i32
    return %arg0, %c0_i32 : i32, i32
  }
}

</mosaic_0001>

<sc_bundles>
// kernel: _run.10.cloned.1.call-start
scs
__scs_entry_jumppad:
0x0: {  	(pc) =	sbr.rel $0x88, $3  }
0x1: {  	(tag) =	ssettag $0x0;
	lr =	simm.s32 $0x1  }
0x2: {  	[smem:$0x3F98] =	sst lr;
	_ =	strace $0xD0000000  }
0x3: {  	_ = 	snop  }
0x4: {  	_ = 	snop  }
0x5: {  	_ = 	snop  }
0x6: {  	_ = 	snop  }
0x7: {  	_ = 	snop  }
__scs_overlays_trampoline_lowered:
0x8: {  	[smem:$0x3FA7] =	sst s0  }
0x9: {  	[smem:$0x3FA8] =	sst s1  }
0xa: {  	[smem:$0x3FA9] =	sst s2  }
0xb: {  	[smem:$0x3FAA] =	sst s3  }
0xc: {  	[smem:$0x3FAB] =	sst s4  }
0xd: {  	[smem:$0x3FAC] =	sst s5  }
0xe: {  	[smem:$0x3FAD] =	sst s6  }
0xf: {  	[smem:$0x3FAE] =	sst s7  }
0x10: {  	[smem:$0x3FAF] =	sst s8  }
0x11: {  	[smem:$0x3FB0] =	sst s9;
	s0 =	simm.s32 @!p0 $0x0  }
0x12: {  	s1 =	sld [smem:$0x3F96];
	s0 =	simm.s32 @p0 $0x1  }
0x13: {  	[smem:$0x3FB1] =	sst s0;
	s0 =	simm.s32 @!p1 $0x0  }
0x14: {  	s2 =	sld [smem:$0x3F95];
	s0 =	simm.s32 @p1 $0x1  }
0x15: {  	[smem:$0x3FB2] =	sst s0;
	s0 =	simm.s32 @!p2 $0x0  }
0x16: {  	s3 =	sld [smem:$0x3FDB];
	s0 =	simm.s32 @p2 $0x1  }
0x17: {  	s4 =	simm.s32 $0x1BF5;
	[smem:$0x3FB4] =	sst s0  }
0x18: {  	s0 =	sld [smem:$0x3F97];
	_ =	swait.ge [sflag:s4], $0x0  }
0x19: {  	s7 =	sld [smem:$0x3F98]  }
0x1a: {  	s8 =	sadd.s32 $0xFFFFE003, lr  }
0x1b: {  	s9 =	sadd.s32 $0xFFFFFEF7, lr;
	s5 =	simm.s32 $0xFFFFFFFF;
	p2 =	slt.u32 s8, $0xFFFFF086  }
0x1c: {  	p1 =	slt.u32 s9, $0xF7A;
	s5 =	simm.s32 @!p2 $0x0  }
0x1d: {  	s5 =	simm.s32 @p1 $0x1;
	p0 =	seq.s32 s7, s2  }
0x1e: {  	s7 =	smul.u32 @!p0 $0xF7A, s2;
	p2 =	seq.s32 @!p0 s5, $0x0  }
0x1f: {  	s9 =	smul.u32 $0xF7A, s1;
	s8 =	simm.s32 @!p0 $0x1BF5;
	p2 =	por !p2, p0  }
0x20: {  	[sflag:s8] =	ssyncset.s32 @!p0 $0xFFFFF086;
	s6 =	sadd.s32 @!p0 s3, s7;
	s7 =	simm.s32 @!p0 $0x108  }
0x21: {  	s3 =	sadd.s32 s3, s9;
	s6 =	sadd.s32 @!p0 $0x88, s6;
	s7 =	simm.s32 @p2 $0x1082  }
0x22: {  	[simem:s7], [sflag:s8] =	dma.local @!p0 [hbm:s6], $0xF7A  }
0x23: {  	s9 =	sor.u32 $0xD0000000, s2;
	s6 =	simm.s32 $0x108;
	_ =	swait.ge @!p0 [sflag:s8], $0x0  }
0x24: {  	s3 =	sadd.s32 $0x88, s3;
	s6 =	simm.s32 @!p1 $0x1082;
	[sflag:s4] =	ssyncset.s32 $0xFFFFF086  }
0x25: {  	[simem:s6], [sflag:s4] =	dma.local [hbm:s3], $0xF7A  }
0x26: {  	[smem:$0x3F98] =	sst s1;
	(tag) =	ssettag s2;
	_ =	strace s9  }
0x27: {  	s1 =	sld [smem:$0x3FA8]  }
0x28: {  	s2 =	sld [smem:$0x3FA9]  }
0x29: {  	s4 =	sld [smem:$0x3FAB]  }
0x2a: {  	p0 =	seq.s32 s5, $0x0;
	s5 =	sld [smem:$0x3FAC]  }
0x2b: {  	s6 =	sld [smem:$0x3FAD]  }
0x2c: {  	s7 =	sld [smem:$0x3FAE]  }
0x2d: {  	s3 =	simm.s32 $0x108;
	s8 =	sld [smem:$0x3FAF]  }
0x2e: {  	s3 =	simm.s32 @!p0 $0x1082;
	s9 =	sld [smem:$0x3FB0]  }
0x2f: {  	lr =	sadd.s32 s0, s3;
	s0 =	sld [smem:$0x3FA7]  }
0x30: {  	s3 =	sld [smem:$0x3FAA]  }
0x31: {  	[smem:$0x3FB3] =	sst s10  }
0x32: {  	s10 =	sld [smem:$0x3FB1];
	_ =	sdelay $0x3  }
0x33: {  	p0 =	seq.s32 s10, $0x1;
	s10 =	sld [smem:$0x3FB3];
	_ =	sdelay $0x3  }
0x34: {  	[smem:$0x3FB3] =	sst s10  }
0x35: {  	s10 =	sld [smem:$0x3FB2];
	_ =	sdelay $0x3  }
0x36: {  	p1 =	seq.s32 s10, $0x1;
	s10 =	sld [smem:$0x3FB3];
	_ =	sdelay $0x3  }
0x37: {  	[smem:$0x3FB3] =	sst s10  }
0x38: {  	s10 =	sld [smem:$0x3FB4]  }
0x39: {  	_ = 	snop;
	(pc) =	sbr.ind lr, $3  }
0x3a: {  	_ = 	snop  }
0x3b: {  	_ = 	snop  }
0x3c: {  	p2 =	seq.s32 s10, $0x1;
	s10 =	sld [smem:$0x3FB3]  }
0x3d: {  	_ =	shalt  }
0x3e: {  	_ =	shalt  }
0x3f: {  	_ =	shalt  }
0x40: {  	_ =	shalt  }
0x41: {  	_ =	shalt  }
0x42: {  	_ =	shalt  }
0x43: {  	_ =	shalt  }
0x44: {  	_ =	shalt  }
0x45: {  	_ =	shalt  }
0x46: {  	_ =	shalt  }
0x47: {  	_ =	shalt  }
0x48: {  	_ =	shalt  }
0x49: {  	_ =	shalt  }
0x4a: {  	_ =	shalt  }
0x4b: {  	_ =	shalt  }
0x4c: {  	_ =	shalt  }
0x4d: {  	_ =	shalt  }
0x4e: {  	_ =	shalt  }
0x4f: {  	_ =	shalt  }
0x50: {  	_ =	shalt  }
0x51: {  	_ =	shalt  }
0x52: {  	_ =	shalt  }
0x53: {  	_ =	shalt  }
0x54: {  	_ =	shalt  }
0x55: {  	_ =	shalt  }
0x56: {  	_ =	shalt  }
0x57: {  	_ =	shalt  }
0x58: {  	_ =	shalt  }
0x59: {  	_ =	shalt  }
0x5a: {  	_ =	shalt  }
0x5b: {  	_ =	shalt  }
0x5c: {  	_ =	shalt  }
0x5d: {  	_ =	shalt  }
0x5e: {  	_ =	shalt  }
0x5f: {  	_ =	shalt  }
0x60: {  	_ =	shalt  }
0x61: {  	_ =	shalt  }
0x62: {  	_ =	shalt  }
0x63: {  	_ =	shalt  }
0x64: {  	_ =	shalt  }
0x65: {  	_ =	shalt  }
0x66: {  	_ =	shalt  }
0x67: {  	_ =	shalt  }
0x68: {  	_ =	shalt  }
0x69: {  	_ =	shalt  }
0x6a: {  	_ =	shalt  }
0x6b: {  	_ =	shalt  }
0x6c: {  	_ =	shalt  }
0x6d: {  	_ =	shalt  }
0x6e: {  	_ =	shalt  }
0x6f: {  	_ =	shalt  }
0x70: {  	_ =	shalt  }
0x71: {  	_ =	shalt  }
0x72: {  	_ =	shalt  }
0x73: {  	_ =	shalt  }
0x74: {  	_ =	shalt  }
0x75: {  	_ =	shalt  }
0x76: {  	_ =	shalt  }
0x77: {  	_ =	shalt  }
0x78: {  	_ =	shalt  }
0x79: {  	_ =	shalt  }
0x7a: {  	_ =	shalt  }
0x7b: {  	_ =	shalt  }
0x7c: {  	_ =	shalt  }
0x7d: {  	_ =	shalt  }
0x7e: {  	_ =	shalt  }
0x7f: {  	_ =	shalt  }
0x80: {  	_ =	shalt  }
0x81: {  	_ =	shalt  }
0x82: {  	_ =	shalt  }
0x83: {  	_ =	shalt  }
0x84: {  	_ =	shalt  }
0x85: {  	_ =	shalt  }
0x86: {  	_ =	shalt  }
0x87: {  	_ =	shalt  }
.Lfunc_end0:
.L_simem_size_0:
called_computation_lowered:
.L_overlay_start_0:
0x88: {  	s2 =	sld [smem:$0x3FD9]  }
0x89: {  	s3 =	sld [smem:$0x3FFE];
	_ =	sdelay $0x1  }
0x8a: {  	s1 =	srdreg.scid  }
0x8b: {  	s0 =	sand.u32 $0x1, s1  }
0x8c: {  	s17 =	sshll.u32 s0, $0xA;
	s2 =	sadd.s32 s3, s2  }
0x8d: {  	s2 =	sadd.s32 s2, s17  }
0x8e: {  	[smem:$0x3FBF] =	sst s2  }
0x8f: {  	_ = 	snop  }
0x90: {  	s2 =	sld [smem:$0x3FC7];
	(tm) =	ssettm $0x1  }
0x91: {  	s18 =	sld [smem:$0x3FFB];
	_ =	sdelay $0x3  }
0x92: {  	_ =	strace s18  }
0x93: {  	s3 =	sld [smem:$0x3FFC];
	_ =	sdelay $0x3  }
0x94: {  	_ =	strace s3  }
0x95: {  	s3 =	sld [smem:$0x3FFD];
	_ =	sdelay $0x3  }
0x96: {  	_ =	strace s3  }
0x97: {  	_ =	strace $0x8FFFFFFF  }
0x98: {  	s19 =	sld [smem:$0x3FDB];
	_ =	sdelay $0x1  }
0x99: {  	s4 =	simm.s32 $_scs_section_size  }
0x9a: {  	s5 =	simm.s32 $_size__tile_overlayer_lowered;
	s6 =	simm.s32 $_tile_overlayer_lowered  }
0x9b: {  	s22 =	simm.s32 $0x1BFF;
	s21 =	sshll.u32 s6, $0x1;
	s3 =	sadd.s32 s4, s19  }
0x9c: {  	s7 =	simm.s32 $0x0;
	s20 =	sshll.u32 s5, $0x1;
	s5 =	sadd.s32 s21, s3  }
0x9d: {  	[timem:s7], [sflag:s22] =	dma.local [hbm:s5], s20  }
0x9e: {  	_ =	swait.ge [sflag:s22], s20  }
0x9f: {  	s4 =	ssub.s32 $0x0, s20;
	[sflag:s22] =	ssyncset.done $0x0  }
0xa0: {  	[sflag:s22] =	ssyncadd.s32 s4;
	_ =	sdelay $0x1  }
0xa1: {  	s23 =	simm.s32 $0x1B8B  }
0xa2: {  	_ =	swait.ge [sflag:s23], $0x1  }
0xa3: {  	[sflag:s23] =	ssyncset.done $0x0  }
0xa4: {  	s25 =	simm.s32 $0x1B8E;
	s24 =	sld [smem:$0x3FFE];
	[sflag:s23] =	ssyncadd.s32 $0xFFFFFFFF  }
0xa5: {  	s26 =	simm.s32 $execute0_lowered;
	[smem:$0x3FD2] =	sst s25  }
0xa6: {  	s5 =	sshll.u32 s26, $0x1;
	_ =	strace $0x80000046;
	[dreg:$0x1] =	wrdreg $0xFFFFFFFF  }
0xa7: {  	s28 =	simm.s32 $_size_execute0_lowered;
	s3 =	sadd.s32 s3, s5;
	[dreg:$0x0] =	wrdreg $0x0  }
0xa8: {  	s5 =	sshll.u32 s28, $0x1;
	[dreg:$0x2] =	wrdreg s3  }
0xa9: {  	[dreg:$0x3] =	wrdreg s5  }
0xaa: {  	[dreg:$0x4] =	wrdreg $0xC0  }
0xab: {  	_ =	task [dreg:s7], $0x5FFFF  }
0xac: {  	[dreg:$0x1] =	wrdreg $0xFFFFFFFF  }
0xad: {  	[dreg:$0x0] =	wrdreg $0x60  }
0xae: {  	[dreg:$0x2] =	wrdreg s2  }
0xaf: {  	[dreg:$0x3] =	wrdreg s24  }
0xb0: {  	[dreg:$0x4] =	wrdreg $0x54800  }
0xb1: {  	[dreg:$0x5] =	wrdreg $0x9  }
0xb2: {  	_ =	task.clear_ibuf [dreg:s7], $0x6FFFF;
	_ =	strace $0x90000046  }
0xb3: {  	s29 =	simm.s32 $0x9;
	_ =	strace $0x80000048  }
0xb4: {  	_ =	swait.ge [sflag:s29], $0x1  }
0xb5: {  	[sflag:s29] =	ssyncadd.s32 $0xFFFFFFFF  }
0xb6: {  	_ =	strace $0x90000048  }
0xb7: {  	_ =	sfence  }
0xb8: {  	s30 =	sld [smem:$0x0];
	_ =	sdelay $0x2  }
0xb9: {  	s31 =	sshll.u32 s1, $0xD;
	s1 =	sshrl.u32 s1, $0x2  }
0xba: {  	s3 =	sand.u32 $0x4000, s31;
	s1 =	sadd.s32 s1, s30  }
0xbb: {  	s0 =	sor.u32 s3, s0;
	s1 =	sshll.u32 s1, $0x11  }
0xbc: {  	s0 =	sor.u32 s1, s0  }
0xbd: {  	s0 =	sadd.s32 $0x8F2B, s0  }
0xbe: {  	[sflag:s0] =	ssyncadd.remote.s32 $0x1  }
0xbf: {  	_ =	sfence.sel $0xFFFF  }
0xc0: {  	[dreg:$0x0] =	wrdreg $0xFFFFFFFF;
	(pc) =	sbr.abs _section_cstart, $3  }
0xc1: {  	[dreg:$0x1] =	wrdreg $0xFFFFFFFF  }
0xc2: {  	_ =	task.clear_ibuf [dreg:s7], $0x2FFFF;
	_ =	strace $0x9FFFFFFF  }
0xc3: {  	(tm) =	ssettm $0x7FFFFFFF  }
tec
execute0_lowered:
.L_overlay_start_1:
0x0: {  	(tag) =	ssettag $0x1  }
0x1: {  	s3 =	rddreg [dreg:$0x0]  }
0x2: {  	s1 =	srdreg.scid;
	s4 =	rddreg [dreg:$0x1]  }
0x3: {  	s0 =	stileid.u32;
	s7 =	rddreg [dreg:$0x2]  }
0x4: {  	s2 =	simm.s32 $0x0;
	s11 =	simm.s32 $0x400;
	s12 =	simm.s32 $0x5200  }
0x5: {  	s13 =	simm.s32 $0x4F80;
	s5 =	sand.u32 $0x1, s1;
	s1 =	rddreg [dreg:$0x3]  }
0x6: {  	s14 =	simm.s32 $0x0;
	s6 =	smul.u32 $0x280, s0;
	[smem:$0x7FF] =	sst s2  }
0x7: {  	s29 =	sshrl.u32 s0, $0x3;
	s31 =	smul.u32 $0x5000, s0;
	s10 =	sshll.u32 s0, $0x7  }
0x8: {  	s8 =	smul.u32 $0x2800, s5;
	_ =	strace $0x80000047;
	s28 =	ssub.s32 $0x2, s5  }
0x9: {  	s5 =	sshll.u32 s5, $0x4;
	s10 =	sand.u32 $0x380, s10;
	s9 =	sshrl.u32 s28, $0x1  }
0xa: {  	s30 =	sor.u32 s0, s5;
	s6 =	sadd.s32 s6, s8;
	s8 =	smul.u32 $0x50000, s29  }
0xb: {  	s5 =	sshrl.u32 s31, $0x2;
	s9 =	ssub.s32 s28, s9;
	s6 =	sshrl.u32 s6, $0x3  }
0xc: {  	s6 =	sadd.s32 s6, s4;
	s4 =	smul.u32 $0x4E2, s30;
	s8 =	sshrl.u32 s8, $0x2  }
0xd: {  	s5 =	sadd.s32 s5, s7;
	s8 =	sadd.s32 s8, s7;
	s6 =	sadd.s32 $0x3200, s6  }
0xe: {  	s7 =	smax.u32 s9, $0x1;
	s9 =	simm.s32 $0x2780;
	s3 =	sadd.s32 s3, s4  }
0xf: {  	v0 =	vimm.f32 $0.0e+00;
	v1 =	vimm.f32 $1.000000000e+00;
	s4 =	sadd.s32 s10, s8;
	s8 =	simm.s32 $0x1;
	s10 =	simm.s32 $0x80  }
.LBB2_1:
0x10: {  	[tilespmem:s2], [sflag:$0x1] =	stream.linear.gather [hbm4b:s3+s2], $0x2710, $0x38;
	[tilespmem:$0x7C80] =	vst v63  }
0x11: {  	_ =	swait.ge [sflag:s8], $0x2710  }
0x12: {  	[sflag:s8] =	ssyncset.done $0x0  }
0x13: {  	s15 =	simm.s32 $0x0;
	[sflag:s8] =	ssyncadd.s32 $0xFFFFD8F0  }
.LBB2_2:
0x14: {  	p0 =	sne.s32 s15, $0x9FC0  }
.Ltmp0:
0x15: {  	_ = 	snop;
	(pc) =	sbr.rel @p0 .LBB2_2-.Ltmp0, $3  }
0x16: {  	_ =	sdelay $0x1  }
0x17: {  	s16 =	sshra.s32 s15, $0x2  }
0x18: {  	s15 =	sadd.s32 $0x40, s15;
	[tilespmem:s16+$0x2780] =	vst v0  }
0x19: {  	s16 =	simm.s32 $0x0;
	s15 =	simm.s32 $0x40  }
.LBB2_4:
0x1a: {  	p0 =	sne.s32 s15, $0x9C00;
	v2 =	vld [tilespmem:s16+$0x0];
	_ =	sdelay $0x3  }
.Ltmp1:
0x1b: {  	(pc) =	sbr.rel @p0 .LBB2_4-.Ltmp1, $2  }
0x1c: {  	_ =	sdelay $0x2  }
0x1d: {  	s16 =	sshra.s32 s15, $0x2;
	s15 =	sadd.s32 $0x40, s15;
	[tilespmem:v2+s9+$0x0] =	vst.idx.add.f32.msk $0xffff, v1  }
0x1e: {  	v2 =	vld [tilespmem:s16+$0x0];
	_ =	sdelay $0x7  }
0x1f: {  	s15 =	simm.s32 $0x1;
	[tilespmem:v2+s9+$0x0] =	vst.idx.add.f32.msk $0xffff, v1  }
0x20: {  	[spmem:s4] =	stream.strided.scatter [tilespmem:s9], [sflag:$0x1], $0x2800, s11, s10, $0x38;
	[tilespmem:$0x7C80] =	vst v63  }
0x21: {  	_ =	swait.ge [sflag:s15], $0x2800  }
0x22: {  	[sflag:s15] =	ssyncset.done $0x0  }
0x23: {  	[sflag:s15] =	ssyncadd.s32 $0xFFFFD800  }
0x24: {  	[bflag:$0x0] =	sbarrier.arrive $0xFFFF  }
0x25: {  	[tilespmem:s12], [sflag:$0x1] =	stream.strided.gather [spmem:s5], $0x280, s11, s10, $0x38;
	[tilespmem:$0x7C80] =	vst v63  }
0x26: {  	_ =	swait.ge [sflag:s15], $0x280  }
0x27: {  	[sflag:s15] =	ssyncset.done $0x0  }
0x28: {  	[sflag:s15] =	ssyncadd.s32 $0xFFFFFD80  }
.LBB2_6:
0x29: {  	s16 =	sshrl.u32 s15, $0x3  }
0x2a: {  	s16 =	smul.u32 $0x50000, s16;
	_ =	sdelay $0x1  }
0x2b: {  	s17 =	sshll.u32 s15, $0x7;
	s16 =	sshra.s32 s16, $0x2  }
0x2c: {  	s17 =	sand.u32 $0x380, s17;
	s16 =	sadd.s32 s16, s5  }
0x2d: {  	s16 =	sadd.s32 s17, s16  }
0x2e: {  	[tilespmem:s13], [sflag:$0x1] =	stream.strided.gather [spmem:s16], $0x280, s11, s10, $0x38;
	[tilespmem:$0x7C80] =	vst v63  }
0x2f: {  	_ =	swait.ge [sflag:s8], $0x280  }
0x30: {  	[sflag:s8] =	ssyncset.done $0x0  }
0x31: {  	s16 =	simm.s32 $0x0;
	[sflag:s8] =	ssyncadd.s32 $0xFFFFFD80  }
0x32: {  	s17 =	simm.s32 $0x40;
	v2 =	vld [tilespmem:s16+$0x4F80]  }
.LBB2_7:
0x33: {  	p0 =	sne.s32 s17, $0x9C0;
	v3 =	vld [tilespmem:s16+$0x5200];
	_ =	sdelay $0x2  }
.Ltmp2:
0x34: {  	(pc) =	sbr.rel @p0 .LBB2_7-.Ltmp2, $4  }
0x35: {  	_ = 	snop  }
0x36: {  	v3 =	vadd.f32 v2, v3  }
0x37: {  	s18 =	sshra.s32 s17, $0x2  }
0x38: {  	s17 =	sadd.s32 $0x40, s17;
	v2 =	vld [tilespmem:s18+$0x4F80];
	[tilespmem:s16+$0x5200] =	vst v3;
	s16 =	smov.u32 s18  }
0x39: {  	v3 =	vld [tilespmem:s16+$0x5200]  }
0x3a: {  	s15 =	sadd.s32 $0x1, s15  }
0x3b: {  	p0 =	sne.s32 s15, $0x10  }
.Ltmp3:
0x3c: {  	_ = 	snop;
	(pc) =	sbr.rel @p0 .LBB2_6-.Ltmp3, $3  }
0x3d: {  	_ = 	snop  }
0x3e: {  	v2 =	vadd.f32 v2, v3;
	_ =	sdelay $0x1  }
0x3f: {  	[tilespmem:s16+$0x5200] =	vst v2  }
0x40: {  	s14 =	sadd.s32 $0x1, s14  }
0x41: {  	p0 =	sne.s32 s14, s7  }
.Ltmp4:
0x42: {  	_ = 	snop;
	(pc) =	sbr.rel @p0 .LBB2_1-.Ltmp4, $4  }
0x43: {  	[hbm4b:s6+s2] =	stream.linear.scatter [tilespmem:s12], [sflag:$0x1], $0x280, $0x38;
	[tilespmem:$0x7C80] =	vst v63  }
0x44: {  	_ =	swait.ge [sflag:s8], $0x280  }
0x45: {  	[sflag:s8] =	ssyncset.done $0x0  }
0x46: {  	[sflag:s8] =	ssyncadd.s32 $0xFFFFFD80  }
0x47: {  	_ =	sfence.sel $0x180000  }
0x48: {  	[bflag:$0x0] =	sbarrier.arrive $0xFFFF  }
0x49: {  	p0 =	sne.s32 s0, $0x0;
	_ =	strace $0x90000047  }
0x4a: {  	s0 =	sadd.s32 @!p0 $0x100000, s1;
	[bflag:$0x2] =	sbarrier.arrive $0xFFFF  }
0x4b: {  	[sflag:s0] =	ssyncadd.tile.s32 @!p0 $0x1;
	_ =	shalt  }
.Lfunc_end2:
_tile_overlayer_lowered:
.L_overlay_start_2:
0x4c: {  	(tag) =	ssettag $0x2  }
0x4d: {  	s0 =	rddreg [dreg:$0x0];
	s2 =	stileid.u32  }
0x4e: {  	s1 =	rddreg [dreg:$0x1];
	p0 =	sne.s32 s2, $0x0  }
0x4f: {  	s3 =	rddreg [dreg:$0x2];
	[bflag:$0x3] =	sbarrier.arrive $0xFFFF;
	s2 =	simm.s32 @!p0 $0x1C01  }
0x50: {  	[timem:s3], [sflag:s2] =	dma.local @!p0 [hbm:s0], s1  }
0x51: {  	s0 =	simm.s32 @!p0 $0x1  }
0x52: {  	_ =	swait.ge @!p0 [sflag:s0], s1  }
0x53: {  	s1 =	ssub.s32 @!p0 $0x0, s1;
	[sflag:s0] =	ssyncset.done @!p0 $0x0  }
0x54: {  	[sflag:s0] =	ssyncadd.s32 @!p0 s1  }
0x55: {  	[bflag:$0x3] =	sbarrier.arrive $0xFFFF  }
0x56: {  	_ =	shalt  }

// kernel: _run.13.cloned.1.call-start
scs
__scs_entry_jumppad:
0x0: {  	(pc) =	sbr.rel $0x88, $3  }
0x1: {  	(tag) =	ssettag $0x0;
	lr =	simm.s32 $0x1  }
0x2: {  	[smem:$0x3F98] =	sst lr;
	_ =	strace $0xD0000000  }
0x3: {  	_ = 	snop  }
0x4: {  	_ = 	snop  }
0x5: {  	_ = 	snop  }
0x6: {  	_ = 	snop  }
0x7: {  	_ = 	snop  }
__scs_overlays_trampoline_lowered:
0x8: {  	[smem:$0x3FA7] =	sst s0  }
0x9: {  	[smem:$0x3FA8] =	sst s1  }
0xa: {  	[smem:$0x3FA9] =	sst s2  }
0xb: {  	[smem:$0x3FAA] =	sst s3  }
0xc: {  	[smem:$0x3FAB] =	sst s4  }
0xd: {  	[smem:$0x3FAC] =	sst s5  }
0xe: {  	[smem:$0x3FAD] =	sst s6  }
0xf: {  	[smem:$0x3FAE] =	sst s7  }
0x10: {  	[smem:$0x3FAF] =	sst s8  }
0x11: {  	[smem:$0x3FB0] =	sst s9;
	s0 =	simm.s32 @!p0 $0x0  }
0x12: {  	s1 =	sld [smem:$0x3F96];
	s0 =	simm.s32 @p0 $0x1  }
0x13: {  	[smem:$0x3FB1] =	sst s0;
	s0 =	simm.s32 @!p1 $0x0  }
0x14: {  	s2 =	sld [smem:$0x3F95];
	s0 =	simm.s32 @p1 $0x1  }
0x15: {  	[smem:$0x3FB2] =	sst s0;
	s0 =	simm.s32 @!p2 $0x0  }
0x16: {  	s3 =	sld [smem:$0x3FDB];
	s0 =	simm.s32 @p2 $0x1  }
0x17: {  	s4 =	simm.s32 $0x1BF5;
	[smem:$0x3FB4] =	sst s0  }
0x18: {  	s0 =	sld [smem:$0x3F97];
	_ =	swait.ge [sflag:s4], $0x0  }
0x19: {  	s7 =	sld [smem:$0x3F98]  }
0x1a: {  	s8 =	sadd.s32 $0xFFFFE003, lr  }
0x1b: {  	s9 =	sadd.s32 $0xFFFFFEF7, lr;
	s5 =	simm.s32 $0xFFFFFFFF;
	p2 =	slt.u32 s8, $0xFFFFF086  }
0x1c: {  	p1 =	slt.u32 s9, $0xF7A;
	s5 =	simm.s32 @!p2 $0x0  }
0x1d: {  	s5 =	simm.s32 @p1 $0x1;
	p0 =	seq.s32 s7, s2  }
0x1e: {  	s7 =	smul.u32 @!p0 $0xF7A, s2;
	p2 =	seq.s32 @!p0 s5, $0x0  }
0x1f: {  	s9 =	smul.u32 $0xF7A, s1;
	s8 =	simm.s32 @!p0 $0x1BF5;
	p2 =	por !p2, p0  }
0x20: {  	[sflag:s8] =	ssyncset.s32 @!p0 $0xFFFFF086;
	s6 =	sadd.s32 @!p0 s3, s7;
	s7 =	simm.s32 @!p0 $0x108  }
0x21: {  	s3 =	sadd.s32 s3, s9;
	s6 =	sadd.s32 @!p0 $0x88, s6;
	s7 =	simm.s32 @p2 $0x1082  }
0x22: {  	[simem:s7], [sflag:s8] =	dma.local @!p0 [hbm:s6], $0xF7A  }
0x23: {  	s9 =	sor.u32 $0xD0000000, s2;
	s6 =	simm.s32 $0x108;
	_ =	swait.ge @!p0 [sflag:s8], $0x0  }
0x24: {  	s3 =	sadd.s32 $0x88, s3;
	s6 =	simm.s32 @!p1 $0x1082;
	[sflag:s4] =	ssyncset.s32 $0xFFFFF086  }
0x25: {  	[simem:s6], [sflag:s4] =	dma.local [hbm:s3], $0xF7A  }
0x26: {  	[smem:$0x3F98] =	sst s1;
	(tag) =	ssettag s2;
	_ =	strace s9  }
0x27: {  	s1 =	sld [smem:$0x3FA8]  }
0x28: {  	s2 =	sld [smem:$0x3FA9]  }
0x29: {  	s4 =	sld [smem:$0x3FAB]  }
0x2a: {  	p0 =	seq.s32 s5, $0x0;
	s5 =	sld [smem:$0x3FAC]  }
0x2b: {  	s6 =	sld [smem:$0x3FAD]  }
0x2c: {  	s7 =	sld [smem:$0x3FAE]  }
0x2d: {  	s3 =	simm.s32 $0x108;
	s8 =	sld [smem:$0x3FAF]  }
0x2e: {  	s3 =	simm.s32 @!p0 $0x1082;
	s9 =	sld [smem:$0x3FB0]  }
0x2f: {  	lr =	sadd.s32 s0, s3;
	s0 =	sld [smem:$0x3FA7]  }
0x30: {  	s3 =	sld [smem:$0x3FAA]  }
0x31: {  	[smem:$0x3FB3] =	sst s10  }
0x32: {  	s10 =	sld [smem:$0x3FB1];
	_ =	sdelay $0x3  }
0x33: {  	p0 =	seq.s32 s10, $0x1;
	s10 =	sld [smem:$0x3FB3];
	_ =	sdelay $0x3  }
0x34: {  	[smem:$0x3FB3] =	sst s10  }
0x35: {  	s10 =	sld [smem:$0x3FB2];
	_ =	sdelay $0x3  }
0x36: {  	p1 =	seq.s32 s10, $0x1;
	s10 =	sld [smem:$0x3FB3];
	_ =	sdelay $0x3  }
0x37: {  	[smem:$0x3FB3] =	sst s10  }
0x38: {  	s10 =	sld [smem:$0x3FB4]  }
0x39: {  	_ = 	snop;
	(pc) =	sbr.ind lr, $3  }
0x3a: {  	_ = 	snop  }
0x3b: {  	_ = 	snop  }
0x3c: {  	p2 =	seq.s32 s10, $0x1;
	s10 =	sld [smem:$0x3FB3]  }
0x3d: {  	_ =	shalt  }
0x3e: {  	_ =	shalt  }
0x3f: {  	_ =	shalt  }
0x40: {  	_ =	shalt  }
0x41: {  	_ =	shalt  }
0x42: {  	_ =	shalt  }
0x43: {  	_ =	shalt  }
0x44: {  	_ =	shalt  }
0x45: {  	_ =	shalt  }
0x46: {  	_ =	shalt  }
0x47: {  	_ =	shalt  }
0x48: {  	_ =	shalt  }
0x49: {  	_ =	shalt  }
0x4a: {  	_ =	shalt  }
0x4b: {  	_ =	shalt  }
0x4c: {  	_ =	shalt  }
0x4d: {  	_ =	shalt  }
0x4e: {  	_ =	shalt  }
0x4f: {  	_ =	shalt  }
0x50: {  	_ =	shalt  }
0x51: {  	_ =	shalt  }
0x52: {  	_ =	shalt  }
0x53: {  	_ =	shalt  }
0x54: {  	_ =	shalt  }
0x55: {  	_ =	shalt  }
0x56: {  	_ =	shalt  }
0x57: {  	_ =	shalt  }
0x58: {  	_ =	shalt  }
0x59: {  	_ =	shalt  }
0x5a: {  	_ =	shalt  }
0x5b: {  	_ =	shalt  }
0x5c: {  	_ =	shalt  }
0x5d: {  	_ =	shalt  }
0x5e: {  	_ =	shalt  }
0x5f: {  	_ =	shalt  }
0x60: {  	_ =	shalt  }
0x61: {  	_ =	shalt  }
0x62: {  	_ =	shalt  }
0x63: {  	_ =	shalt  }
0x64: {  	_ =	shalt  }
0x65: {  	_ =	shalt  }
0x66: {  	_ =	shalt  }
0x67: {  	_ =	shalt  }
0x68: {  	_ =	shalt  }
0x69: {  	_ =	shalt  }
0x6a: {  	_ =	shalt  }
0x6b: {  	_ =	shalt  }
0x6c: {  	_ =	shalt  }
0x6d: {  	_ =	shalt  }
0x6e: {  	_ =	shalt  }
0x6f: {  	_ =	shalt  }
0x70: {  	_ =	shalt  }
0x71: {  	_ =	shalt  }
0x72: {  	_ =	shalt  }
0x73: {  	_ =	shalt  }
0x74: {  	_ =	shalt  }
0x75: {  	_ =	shalt  }
0x76: {  	_ =	shalt  }
0x77: {  	_ =	shalt  }
0x78: {  	_ =	shalt  }
0x79: {  	_ =	shalt  }
0x7a: {  	_ =	shalt  }
0x7b: {  	_ =	shalt  }
0x7c: {  	_ =	shalt  }
0x7d: {  	_ =	shalt  }
0x7e: {  	_ =	shalt  }
0x7f: {  	_ =	shalt  }
0x80: {  	_ =	shalt  }
0x81: {  	_ =	shalt  }
0x82: {  	_ =	shalt  }
0x83: {  	_ =	shalt  }
0x84: {  	_ =	shalt  }
0x85: {  	_ =	shalt  }
0x86: {  	_ =	shalt  }
0x87: {  	_ =	shalt  }
.Lfunc_end0:
.L_simem_size_0:
called_computation.1_lowered:
.L_overlay_start_0:
0x88: {  	s2 =	sld [smem:$0x3FD9]  }
0x89: {  	s3 =	sld [smem:$0x3FFE];
	_ =	sdelay $0x1  }
0x8a: {  	s1 =	srdreg.scid  }
0x8b: {  	s0 =	sand.u32 $0x1, s1  }
0x8c: {  	s16 =	sshll.u32 s0, $0xA;
	s2 =	sadd.s32 s3, s2  }
0x8d: {  	s2 =	sadd.s32 s2, s16  }
0x8e: {  	[smem:$0x3FBF] =	sst s2  }
0x8f: {  	_ = 	snop  }
0x90: {  	(tm) =	ssettm $0x1  }
0x91: {  	s17 =	sld [smem:$0x3FFB];
	_ =	sdelay $0x3  }
0x92: {  	_ =	strace s17  }
0x93: {  	s2 =	sld [smem:$0x3FFC];
	_ =	sdelay $0x3  }
0x94: {  	_ =	strace s2  }
0x95: {  	s2 =	sld [smem:$0x3FFD];
	_ =	sdelay $0x3  }
0x96: {  	_ =	strace s2  }
0x97: {  	_ =	strace $0x8FFFFFFF  }
0x98: {  	s18 =	sld [smem:$0x3FDB];
	_ =	sdelay $0x1  }
0x99: {  	s19 =	simm.s32 $_scs_section_size  }
0x9a: {  	s4 =	simm.s32 $_size__tile_overlayer_lowered;
	s5 =	simm.s32 $_tile_overlayer_lowered  }
0x9b: {  	s22 =	simm.s32 $0x1BFF;
	s21 =	sshll.u32 s5, $0x1;
	s2 =	sadd.s32 s19, s18  }
0x9c: {  	s6 =	simm.s32 $0x0;
	s20 =	sshll.u32 s4, $0x1;
	s4 =	sadd.s32 s21, s2  }
0x9d: {  	[timem:s6], [sflag:s22] =	dma.local [hbm:s4], s20  }
0x9e: {  	_ =	swait.ge [sflag:s22], s20  }
0x9f: {  	s3 =	ssub.s32 $0x0, s20;
	[sflag:s22] =	ssyncset.done $0x0  }
0xa0: {  	[sflag:s22] =	ssyncadd.s32 s3;
	_ =	sdelay $0x1  }
0xa1: {  	s23 =	simm.s32 $0x1B8B  }
0xa2: {  	_ =	swait.ge [sflag:s23], $0x1  }
0xa3: {  	[sflag:s23] =	ssyncset.done $0x0  }
0xa4: {  	s25 =	simm.s32 $0x1B8E;
	s24 =	sld [smem:$0x3FFE];
	[sflag:s23] =	ssyncadd.s32 $0xFFFFFFFF  }
0xa5: {  	s26 =	simm.s32 $execute0_lowered;
	[smem:$0x3FD2] =	sst s25  }
0xa6: {  	s4 =	sshll.u32 s26, $0x1;
	_ =	strace $0x80000049;
	[dreg:$0x1] =	wrdreg $0xFFFFFFFF  }
0xa7: {  	s28 =	simm.s32 $_size_execute0_lowered;
	s2 =	sadd.s32 s2, s4;
	[dreg:$0x0] =	wrdreg $0x0  }
0xa8: {  	s4 =	sshll.u32 s28, $0x1;
	[dreg:$0x2] =	wrdreg s2  }
0xa9: {  	[dreg:$0x3] =	wrdreg s4  }
0xaa: {  	[dreg:$0x4] =	wrdreg $0xC0  }
0xab: {  	_ =	task [dreg:s6], $0x5FFFF  }
0xac: {  	[dreg:$0x1] =	wrdreg $0xFFFFFFFF  }
0xad: {  	[dreg:$0x0] =	wrdreg $0x60  }
0xae: {  	[dreg:$0x2] =	wrdreg s24  }
0xaf: {  	[dreg:$0x3] =	wrdreg $0xA4000  }
0xb0: {  	[dreg:$0x4] =	wrdreg $0x9  }
0xb1: {  	_ =	task.clear_ibuf [dreg:s6], $0x5FFFF;
	_ =	strace $0x90000049  }
0xb2: {  	s29 =	simm.s32 $0x9;
	_ =	strace $0x8000004B  }
0xb3: {  	_ =	swait.ge [sflag:s29], $0x1  }
0xb4: {  	[sflag:s29] =	ssyncadd.s32 $0xFFFFFFFF  }
0xb5: {  	_ =	strace $0x9000004B  }
0xb6: {  	_ =	sfence  }
0xb7: {  	s30 =	sld [smem:$0x0];
	_ =	sdelay $0x2  }
0xb8: {  	s31 =	sshll.u32 s1, $0xD;
	s1 =	sshrl.u32 s1, $0x2  }
0xb9: {  	s3 =	sand.u32 $0x4000, s31;
	s1 =	sadd.s32 s1, s30  }
0xba: {  	s0 =	sor.u32 s3, s0;
	s1 =	sshll.u32 s1, $0x11  }
0xbb: {  	s0 =	sor.u32 s1, s0  }
0xbc: {  	s0 =	sadd.s32 $0x8F2B, s0  }
0xbd: {  	[sflag:s0] =	ssyncadd.remote.s32 $0x1  }
0xbe: {  	_ =	sfence.sel $0xFFFF  }
0xbf: {  	[dreg:$0x0] =	wrdreg $0xFFFFFFFF;
	(pc) =	sbr.abs _section_cstart, $3  }
0xc0: {  	[dreg:$0x1] =	wrdreg $0xFFFFFFFF  }
0xc1: {  	_ =	task.clear_ibuf [dreg:s6], $0x2FFFF;
	_ =	strace $0x9FFFFFFF  }
0xc2: {  	(tm) =	ssettm $0x7FFFFFFF  }
0xc3: {  	_ =	shalt  }
tec
execute0_lowered:
.L_overlay_start_1:
0x0: {  	(tag) =	ssettag $0x1  }
0x1: {  	s1 =	rddreg [dreg:$0x0]  }
0x2: {  	s2 =	rddreg [dreg:$0x1];
	s3 =	simm.s32 $0x0  }
0x3: {  	s0 =	srdreg.scid;
	s19 =	stileid.u32;
	s28 =	simm.s32 $0x5400  }
0x4: {  	s29 =	simm.s32 $0x6;
	[smem:$0x7FF] =	sst s3;
	s5 =	smul.u32 $0x280, s19  }
0x5: {  	s0 =	sand.u32 $0x1, s0;
	s30 =	sadd.s32 $0xDA00, s1;
	s9 =	smul.u32 $0x4EC0, s19  }
0x6: {  	s10 =	sadd.s32 $0x6F800, s1;
	_ =	strace $0x8000004A;
	s6 =	ssub.s32 $0x2, s0  }
0x7: {  	s7 =	smul.u32 $0x4EC00, s0;
	s8 =	sshrl.u32 s6, $0x1;
	s11 =	sadd.s32 $0xA0, s5  }
0x8: {  	s12 =	sadd.s32 $0xF0, s5;
	s13 =	sadd.s32 $0x140, s5;
	s16 =	sadd.s32 $0x190, s5  }
0x9: {  	s17 =	sadd.s32 $0x1E0, s5;
	s6 =	ssub.s32 s6, s8;
	s8 =	smul.u32 $0x2800, s0  }
0xa: {  	s0 =	sadd.s32 s9, s7;
	s7 =	sor.u32 $0x50, s5;
	s9 =	sshrl.u32 s9, $0x3  }
0xb: {  	s14 =	sadd.s32 s8, s5;
	s5 =	sadd.s32 $0x230, s5;
	s18 =	sadd.s32 s8, s7  }
0xc: {  	s15 =	sadd.s32 s8, s11;
	s23 =	sadd.s32 s8, s13;
	s24 =	sadd.s32 s8, s16  }
0xd: {  	s25 =	sadd.s32 s8, s17;
	s11 =	sshll.u32 s11, $0x7;
	s14 =	sshll.u32 s14, $0x4  }
0xe: {  	s20 =	sshll.u32 s15, $0x4;
	s26 =	sshll.u32 s24, $0x4;
	s24 =	smul.u32 $0x9D8, s19  }
0xf: {  	s4 =	sshll.u32 s25, $0x4;
	s25 =	smul.u32 $0x50000, s19;
	s14 =	sadd.s32 s10, s14  }
0x10: {  	s15 =	sadd.s32 s10, s4;
	[dreg:$0x6] =	wrdreg s14;
	s14 =	sshll.u32 s18, $0x4  }
0x11: {  	s18 =	sadd.s32 s8, s12;
	[dreg:$0xc] =	wrdreg s15;
	s8 =	sadd.s32 s8, s5  }
0x12: {  	s4 =	sshrl.u32 s25, $0x2;
	s12 =	sshll.u32 s12, $0x7;
	s14 =	sadd.s32 s10, s14  }
0x13: {  	s21 =	sshll.u32 s18, $0x4;
	s18 =	sadd.s32 $0x190, s0;
	s8 =	sshll.u32 s8, $0x4  }
0x14: {  	s31 =	sadd.s32 s4, s2;
	s19 =	sadd.s32 s12, s2;
	[dreg:$0x7] =	wrdreg s14  }
0x15: {  	s4 =	simm.s32 $0x400;
	s12 =	simm.s32 $0x5;
	[dreg:$0x14] =	wrdreg s19  }
0x16: {  	s14 =	sadd.s32 s10, s20;
	s22 =	sadd.s32 s10, s21;
	[dreg:$0x10] =	wrdreg s31  }
0x17: {  	s20 =	sadd.s32 $0xF0, s0;
	s8 =	sadd.s32 s10, s8;
	[dreg:$0x8] =	wrdreg s14  }
0x18: {  	s19 =	simm.s32 $0x4;
	[dreg:$0x9] =	wrdreg s22;
	s14 =	sshll.u32 s23, $0x4  }
0x19: {  	s15 =	sshrl.u32 s20, $0x3;
	[dreg:$0xd] =	wrdreg s8;
	s22 =	sadd.s32 $0x3C00, s1  }
0x1a: {  	s23 =	sadd.s32 $0xA0, s0;
	s20 =	sshll.u32 s13, $0x7;
	s13 =	simm.s32 $0x380  }
0x1b: {  	s14 =	sadd.s32 s10, s14;
	s21 =	sadd.s32 s15, s30;
	s8 =	sshrl.u32 s23, $0x3  }
0x1c: {  	s15 =	sadd.s32 $0x21600, s1;
	[dreg:$0xa] =	wrdreg s14;
	s14 =	sadd.s32 s10, s26  }
0x1d: {  	[dreg:$0x4] =	wrdreg s21;
	s8 =	sadd.s32 s8, s30;
	s26 =	sshrl.u32 s0, $0x3  }
0x1e: {  	s10 =	sshll.u32 s7, $0x7;
	s21 =	sshll.u32 s16, $0x7;
	s0 =	sadd.s32 $0x140, s0  }
0x1f: {  	s7 =	simm.s32 $0x50;
	s16 =	simm.s32 $0x3;
	[dreg:$0xb] =	wrdreg s14  }
0x20: {  	s14 =	sshrl.u32 s18, $0x3;
	s18 =	sadd.s32 s22, s9;
	[dreg:$0x5] =	wrdreg s8  }
0x21: {  	s8 =	sadd.s32 s30, s26;
	s9 =	smax.u32 s6, $0x1;
	[dreg:$0x19] =	wrdreg s0  }
0x22: {  	s1 =	sadd.s32 s10, s2;
	s10 =	simm.s32 $0x2;
	[dreg:$0x11] =	wrdreg s9  }
0x23: {  	s6 =	simm.s32 $0x0;
	s14 =	sadd.s32 s14, s30;
	[dreg:$0x12] =	wrdreg s1  }
0x24: {  	s1 =	sadd.s32 s11, s2;
	[dreg:$0xf] =	wrdreg s8;
	s25 =	sadd.s32 $0xA, s8  }
0x25: {  	[dreg:$0xe] =	wrdreg s18;
	s26 =	sadd.s32 $0xA, s18;
	s8 =	simm.s32 $0x100  }
0x26: {  	s9 =	simm.s32 $0x300;
	s11 =	simm.s32 $0x2C00;
	[dreg:$0x3] =	wrdreg s14  }
0x27: {  	s18 =	simm.s32 $0x180;
	s14 =	sadd.s32 s24, s22;
	[dreg:$0x13] =	wrdreg s1  }
0x28: {  	s1 =	sadd.s32 s20, s2;
	s22 =	sshll.u32 s17, $0x7;
	[dreg:$0x1a] =	wrdreg s25  }
0x29: {  	s24 =	sshll.u32 s5, $0x7;
	[dreg:$0x1b] =	wrdreg s26;
	s5 =	simm.s32 $0xD  }
0x2a: {  	s17 =	simm.s32 $0x9;
	[dreg:$0x15] =	wrdreg s1;
	s1 =	sadd.s32 s21, s2  }
0x2b: {  	s20 =	simm.s32 $0x7C00;
	s23 =	sadd.s32 s22, s2;
	[dreg:$0x16] =	wrdreg s1  }
0x2c: {  	s21 =	simm.s32 $0x7;
	[dreg:$0x17] =	wrdreg s23;
	s1 =	sadd.s32 s24, s2  }
0x2d: {  	v0 =	vimm.f32 $0.0e+00;
	s22 =	simm.s32 $0xA;
	s23 =	simm.s32 $0x8;
	[dreg:$0x18] =	wrdreg s1  }
.LBB2_1:
0x2e: {  	s26 =	sand.u32 $0xFE00, s3  }
0x2f: {  	[dreg:$0x1c] =	wrdreg s6;
	s24 =	sand.u32 $0x70, s3;
	s25 =	sshrl.u32 s26, $0x2  }
0x30: {  	s6 =	simm.s32 $0x40;
	s25 =	sor.u32 s24, s25;
	s24 =	simm.s32 $0x0  }
.LBB2_2:
0x31: {  	p0 =	sne.s32 s6, $0x9FC0  }
0x32: {  	[tilespmem:s25+$0x400] =	vst v0;
	s24 =	sadd.s32 $0x10, s24;
	s25 =	smov.u32 s6;
	s6 =	sadd.s32 $0x40, s6  }
.Ltmp0:
0x33: {  	(pc) =	sbr.rel @p0 .LBB2_2-.Ltmp0, $4  }
0x34: {  	_ = 	snop  }
0x35: {  	s25 =	sand.u32 $0xFE00, s25  }
0x36: {  	s26 =	sand.u32 $0x70, s24;
	s25 =	sshrl.u32 s25, $0x2  }
0x37: {  	s25 =	sor.u32 s26, s25  }
0x38: {  	[tilespmem:s25+$0x400] =	vst v0  }
0x39: {  	[spmem:s31] =	stream.linear.scatter [tilespmem:s4], [sflag:$0xD], $0x2800, $0x38;
	[tilespmem:$0x1E400] =	vst v63  }
0x3a: {  	_ =	swait.ge [sflag:s5], $0x2800  }
0x3b: {  	[sflag:s5] =	ssyncset.done $0x0  }
0x3c: {  	s0 =	rddreg [dreg:$0x12];
	[sflag:s5] =	ssyncadd.s32 $0xFFFFD800  }
0x3d: {  	[spmem:s0] =	stream.linear.scatter [tilespmem:s4], [sflag:$0xD], $0x2800, $0x38;
	[tilespmem:$0x1E400] =	vst v63  }
0x3e: {  	_ =	swait.ge [sflag:s5], $0x2800  }
0x3f: {  	[sflag:s5] =	ssyncset.done $0x0  }
0x40: {  	s24 =	rddreg [dreg:$0x13];
	[sflag:s5] =	ssyncadd.s32 $0xFFFFD800  }
0x41: {  	[spmem:s24] =	stream.linear.scatter [tilespmem:s4], [sflag:$0xD], $0x2800, $0x38;
	[tilespmem:$0x1E400] =	vst v63  }
0x42: {  	_ =	swait.ge [sflag:s5], $0x2800  }
0x43: {  	[sflag:s5] =	ssyncset.done $0x0  }
0x44: {  	s25 =	rddreg [dreg:$0x14];
	[sflag:s5] =	ssyncadd.s32 $0xFFFFD800  }
0x45: {  	[spmem:s25] =	stream.linear.scatter [tilespmem:s4], [sflag:$0xD], $0x2800, $0x38;
	[tilespmem:$0x1E400] =	vst v63  }
0x46: {  	_ =	swait.ge [sflag:s5], $0x2800  }
0x47: {  	[sflag:s5] =	ssyncset.done $0x0  }
0x48: {  	s26 =	rddreg [dreg:$0x15];
	[sflag:s5] =	ssyncadd.s32 $0xFFFFD800  }
0x49: {  	[spmem:s26] =	stream.linear.scatter [tilespmem:s4], [sflag:$0xD], $0x2800, $0x38;
	[tilespmem:$0x1E400] =	vst v63  }
0x4a: {  	_ =	swait.ge [sflag:s5], $0x2800  }
0x4b: {  	[sflag:s5] =	ssyncset.done $0x0  }
0x4c: {  	s31 =	rddreg [dreg:$0x16];
	[sflag:s5] =	ssyncadd.s32 $0xFFFFD800  }
0x4d: {  	[spmem:s31] =	stream.linear.scatter [tilespmem:s4], [sflag:$0xD], $0x2800, $0x38;
	[tilespmem:$0x1E400] =	vst v63  }
0x4e: {  	_ =	swait.ge [sflag:s5], $0x2800  }
0x4f: {  	[sflag:s5] =	ssyncset.done $0x0  }
0x50: {  	s6 =	rddreg [dreg:$0x17];
	[sflag:s5] =	ssyncadd.s32 $0xFFFFD800  }
0x51: {  	[spmem:s6] =	stream.linear.scatter [tilespmem:s4], [sflag:$0xD], $0x2800, $0x38;
	[tilespmem:$0x1E400] =	vst v63  }
0x52: {  	_ =	swait.ge [sflag:s5], $0x2800  }
0x53: {  	[sflag:s5] =	ssyncset.done $0x0  }
0x54: {  	[sflag:s5] =	ssyncadd.s32 $0xFFFFD800  }
0x55: {  	[spmem:s1] =	stream.linear.scatter [tilespmem:s4], [sflag:$0xD], $0x2800, $0x38;
	[tilespmem:$0x1E400] =	vst v63  }
0x56: {  	_ =	swait.ge [sflag:s5], $0x2800  }
0x57: {  	[sflag:s5] =	ssyncset.done $0x0  }
0x58: {  	[sflag:s5] =	ssyncadd.s32 $0xFFFFD800  }
0x59: {  	[bflag:$0x0] =	sbarrier.arrive $0xFFFF  }
0x5a: {  	s6 =	simm.s32 $0x0;
	s24 =	rddreg [dreg:$0xf]  }
0x5b: {  	[tilespmem:s6], [sflag:$0x1] =	stream.linear.gather [hbm4b:s24+s6], $0x50, $0x38;
	[tilespmem:$0x1E400] =	vst v63  }
0x5c: {  	s5 =	simm.s32 $0x200;
	s25 =	rddreg [dreg:$0xe]  }
0x5d: {  	[tilespmem:s5], [sflag:$0x1] =	stream.linear.gather [hbm4b:s25+s6], $0x50, $0x38;
	[tilespmem:$0x1E400] =	vst v63  }
0x5e: {  	s4 =	simm.s32 $0x80;
	s26 =	rddreg [dreg:$0x1a]  }
0x5f: {  	[tilespmem:s4], [sflag:$0x2] =	stream.linear.gather [hbm4b:s26+s6], $0x50, $0x38;
	[tilespmem:$0x1E400] =	vst v63  }
0x60: {  	s31 =	rddreg [dreg:$0x1b];
	s24 =	simm.s32 $0x1;
	s26 =	simm.s32 $0x280  }
0x61: {  	[tilespmem:s26], [sflag:$0x2] =	stream.linear.gather [hbm4b:s31+s6], $0x50, $0x38;
	[tilespmem:$0x1E400] =	vst v63  }
0x62: {  	_ =	swait.ge [sflag:s24], $0x50  }
0x63: {  	[sflag:s24] =	ssyncset.done $0x0  }
0x64: {  	[sflag:s24] =	ssyncadd.s32 $0xFFFFFFB0  }
0x65: {  	_ =	swait.ge [sflag:s24], $0x50  }
0x66: {  	[sflag:s24] =	ssyncset.done $0x0  }
0x67: {  	p0 =	por $0x1, $0x1;
	s1 =	simm.s32 $0x400;
	[sflag:s24] =	ssyncadd.s32 $0xFFFFFFB0  }
0x68: {  	[tilespmem:s1], [sflag:$0x5] =	stream.indirect.gather [hbm4b:s15+s7], $0x80, s6, s7, $0xb8;
	[tilespmem:$0x1E400] =	vst v63  }
0x69: {  	s6 =	simm.s32 @!p0 $0xB  }
0x6a: {  	_ =	swait.ge @!p0 [sflag:s6], $0x2800  }
0x6b: {  	s24 =	rddreg [dreg:$0x5];
	[sflag:s6] =	ssyncset.done @!p0 $0x0  }
0x6c: {  	s31 =	sadd.s32 $0x0, s14;
	[sflag:s6] =	ssyncadd.s32 @!p0 $0xFFFFD800;
	s25 =	sadd.s32 $0x0, s24  }
0x6d: {  	[tilespmem:s8], [sflag:$0x3] =	stream.linear.gather [hbm4b:s25+s3], $0x50, $0x38;
	[tilespmem:$0x1E400] =	vst v63  }
0x6e: {  	s0 =	sadd.s32 $0x14, s31  }
0x6f: {  	[tilespmem:s9], [sflag:$0x3] =	stream.linear.gather [hbm4b:s0+s3], $0x50, $0x38;
	[tilespmem:$0x1E400] =	vst v63  }
0x70: {  	_ =	swait.ge [sflag:s10], $0x50  }
0x71: {  	[sflag:s10] =	ssyncset.done $0x0  }
0x72: {  	[sflag:s10] =	ssyncadd.s32 $0xFFFFFFB0  }
0x73: {  	_ =	swait.ge [sflag:s10], $0x50  }
0x74: {  	[sflag:s10] =	ssyncset.done $0x0  }
0x75: {  	[sflag:s10] =	ssyncadd.s32 $0xFFFFFFB0  }
0x76: {  	[tilespmem:s11], [sflag:$0x6] =	stream.indirect.gather [hbm4b:s15+s7], $0x80, s4, s7, $0xb8;
	[tilespmem:$0x1E400] =	vst v63  }
0x77: {  	_ =	swait.ge [sflag:s12], $0x2800  }
0x78: {  	[sflag:s12] =	ssyncset.done $0x0  }
0x79: {  	s6 =	simm.s32 @!p0 $0xC;
	[sflag:s12] =	ssyncadd.s32 $0xFFFFD800  }
0x7a: {  	[spmem:s2] =	stream.indirect.scatter.add.f32 [tilespmem:s1], [sflag:$0x9], $0x80, s5, s7, $0xb8;
	[tilespmem:$0x1E400] =	vst v63  }
0x7b: {  	_ =	swait.ge @!p0 [sflag:s6], $0x2800  }
0x7c: {  	s1 =	rddreg [dreg:$0x4];
	[sflag:s6] =	ssyncset.done @!p0 $0x0  }
0x7d: {  	[sflag:s6] =	ssyncadd.s32 @!p0 $0xFFFFD800;
	s25 =	sadd.s32 $0x0, s1  }
0x7e: {  	[tilespmem:s18], [sflag:$0x4] =	stream.linear.gather [hbm4b:s25+s3], $0x50, $0x38;
	[tilespmem:$0x1E400] =	vst v63  }
0x7f: {  	s31 =	sadd.s32 $0x1E, s31  }
0x80: {  	[tilespmem:s13], [sflag:$0x4] =	stream.linear.gather [hbm4b:s31+s3], $0x50, $0x38;
	[tilespmem:$0x1E400] =	vst v63  }
0x81: {  	_ =	swait.ge [sflag:s16], $0x50  }
0x82: {  	[sflag:s16] =	ssyncset.done $0x0  }
0x83: {  	[sflag:s16] =	ssyncadd.s32 $0xFFFFFFB0  }
0x84: {  	_ =	swait.ge [sflag:s16], $0x50  }
0x85: {  	[sflag:s16] =	ssyncset.done $0x0  }
0x86: {  	[sflag:s16] =	ssyncadd.s32 $0xFFFFFFB0  }
0x87: {  	[tilespmem:s28], [sflag:$0x7] =	stream.indirect.gather [hbm4b:s15+s7], $0x80, s8, s7, $0xb8;
	[tilespmem:$0x1E400] =	vst v63  }
0x88: {  	_ =	swait.ge [sflag:s29], $0x2800  }
0x89: {  	[sflag:s29] =	ssyncset.done $0x0  }
0x8a: {  	[sflag:s29] =	ssyncadd.s32 $0xFFFFD800  }
0x8b: {  	[spmem:s2] =	stream.indirect.scatter.add.f32 [tilespmem:s11], [sflag:$0xA], $0x80, s26, s7, $0xb8;
	[tilespmem:$0x1E400] =	vst v63  }
0x8c: {  	_ =	swait.ge [sflag:s17], $0x2800  }
0x8d: {  	p0 =	por $0x0, $0x0;
	s0 =	rddreg [dreg:$0x19]  }
0x8e: {  	s24 =	sadd.s32 @!p0 $0x0, s14;
	[sflag:s17] =	ssyncset.done $0x0;
	s6 =	sshrl.u32 @!p0 s0, $0x3  }
0x8f: {  	s25 =	simm.s32 @!p0 $0x0;
	[sflag:s17] =	ssyncadd.s32 $0xFFFFD800;
	s6 =	sadd.s32 @!p0 s30, s6  }
0x90: {  	[tilespmem:s25], [sflag:$0x1] =	stream.linear.gather @!p0 [hbm4b:s6+s25], $0x50, $0x38;
	[tilespmem:$0x1E400] =	vst v63  }
0x91: {  	s26 =	simm.s32 @!p0 $0x200;
	s6 =	sadd.s32 @!p0 $0x28, s24  }
0x92: {  	[tilespmem:s26], [sflag:$0x1] =	stream.linear.gather @!p0 [hbm4b:s6+s25], $0x50, $0x38;
	[tilespmem:$0x1E400] =	vst v63  }
0x93: {  	_ =	swait.ge [sflag:s19], $0x50  }
0x94: {  	[sflag:s19] =	ssyncset.done $0x0  }
0x95: {  	[sflag:s19] =	ssyncadd.s32 $0xFFFFFFB0  }
0x96: {  	_ =	swait.ge [sflag:s19], $0x50  }
0x97: {  	[sflag:s19] =	ssyncset.done $0x0  }
0x98: {  	[sflag:s19] =	ssyncadd.s32 $0xFFFFFFB0  }
0x99: {  	[tilespmem:s20], [sflag:$0x8] =	stream.indirect.gather [hbm4b:s15+s7], $0x80, s18, s7, $0xb8;
	[tilespmem:$0x1E400] =	vst v63  }
0x9a: {  	_ =	swait.ge [sflag:s21], $0x2800  }
0x9b: {  	[sflag:s21] =	ssyncset.done $0x0  }
0x9c: {  	[sflag:s21] =	ssyncadd.s32 $0xFFFFD800  }
0x9d: {  	[spmem:s2] =	stream.indirect.scatter.add.f32 [tilespmem:s28], [sflag:$0xB], $0x80, s9, s7, $0xb8;
	[tilespmem:$0x1E400] =	vst v63  }
0x9e: {  	_ =	swait.ge [sflag:s22], $0x2800  }
0x9f: {  	s6 =	rddreg [dreg:$0x3];
	[sflag:s22] =	ssyncset.done $0x0  }
0xa0: {  	s26 =	simm.s32 @!p0 $0x80;
	[sflag:s22] =	ssyncadd.s32 $0xFFFFD800;
	s6 =	sadd.s32 @!p0 $0x0, s6  }
0xa1: {  	[tilespmem:s26], [sflag:$0x2] =	stream.linear.gather @!p0 [hbm4b:s6+s25], $0x50, $0x38;
	[tilespmem:$0x1E400] =	vst v63  }
0xa2: {  	s6 =	sadd.s32 @!p0 $0x32, s24;
	s24 =	simm.s32 @!p0 $0x280  }
0xa3: {  	[tilespmem:s24], [sflag:$0x2] =	stream.linear.gather @!p0 [hbm4b:s6+s25], $0x50, $0x38;
	[tilespmem:$0x1E400] =	vst v63  }
0xa4: {  	s6 =	simm.s32 @!p0 $0x1  }
0xa5: {  	_ =	swait.ge @!p0 [sflag:s6], $0x50  }
0xa6: {  	[sflag:s6] =	ssyncset.done @!p0 $0x0  }
0xa7: {  	[sflag:s6] =	ssyncadd.s32 @!p0 $0xFFFFFFB0  }
0xa8: {  	_ =	swait.ge @!p0 [sflag:s6], $0x50  }
0xa9: {  	p1 =	por $0x0, $0x0;
	[sflag:s6] =	ssyncset.done @!p0 $0x0  }
0xaa: {  	s24 =	simm.s32 @!p0 $0x400;
	[sflag:s6] =	ssyncadd.s32 @!p0 $0xFFFFFFB0;
	s6 =	simm.s32 @!p0 $0x50  }
0xab: {  	[tilespmem:s24], [sflag:$0x5] =	stream.indirect.gather @!p0 [hbm4b:s15+s6], $0x80, s25, s6, $0xb8;
	[tilespmem:$0x1E400] =	vst v63  }
0xac: {  	s4 =	simm.s32 $0x400;
	s26 =	sadd.s32 $0x140, s0;
	_ =	swait.ge [sflag:s23], $0x2800  }
0xad: {  	s25 =	simm.s32 $0x28;
	s6 =	simm.s32 $0x50;
	[sflag:s23] =	ssyncset.done $0x0  }
.LBB2_4:
0xae: {  	s31 =	simm.s32 @!p1 $0xB;
	[sflag:s23] =	ssyncadd.s32 $0xFFFFD800  }
0xaf: {  	[spmem:s2] =	stream.indirect.scatter.add.f32 [tilespmem:s20], [sflag:$0xC], $0x80, s13, s7, $0xb8;
	[tilespmem:$0x1E400] =	vst v63  }
0xb0: {  	_ =	swait.ge @!p1 [sflag:s31], $0x2800  }
0xb1: {  	[sflag:s31] =	ssyncset.done @!p1 $0x0;
	s0 =	rddreg [dreg:$0x5]  }
0xb2: {  	[sflag:s31] =	ssyncadd.s32 @!p1 $0xFFFFD800;
	s0 =	sadd.s32 s25, s0;
	s31 =	sadd.s32 s25, s14  }
0xb3: {  	[tilespmem:s8], [sflag:$0x3] =	stream.linear.gather [hbm4b:s0+s3], $0x50, $0x38;
	[tilespmem:$0x1E400] =	vst v63  }
0xb4: {  	s1 =	sadd.s32 $0x14, s31  }
0xb5: {  	[tilespmem:s9], [sflag:$0x3] =	stream.linear.gather [hbm4b:s1+s3], $0x50, $0x38;
	[tilespmem:$0x1E400] =	vst v63  }
0xb6: {  	_ =	swait.ge [sflag:s10], $0x50  }
0xb7: {  	[sflag:s10] =	ssyncset.done $0x0  }
0xb8: {  	[sflag:s10] =	ssyncadd.s32 $0xFFFFFFB0  }
0xb9: {  	_ =	swait.ge [sflag:s10], $0x50  }
0xba: {  	[sflag:s10] =	ssyncset.done $0x0  }
0xbb: {  	s1 =	simm.s32 $0x80;
	[sflag:s10] =	ssyncadd.s32 $0xFFFFFFB0  }
0xbc: {  	[tilespmem:s11], [sflag:$0x6] =	stream.indirect.gather [hbm4b:s15+s7], $0x80, s1, s7, $0xb8;
	[tilespmem:$0x1E400] =	vst v63  }
0xbd: {  	_ =	swait.ge [sflag:s12], $0x2800  }
0xbe: {  	[sflag:s12] =	ssyncset.done $0x0  }
0xbf: {  	s0 =	simm.s32 @!p1 $0xC;
	[sflag:s12] =	ssyncadd.s32 $0xFFFFD800  }
0xc0: {  	[spmem:s2] =	stream.indirect.scatter.add.f32 [tilespmem:s4], [sflag:$0x9], $0x80, s5, s7, $0xb8;
	[tilespmem:$0x1E400] =	vst v63  }
0xc1: {  	_ =	swait.ge @!p1 [sflag:s0], $0x2800  }
0xc2: {  	s1 =	rddreg [dreg:$0x4];
	[sflag:s0] =	ssyncset.done @!p1 $0x0  }
0xc3: {  	[sflag:s0] =	ssyncadd.s32 @!p1 $0xFFFFD800;
	s1 =	sadd.s32 s25, s1  }
0xc4: {  	[tilespmem:s18], [sflag:$0x4] =	stream.linear.gather [hbm4b:s1+s3], $0x50, $0x38;
	[tilespmem:$0x1E400] =	vst v63  }
0xc5: {  	s5 =	sadd.s32 $0x1E, s31  }
0xc6: {  	[tilespmem:s13], [sflag:$0x4] =	stream.linear.gather [hbm4b:s5+s3], $0x50, $0x38;
	[tilespmem:$0x1E400] =	vst v63  }
0xc7: {  	_ =	swait.ge [sflag:s16], $0x50  }
0xc8: {  	[sflag:s16] =	ssyncset.done $0x0  }
0xc9: {  	[sflag:s16] =	ssyncadd.s32 $0xFFFFFFB0  }
0xca: {  	_ =	swait.ge [sflag:s16], $0x50  }
0xcb: {  	[sflag:s16] =	ssyncset.done $0x0  }
0xcc: {  	[sflag:s16] =	ssyncadd.s32 $0xFFFFFFB0  }
0xcd: {  	[tilespmem:s28], [sflag:$0x7] =	stream.indirect.gather [hbm4b:s15+s7], $0x80, s8, s7, $0xb8;
	[tilespmem:$0x1E400] =	vst v63  }
0xce: {  	_ =	swait.ge [sflag:s29], $0x2800  }
0xcf: {  	[sflag:s29] =	ssyncset.done $0x0  }
0xd0: {  	s31 =	simm.s32 $0x280;
	[sflag:s29] =	ssyncadd.s32 $0xFFFFD800  }
0xd1: {  	[spmem:s2] =	stream.indirect.scatter.add.f32 [tilespmem:s11], [sflag:$0xA], $0x80, s31, s7, $0xb8;
	[tilespmem:$0x1E400] =	vst v63  }
0xd2: {  	p1 =	seq.s32 s25, $0x9B0;
	_ =	swait.ge [sflag:s17], $0x2800  }
0xd3: {  	s0 =	sshrl.u32 @!p1 s26, $0x3;
	s1 =	sadd.s32 @!p1 s25, s14;
	[sflag:s17] =	ssyncset.done $0x0  }
0xd4: {  	s0 =	sadd.s32 @!p1 s30, s0;
	s31 =	simm.s32 @!p1 $0x0;
	[sflag:s17] =	ssyncadd.s32 $0xFFFFD800  }
0xd5: {  	[tilespmem:s31], [sflag:$0x1] =	stream.linear.gather @!p1 [hbm4b:s0+s31], $0x50, $0x38;
	[tilespmem:$0x1E400] =	vst v63  }
0xd6: {  	s5 =	simm.s32 @!p1 $0x200;
	s0 =	sadd.s32 @!p1 $0x28, s1  }
0xd7: {  	[tilespmem:s5], [sflag:$0x1] =	stream.linear.gather @!p1 [hbm4b:s0+s31], $0x50, $0x38;
	[tilespmem:$0x1E400] =	vst v63  }
0xd8: {  	_ =	swait.ge [sflag:s19], $0x50  }
0xd9: {  	[sflag:s19] =	ssyncset.done $0x0  }
0xda: {  	[sflag:s19] =	ssyncadd.s32 $0xFFFFFFB0  }
0xdb: {  	_ =	swait.ge [sflag:s19], $0x50  }
0xdc: {  	[sflag:s19] =	ssyncset.done $0x0  }
0xdd: {  	[sflag:s19] =	ssyncadd.s32 $0xFFFFFFB0  }
0xde: {  	[tilespmem:s20], [sflag:$0x8] =	stream.indirect.gather [hbm4b:s15+s7], $0x80, s18, s7, $0xb8;
	[tilespmem:$0x1E400] =	vst v63  }
0xdf: {  	_ =	swait.ge [sflag:s21], $0x2800  }
0xe0: {  	[sflag:s21] =	ssyncset.done $0x0  }
0xe1: {  	[sflag:s21] =	ssyncadd.s32 $0xFFFFD800  }
0xe2: {  	[spmem:s2] =	stream.indirect.scatter.add.f32 [tilespmem:s28], [sflag:$0xB], $0x80, s9, s7, $0xb8;
	[tilespmem:$0x1E400] =	vst v63  }
0xe3: {  	_ =	swait.ge [sflag:s22], $0x2800  }
0xe4: {  	s0 =	rddreg [dreg:$0x3];
	[sflag:s22] =	ssyncset.done $0x0  }
0xe5: {  	s5 =	simm.s32 @!p1 $0x80;
	[sflag:s22] =	ssyncadd.s32 $0xFFFFD800;
	s0 =	sadd.s32 @!p1 s25, s0  }
0xe6: {  	[tilespmem:s5], [sflag:$0x2] =	stream.linear.gather @!p1 [hbm4b:s0+s31], $0x50, $0x38;
	[tilespmem:$0x1E400] =	vst v63  }
0xe7: {  	s1 =	sadd.s32 @!p1 $0x32, s1;
	s0 =	simm.s32 @!p1 $0x280;
	s5 =	simm.s32 @!p1 $0x1  }
0xe8: {  	[tilespmem:s0], [sflag:$0x2] =	stream.linear.gather @!p1 [hbm4b:s1+s31], $0x50, $0x38;
	[tilespmem:$0x1E400] =	vst v63  }
0xe9: {  	_ =	swait.ge @!p1 [sflag:s5], $0x50  }
0xea: {  	[sflag:s5] =	ssyncset.done @!p1 $0x0  }
0xeb: {  	s24 =	smov.u32 s6;
	s6 =	sadd.s32 $0x28, s6;
	[sflag:s5] =	ssyncadd.s32 @!p1 $0xFFFFFFB0  }
0xec: {  	p0 =	sne.s32 s6, $0x9D8;
	_ =	swait.ge @!p1 [sflag:s5], $0x50  }
.Ltmp1:
0xed: {  	[sflag:s5] =	ssyncset.done @!p1 $0x0;
	(pc) =	sbr.rel @p0 .LBB2_4-.Ltmp1, $4  }
0xee: {  	s0 =	simm.s32 @!p1 $0x50;
	s1 =	simm.s32 @!p1 $0x400;
	[sflag:s5] =	ssyncadd.s32 @!p1 $0xFFFFFFB0  }
0xef: {  	[tilespmem:s1], [sflag:$0x5] =	stream.indirect.gather @!p1 [hbm4b:s15+s0], $0x80, s31, s0, $0xb8;
	[tilespmem:$0x1E400] =	vst v63  }
0xf0: {  	s26 =	sadd.s32 $0x140, s26;
	s25 =	smov.u32 s24;
	_ =	swait.ge [sflag:s23], $0x2800  }
0xf1: {  	s5 =	simm.s32 $0x200;
	p1 =	seq.s32 s25, $0x0;
	[sflag:s23] =	ssyncset.done $0x0  }
0xf2: {  	s0 =	simm.s32 @!p1 $0xB;
	[sflag:s23] =	ssyncadd.s32 $0xFFFFD800  }
0xf3: {  	[spmem:s2] =	stream.indirect.scatter.add.f32 [tilespmem:s20], [sflag:$0xC], $0x80, s13, s7, $0xb8;
	[tilespmem:$0x1E400] =	vst v63  }
0xf4: {  	_ =	swait.ge @!p1 [sflag:s0], $0x2800  }
0xf5: {  	s1 =	rddreg [dreg:$0x5];
	[sflag:s0] =	ssyncset.done @!p1 $0x0  }
0xf6: {  	[sflag:s0] =	ssyncadd.s32 @!p1 $0xFFFFD800;
	s6 =	sadd.s32 s25, s1;
	s1 =	sadd.s32 s25, s14  }
0xf7: {  	[tilespmem:s8], [sflag:$0x3] =	stream.linear.gather [hbm4b:s6+s3], $0x50, $0x38;
	[tilespmem:$0x1E400] =	vst v63  }
0xf8: {  	s24 =	sadd.s32 $0x14, s1  }
0xf9: {  	[tilespmem:s9], [sflag:$0x3] =	stream.linear.gather [hbm4b:s24+s3], $0x50, $0x38;
	[tilespmem:$0x1E400] =	vst v63  }
0xfa: {  	_ =	swait.ge [sflag:s10], $0x50  }
0xfb: {  	[sflag:s10] =	ssyncset.done $0x0  }
0xfc: {  	[sflag:s10] =	ssyncadd.s32 $0xFFFFFFB0  }
0xfd: {  	_ =	swait.ge [sflag:s10], $0x50  }
0xfe: {  	[sflag:s10] =	ssyncset.done $0x0  }
0xff: {  	s4 =	simm.s32 $0x80;
	[sflag:s10] =	ssyncadd.s32 $0xFFFFFFB0  }
0x100: {  	[tilespmem:s11], [sflag:$0x6] =	stream.indirect.gather [hbm4b:s15+s7], $0x80, s4, s7, $0xb8;
	[tilespmem:$0x1E400] =	vst v63  }
0x101: {  	_ =	swait.ge [sflag:s12], $0x2800  }
0x102: {  	[sflag:s12] =	ssyncset.done $0x0  }
0x103: {  	s0 =	simm.s32 @!p1 $0xC;
	s4 =	simm.s32 $0x400;
	[sflag:s12] =	ssyncadd.s32 $0xFFFFD800  }
0x104: {  	[spmem:s2] =	stream.indirect.scatter.add.f32 [tilespmem:s4], [sflag:$0x9], $0x80, s5, s7, $0xb8;
	[tilespmem:$0x1E400] =	vst v63  }
0x105: {  	_ =	swait.ge @!p1 [sflag:s0], $0x2800  }
0x106: {  	s6 =	rddreg [dreg:$0x4];
	[sflag:s0] =	ssyncset.done @!p1 $0x0  }
0x107: {  	[sflag:s0] =	ssyncadd.s32 @!p1 $0xFFFFD800;
	s24 =	sadd.s32 s25, s6  }
0x108: {  	[tilespmem:s18], [sflag:$0x4] =	stream.linear.gather [hbm4b:s24+s3], $0x50, $0x38;
	[tilespmem:$0x1E400] =	vst v63  }
0x109: {  	s5 =	sadd.s32 $0x1E, s1  }
0x10a: {  	[tilespmem:s13], [sflag:$0x4] =	stream.linear.gather [hbm4b:s5+s3], $0x50, $0x38;
	[tilespmem:$0x1E400] =	vst v63  }
0x10b: {  	_ =	swait.ge [sflag:s16], $0x50  }
0x10c: {  	[sflag:s16] =	ssyncset.done $0x0  }
0x10d: {  	[sflag:s16] =	ssyncadd.s32 $0xFFFFFFB0  }
0x10e: {  	_ =	swait.ge [sflag:s16], $0x50  }
0x10f: {  	[sflag:s16] =	ssyncset.done $0x0  }
0x110: {  	[sflag:s16] =	ssyncadd.s32 $0xFFFFFFB0  }
0x111: {  	[tilespmem:s28], [sflag:$0x7] =	stream.indirect.gather [hbm4b:s15+s7], $0x80, s8, s7, $0xb8;
	[tilespmem:$0x1E400] =	vst v63  }
0x112: {  	_ =	swait.ge [sflag:s29], $0x2800  }
0x113: {  	[sflag:s29] =	ssyncset.done $0x0  }
0x114: {  	s6 =	simm.s32 $0x280;
	[sflag:s29] =	ssyncadd.s32 $0xFFFFD800  }
0x115: {  	[spmem:s2] =	stream.indirect.scatter.add.f32 [tilespmem:s11], [sflag:$0xA], $0x80, s6, s7, $0xb8;
	[tilespmem:$0x1E400] =	vst v63  }
0x116: {  	p0 =	seq.s32 s25, $0x9B0;
	_ =	swait.ge [sflag:s17], $0x2800  }
0x117: {  	s1 =	sadd.s32 @!p0 s25, s14;
	s0 =	sshrl.u32 @!p0 s26, $0x3;
	[sflag:s17] =	ssyncset.done $0x0  }
0x118: {  	s0 =	sadd.s32 @!p0 s30, s0;
	s5 =	simm.s32 @!p0 $0x0;
	[sflag:s17] =	ssyncadd.s32 $0xFFFFD800  }
0x119: {  	[tilespmem:s5], [sflag:$0x1] =	stream.linear.gather @!p0 [hbm4b:s0+s5], $0x50, $0x38;
	[tilespmem:$0x1E400] =	vst v63  }
0x11a: {  	s6 =	simm.s32 @!p0 $0x200;
	s0 =	sadd.s32 @!p0 $0x28, s1  }
0x11b: {  	[tilespmem:s6], [sflag:$0x1] =	stream.linear.gather @!p0 [hbm4b:s0+s5], $0x50, $0x38;
	[tilespmem:$0x1E400] =	vst v63  }
0x11c: {  	_ =	swait.ge [sflag:s19], $0x50  }
0x11d: {  	[sflag:s19] =	ssyncset.done $0x0  }
0x11e: {  	[sflag:s19] =	ssyncadd.s32 $0xFFFFFFB0  }
0x11f: {  	_ =	swait.ge [sflag:s19], $0x50  }
0x120: {  	[sflag:s19] =	ssyncset.done $0x0  }
0x121: {  	[sflag:s19] =	ssyncadd.s32 $0xFFFFFFB0  }
0x122: {  	[tilespmem:s20], [sflag:$0x8] =	stream.indirect.gather [hbm4b:s15+s7], $0x80, s18, s7, $0xb8;
	[tilespmem:$0x1E400] =	vst v63  }
0x123: {  	_ =	swait.ge [sflag:s21], $0x2800  }
0x124: {  	[sflag:s21] =	ssyncset.done $0x0  }
0x125: {  	[sflag:s21] =	ssyncadd.s32 $0xFFFFD800  }
0x126: {  	[spmem:s2] =	stream.indirect.scatter.add.f32 [tilespmem:s28], [sflag:$0xB], $0x80, s9, s7, $0xb8;
	[tilespmem:$0x1E400] =	vst v63  }
0x127: {  	_ =	swait.ge [sflag:s22], $0x2800  }
0x128: {  	s0 =	rddreg [dreg:$0x3];
	[sflag:s22] =	ssyncset.done $0x0  }
0x129: {  	s6 =	simm.s32 @!p0 $0x80;
	[sflag:s22] =	ssyncadd.s32 $0xFFFFD800;
	s0 =	sadd.s32 @!p0 s25, s0  }
0x12a: {  	[tilespmem:s6], [sflag:$0x2] =	stream.linear.gather @!p0 [hbm4b:s0+s5], $0x50, $0x38;
	[tilespmem:$0x1E400] =	vst v63  }
0x12b: {  	s0 =	sadd.s32 @!p0 $0x32, s1;
	s1 =	simm.s32 @!p0 $0x280  }
0x12c: {  	[tilespmem:s1], [sflag:$0x2] =	stream.linear.gather @!p0 [hbm4b:s0+s5], $0x50, $0x38;
	[tilespmem:$0x1E400] =	vst v63  }
0x12d: {  	s0 =	simm.s32 @!p0 $0x1  }
0x12e: {  	_ =	swait.ge @!p0 [sflag:s0], $0x50  }
0x12f: {  	[sflag:s0] =	ssyncset.done @!p0 $0x0  }
0x130: {  	[sflag:s0] =	ssyncadd.s32 @!p0 $0xFFFFFFB0  }
0x131: {  	_ =	swait.ge @!p0 [sflag:s0], $0x50  }
0x132: {  	[sflag:s0] =	ssyncset.done @!p0 $0x0  }
0x133: {  	s1 =	simm.s32 @!p0 $0x400;
	[sflag:s0] =	ssyncadd.s32 @!p0 $0xFFFFFFB0;
	s0 =	simm.s32 @!p0 $0x50  }
0x134: {  	[tilespmem:s1], [sflag:$0x5] =	stream.indirect.gather @!p0 [hbm4b:s15+s0], $0x80, s5, s0, $0xb8;
	[tilespmem:$0x1E400] =	vst v63  }
0x135: {  	_ =	swait.ge [sflag:s23], $0x2800  }
0x136: {  	[sflag:s23] =	ssyncset.done $0x0  }
0x137: {  	s24 =	simm.s32 $0xB;
	[sflag:s23] =	ssyncadd.s32 $0xFFFFD800  }
0x138: {  	[spmem:s2] =	stream.indirect.scatter.add.f32 [tilespmem:s20], [sflag:$0xC], $0x80, s13, s7, $0xb8;
	[tilespmem:$0x1E400] =	vst v63  }
0x139: {  	_ =	swait.ge [sflag:s24], $0x2800  }
0x13a: {  	[sflag:s24] =	ssyncset.done $0x0  }
0x13b: {  	s25 =	simm.s32 $0xC;
	[sflag:s24] =	ssyncadd.s32 $0xFFFFD800  }
0x13c: {  	_ =	swait.ge [sflag:s25], $0x2800  }
0x13d: {  	[sflag:s25] =	ssyncset.done $0x0  }
0x13e: {  	[sflag:s25] =	ssyncadd.s32 $0xFFFFD800  }
0x13f: {  	[bflag:$0x0] =	sbarrier.arrive $0xFFFF  }
0x140: {  	s5 =	simm.s32 $0xD;
	s31 =	rddreg [dreg:$0x10]  }
0x141: {  	[tilespmem:s4], [sflag:$0xD] =	stream.linear.gather [spmem:s31], $0x2800, $0x38;
	[tilespmem:$0x1E400] =	vst v63  }
0x142: {  	_ =	swait.ge [sflag:s5], $0x2800  }
0x143: {  	[sflag:s5] =	ssyncset.done $0x0  }
0x144: {  	s26 =	rddreg [dreg:$0x6];
	[sflag:s5] =	ssyncadd.s32 $0xFFFFD800  }
0x145: {  	[hbm4b:s26+s3] =	stream.linear.scatter [tilespmem:s4], [sflag:$0xD], $0x2800, $0x38;
	[tilespmem:$0x1E400] =	vst v63  }
0x146: {  	_ =	swait.ge [sflag:s5], $0x2800  }
0x147: {  	[sflag:s5] =	ssyncset.done $0x0  }
0x148: {  	s1 =	rddreg [dreg:$0x12];
	[sflag:s5] =	ssyncadd.s32 $0xFFFFD800  }
0x149: {  	[tilespmem:s4], [sflag:$0xD] =	stream.linear.gather [spmem:s1], $0x2800, $0x38;
	[tilespmem:$0x1E400] =	vst v63  }
0x14a: {  	_ =	swait.ge [sflag:s5], $0x2800  }
0x14b: {  	[sflag:s5] =	ssyncset.done $0x0  }
0x14c: {  	s6 =	rddreg [dreg:$0x7];
	[sflag:s5] =	ssyncadd.s32 $0xFFFFD800  }
0x14d: {  	[hbm4b:s6+s3] =	stream.linear.scatter [tilespmem:s4], [sflag:$0xD], $0x2800, $0x38;
	[tilespmem:$0x1E400] =	vst v63  }
0x14e: {  	_ =	swait.ge [sflag:s5], $0x2800  }
0x14f: {  	[sflag:s5] =	ssyncset.done $0x0  }
0x150: {  	s24 =	rddreg [dreg:$0x13];
	[sflag:s5] =	ssyncadd.s32 $0xFFFFD800  }
0x151: {  	[tilespmem:s4], [sflag:$0xD] =	stream.linear.gather [spmem:s24], $0x2800, $0x38;
	[tilespmem:$0x1E400] =	vst v63  }
0x152: {  	_ =	swait.ge [sflag:s5], $0x2800  }
0x153: {  	[sflag:s5] =	ssyncset.done $0x0  }
0x154: {  	s25 =	rddreg [dreg:$0x8];
	[sflag:s5] =	ssyncadd.s32 $0xFFFFD800  }
0x155: {  	[hbm4b:s25+s3] =	stream.linear.scatter [tilespmem:s4], [sflag:$0xD], $0x2800, $0x38;
	[tilespmem:$0x1E400] =	vst v63  }
0x156: {  	_ =	swait.ge [sflag:s5], $0x2800  }
0x157: {  	[sflag:s5] =	ssyncset.done $0x0  }
0x158: {  	s26 =	rddreg [dreg:$0x14];
	[sflag:s5] =	ssyncadd.s32 $0xFFFFD800  }
0x159: {  	[tilespmem:s4], [sflag:$0xD] =	stream.linear.gather [spmem:s26], $0x2800, $0x38;
	[tilespmem:$0x1E400] =	vst v63  }
0x15a: {  	_ =	swait.ge [sflag:s5], $0x2800  }
0x15b: {  	[sflag:s5] =	ssyncset.done $0x0  }
0x15c: {  	s1 =	rddreg [dreg:$0x9];
	[sflag:s5] =	ssyncadd.s32 $0xFFFFD800  }
0x15d: {  	[hbm4b:s1+s3] =	stream.linear.scatter [tilespmem:s4], [sflag:$0xD], $0x2800, $0x38;
	[tilespmem:$0x1E400] =	vst v63  }
0x15e: {  	_ =	swait.ge [sflag:s5], $0x2800  }
0x15f: {  	[sflag:s5] =	ssyncset.done $0x0  }
0x160: {  	s6 =	rddreg [dreg:$0x15];
	[sflag:s5] =	ssyncadd.s32 $0xFFFFD800  }
0x161: {  	[tilespmem:s4], [sflag:$0xD] =	stream.linear.gather [spmem:s6], $0x2800, $0x38;
	[tilespmem:$0x1E400] =	vst v63  }
0x162: {  	_ =	swait.ge [sflag:s5], $0x2800  }
0x163: {  	[sflag:s5] =	ssyncset.done $0x0  }
0x164: {  	s24 =	rddreg [dreg:$0xa];
	[sflag:s5] =	ssyncadd.s32 $0xFFFFD800  }
0x165: {  	[hbm4b:s24+s3] =	stream.linear.scatter [tilespmem:s4], [sflag:$0xD], $0x2800, $0x38;
	[tilespmem:$0x1E400] =	vst v63  }
0x166: {  	_ =	swait.ge [sflag:s5], $0x2800  }
0x167: {  	[sflag:s5] =	ssyncset.done $0x0  }
0x168: {  	s25 =	rddreg [dreg:$0x16];
	[sflag:s5] =	ssyncadd.s32 $0xFFFFD800  }
0x169: {  	[tilespmem:s4], [sflag:$0xD] =	stream.linear.gather [spmem:s25], $0x2800, $0x38;
	[tilespmem:$0x1E400] =	vst v63  }
0x16a: {  	_ =	swait.ge [sflag:s5], $0x2800  }
0x16b: {  	[sflag:s5] =	ssyncset.done $0x0  }
0x16c: {  	s26 =	rddreg [dreg:$0xb];
	[sflag:s5] =	ssyncadd.s32 $0xFFFFD800  }
0x16d: {  	[hbm4b:s26+s3] =	stream.linear.scatter [tilespmem:s4], [sflag:$0xD], $0x2800, $0x38;
	[tilespmem:$0x1E400] =	vst v63  }
0x16e: {  	_ =	swait.ge [sflag:s5], $0x2800  }
0x16f: {  	[sflag:s5] =	ssyncset.done $0x0  }
0x170: {  	s1 =	rddreg [dreg:$0x17];
	[sflag:s5] =	ssyncadd.s32 $0xFFFFD800  }
0x171: {  	[tilespmem:s4], [sflag:$0xD] =	stream.linear.gather [spmem:s1], $0x2800, $0x38;
	[tilespmem:$0x1E400] =	vst v63  }
0x172: {  	_ =	swait.ge [sflag:s5], $0x2800  }
0x173: {  	[sflag:s5] =	ssyncset.done $0x0  }
0x174: {  	s6 =	rddreg [dreg:$0xc];
	[sflag:s5] =	ssyncadd.s32 $0xFFFFD800  }
0x175: {  	[hbm4b:s6+s3] =	stream.linear.scatter [tilespmem:s4], [sflag:$0xD], $0x2800, $0x38;
	[tilespmem:$0x1E400] =	vst v63  }
0x176: {  	_ =	swait.ge [sflag:s5], $0x2800  }
0x177: {  	[sflag:s5] =	ssyncset.done $0x0  }
0x178: {  	s1 =	rddreg [dreg:$0x18];
	[sflag:s5] =	ssyncadd.s32 $0xFFFFD800  }
0x179: {  	[tilespmem:s4], [sflag:$0xD] =	stream.linear.gather [spmem:s1], $0x2800, $0x38;
	[tilespmem:$0x1E400] =	vst v63  }
0x17a: {  	_ =	swait.ge [sflag:s5], $0x2800  }
0x17b: {  	[sflag:s5] =	ssyncset.done $0x0  }
0x17c: {  	s24 =	rddreg [dreg:$0xd];
	[sflag:s5] =	ssyncadd.s32 $0xFFFFD800  }
0x17d: {  	[hbm4b:s24+s3] =	stream.linear.scatter [tilespmem:s4], [sflag:$0xD], $0x2800, $0x38;
	[tilespmem:$0x1E400] =	vst v63  }
0x17e: {  	_ =	swait.ge [sflag:s5], $0x2800  }
0x17f: {  	s25 =	rddreg [dreg:$0x1c]  }
0x180: {  	s26 =	rddreg [dreg:$0x11];
	s6 =	sadd.s32 $0x1, s25  }
0x181: {  	p0 =	sne.s32 s6, s26  }
.Ltmp2:
0x182: {  	_ = 	snop;
	(pc) =	sbr.rel @p0 .LBB2_1-.Ltmp2, $3  }
0x183: {  	_ =	sdelay $0x1  }
0x184: {  	[sflag:s5] =	ssyncset.done $0x0  }
0x185: {  	s4 =	simm.s32 $0x400;
	[sflag:s5] =	ssyncadd.s32 $0xFFFFD800  }
0x186: {  	_ =	sfence.sel $0x180000  }
0x187: {  	[bflag:$0x0] =	sbarrier.arrive $0xFFFF  }
0x188: {  	_ =	strace $0x9000004A  }
0x189: {  	s0 =	stileid.u32;
	[bflag:$0x2] =	sbarrier.arrive $0xFFFF  }
0x18a: {  	p0 =	sne.s32 s0, $0x0;
	s0 =	rddreg [dreg:$0x2]  }
0x18b: {  	s0 =	sadd.s32 @!p0 $0x100000, s0  }
0x18c: {  	[sflag:s0] =	ssyncadd.tile.s32 @!p0 $0x1;
	_ =	shalt  }
.Lfunc_end2:
_tile_overlayer_lowered:
.L_overlay_start_2:
0x18d: {  	(tag) =	ssettag $0x2  }
0x18e: {  	s0 =	rddreg [dreg:$0x0];
	s2 =	stileid.u32  }
0x18f: {  	s1 =	rddreg [dreg:$0x1];
	p0 =	sne.s32 s2, $0x0  }
0x190: {  	s3 =	rddreg [dreg:$0x2];
	[bflag:$0x3] =	sbarrier.arrive $0xFFFF;
	s2 =	simm.s32 @!p0 $0x1C0D  }
0x191: {  	[timem:s3], [sflag:s2] =	dma.local @!p0 [hbm:s0], s1  }
0x192: {  	s0 =	simm.s32 @!p0 $0xD  }
0x193: {  	_ =	swait.ge @!p0 [sflag:s0], s1  }
0x194: {  	s1 =	ssub.s32 @!p0 $0x0, s1;
	[sflag:s0] =	ssyncset.done @!p0 $0x0  }
0x195: {  	[sflag:s0] =	ssyncadd.s32 @!p0 s1  }
0x196: {  	[bflag:$0x3] =	sbarrier.arrive $0xFFFF  }
0x197: {  	_ =	shalt  }

// kernel: _run.16.cloned.1.call-start
scs
__scs_entry_jumppad:
0x0: {  	(pc) =	sbr.rel $0x88, $3  }
0x1: {  	(tag) =	ssettag $0x0;
	lr =	simm.s32 $0x1  }
0x2: {  	[smem:$0x3F98] =	sst lr;
	_ =	strace $0xD0000000  }
0x3: {  	_ = 	snop  }
0x4: {  	_ = 	snop  }
0x5: {  	_ = 	snop  }
0x6: {  	_ = 	snop  }
0x7: {  	_ = 	snop  }
__scs_overlays_trampoline_lowered:
0x8: {  	[smem:$0x3FA7] =	sst s0  }
0x9: {  	[smem:$0x3FA8] =	sst s1  }
0xa: {  	[smem:$0x3FA9] =	sst s2  }
0xb: {  	[smem:$0x3FAA] =	sst s3  }
0xc: {  	[smem:$0x3FAB] =	sst s4  }
0xd: {  	[smem:$0x3FAC] =	sst s5  }
0xe: {  	[smem:$0x3FAD] =	sst s6  }
0xf: {  	[smem:$0x3FAE] =	sst s7  }
0x10: {  	[smem:$0x3FAF] =	sst s8  }
0x11: {  	[smem:$0x3FB0] =	sst s9;
	s0 =	simm.s32 @!p0 $0x0  }
0x12: {  	s1 =	sld [smem:$0x3F96];
	s0 =	simm.s32 @p0 $0x1  }
0x13: {  	[smem:$0x3FB1] =	sst s0;
	s0 =	simm.s32 @!p1 $0x0  }
0x14: {  	s2 =	sld [smem:$0x3F95];
	s0 =	simm.s32 @p1 $0x1  }
0x15: {  	[smem:$0x3FB2] =	sst s0;
	s0 =	simm.s32 @!p2 $0x0  }
0x16: {  	s3 =	sld [smem:$0x3FDB];
	s0 =	simm.s32 @p2 $0x1  }
0x17: {  	s4 =	simm.s32 $0x1BF5;
	[smem:$0x3FB4] =	sst s0  }
0x18: {  	s0 =	sld [smem:$0x3F97];
	_ =	swait.ge [sflag:s4], $0x0  }
0x19: {  	s7 =	sld [smem:$0x3F98]  }
0x1a: {  	s8 =	sadd.s32 $0xFFFFE003, lr  }
0x1b: {  	s9 =	sadd.s32 $0xFFFFFEF7, lr;
	s5 =	simm.s32 $0xFFFFFFFF;
	p2 =	slt.u32 s8, $0xFFFFF086  }
0x1c: {  	p1 =	slt.u32 s9, $0xF7A;
	s5 =	simm.s32 @!p2 $0x0  }
0x1d: {  	s5 =	simm.s32 @p1 $0x1;
	p0 =	seq.s32 s7, s2  }
0x1e: {  	s7 =	smul.u32 @!p0 $0xF7A, s2;
	p2 =	seq.s32 @!p0 s5, $0x0  }
0x1f: {  	s9 =	smul.u32 $0xF7A, s1;
	s8 =	simm.s32 @!p0 $0x1BF5;
	p2 =	por !p2, p0  }
0x20: {  	[sflag:s8] =	ssyncset.s32 @!p0 $0xFFFFF086;
	s6 =	sadd.s32 @!p0 s3, s7;
	s7 =	simm.s32 @!p0 $0x108  }
0x21: {  	s3 =	sadd.s32 s3, s9;
	s6 =	sadd.s32 @!p0 $0x88, s6;
	s7 =	simm.s32 @p2 $0x1082  }
0x22: {  	[simem:s7], [sflag:s8] =	dma.local @!p0 [hbm:s6], $0xF7A  }
0x23: {  	s9 =	sor.u32 $0xD0000000, s2;
	s6 =	simm.s32 $0x108;
	_ =	swait.ge @!p0 [sflag:s8], $0x0  }
0x24: {  	s3 =	sadd.s32 $0x88, s3;
	s6 =	simm.s32 @!p1 $0x1082;
	[sflag:s4] =	ssyncset.s32 $0xFFFFF086  }
0x25: {  	[simem:s6], [sflag:s4] =	dma.local [hbm:s3], $0xF7A  }
0x26: {  	[smem:$0x3F98] =	sst s1;
	(tag) =	ssettag s2;
	_ =	strace s9  }
0x27: {  	s1 =	sld [smem:$0x3FA8]  }
0x28: {  	s2 =	sld [smem:$0x3FA9]  }
0x29: {  	s4 =	sld [smem:$0x3FAB]  }
0x2a: {  	p0 =	seq.s32 s5, $0x0;
	s5 =	sld [smem:$0x3FAC]  }
0x2b: {  	s6 =	sld [smem:$0x3FAD]  }
0x2c: {  	s7 =	sld [smem:$0x3FAE]  }
0x2d: {  	s3 =	simm.s32 $0x108;
	s8 =	sld [smem:$0x3FAF]  }
0x2e: {  	s3 =	simm.s32 @!p0 $0x1082;
	s9 =	sld [smem:$0x3FB0]  }
0x2f: {  	lr =	sadd.s32 s0, s3;
	s0 =	sld [smem:$0x3FA7]  }
0x30: {  	s3 =	sld [smem:$0x3FAA]  }
0x31: {  	[smem:$0x3FB3] =	sst s10  }
0x32: {  	s10 =	sld [smem:$0x3FB1];
	_ =	sdelay $0x3  }
0x33: {  	p0 =	seq.s32 s10, $0x1;
	s10 =	sld [smem:$0x3FB3];
	_ =	sdelay $0x3  }
0x34: {  	[smem:$0x3FB3] =	sst s10  }
0x35: {  	s10 =	sld [smem:$0x3FB2];
	_ =	sdelay $0x3  }
0x36: {  	p1 =	seq.s32 s10, $0x1;
	s10 =	sld [smem:$0x3FB3];
	_ =	sdelay $0x3  }
0x37: {  	[smem:$0x3FB3] =	sst s10  }
0x38: {  	s10 =	sld [smem:$0x3FB4]  }
0x39: {  	_ = 	snop;
	(pc) =	sbr.ind lr, $3  }
0x3a: {  	_ = 	snop  }
0x3b: {  	_ = 	snop  }
0x3c: {  	p2 =	seq.s32 s10, $0x1;
	s10 =	sld [smem:$0x3FB3]  }
0x3d: {  	_ =	shalt  }
0x3e: {  	_ =	shalt  }
0x3f: {  	_ =	shalt  }
0x40: {  	_ =	shalt  }
0x41: {  	_ =	shalt  }
0x42: {  	_ =	shalt  }
0x43: {  	_ =	shalt  }
0x44: {  	_ =	shalt  }
0x45: {  	_ =	shalt  }
0x46: {  	_ =	shalt  }
0x47: {  	_ =	shalt  }
0x48: {  	_ =	shalt  }
0x49: {  	_ =	shalt  }
0x4a: {  	_ =	shalt  }
0x4b: {  	_ =	shalt  }
0x4c: {  	_ =	shalt  }
0x4d: {  	_ =	shalt  }
0x4e: {  	_ =	shalt  }
0x4f: {  	_ =	shalt  }
0x50: {  	_ =	shalt  }
0x51: {  	_ =	shalt  }
0x52: {  	_ =	shalt  }
0x53: {  	_ =	shalt  }
0x54: {  	_ =	shalt  }
0x55: {  	_ =	shalt  }
0x56: {  	_ =	shalt  }
0x57: {  	_ =	shalt  }
0x58: {  	_ =	shalt  }
0x59: {  	_ =	shalt  }
0x5a: {  	_ =	shalt  }
0x5b: {  	_ =	shalt  }
0x5c: {  	_ =	shalt  }
0x5d: {  	_ =	shalt  }
0x5e: {  	_ =	shalt  }
0x5f: {  	_ =	shalt  }
0x60: {  	_ =	shalt  }
0x61: {  	_ =	shalt  }
0x62: {  	_ =	shalt  }
0x63: {  	_ =	shalt  }
0x64: {  	_ =	shalt  }
0x65: {  	_ =	shalt  }
0x66: {  	_ =	shalt  }
0x67: {  	_ =	shalt  }
0x68: {  	_ =	shalt  }
0x69: {  	_ =	shalt  }
0x6a: {  	_ =	shalt  }
0x6b: {  	_ =	shalt  }
0x6c: {  	_ =	shalt  }
0x6d: {  	_ =	shalt  }
0x6e: {  	_ =	shalt  }
0x6f: {  	_ =	shalt  }
0x70: {  	_ =	shalt  }
0x71: {  	_ =	shalt  }
0x72: {  	_ =	shalt  }
0x73: {  	_ =	shalt  }
0x74: {  	_ =	shalt  }
0x75: {  	_ =	shalt  }
0x76: {  	_ =	shalt  }
0x77: {  	_ =	shalt  }
0x78: {  	_ =	shalt  }
0x79: {  	_ =	shalt  }
0x7a: {  	_ =	shalt  }
0x7b: {  	_ =	shalt  }
0x7c: {  	_ =	shalt  }
0x7d: {  	_ =	shalt  }
0x7e: {  	_ =	shalt  }
0x7f: {  	_ =	shalt  }
0x80: {  	_ =	shalt  }
0x81: {  	_ =	shalt  }
0x82: {  	_ =	shalt  }
0x83: {  	_ =	shalt  }
0x84: {  	_ =	shalt  }
0x85: {  	_ =	shalt  }
0x86: {  	_ =	shalt  }
0x87: {  	_ =	shalt  }
.Lfunc_end0:
.L_simem_size_0:
called_computation.2_lowered:
.L_overlay_start_0:
0x88: {  	s2 =	sld [smem:$0x3FD9]  }
0x89: {  	s3 =	sld [smem:$0x3FFE];
	_ =	sdelay $0x1  }
0x8a: {  	s1 =	srdreg.scid  }
0x8b: {  	s0 =	sand.u32 $0x1, s1  }
0x8c: {  	s16 =	sshll.u32 s0, $0xA;
	s2 =	sadd.s32 s3, s2  }
0x8d: {  	s2 =	sadd.s32 s2, s16  }
0x8e: {  	[smem:$0x3FBF] =	sst s2  }
0x8f: {  	_ = 	snop  }
0x90: {  	(tm) =	ssettm $0x1  }
0x91: {  	s17 =	sld [smem:$0x3FFB];
	_ =	sdelay $0x3  }
0x92: {  	_ =	strace s17  }
0x93: {  	s2 =	sld [smem:$0x3FFC];
	_ =	sdelay $0x3  }
0x94: {  	_ =	strace s2  }
0x95: {  	s2 =	sld [smem:$0x3FFD];
	_ =	sdelay $0x3  }
0x96: {  	_ =	strace s2  }
0x97: {  	_ =	strace $0x8FFFFFFF  }
0x98: {  	s18 =	sld [smem:$0x3FDB];
	_ =	sdelay $0x1  }
0x99: {  	s19 =	simm.s32 $_scs_section_size  }
0x9a: {  	s4 =	simm.s32 $_size__tile_overlayer_lowered;
	s5 =	simm.s32 $_tile_overlayer_lowered  }
0x9b: {  	s22 =	simm.s32 $0x1BFF;
	s21 =	sshll.u32 s5, $0x1;
	s2 =	sadd.s32 s19, s18  }
0x9c: {  	s6 =	simm.s32 $0x0;
	s20 =	sshll.u32 s4, $0x1;
	s4 =	sadd.s32 s21, s2  }
0x9d: {  	[timem:s6], [sflag:s22] =	dma.local [hbm:s4], s20  }
0x9e: {  	_ =	swait.ge [sflag:s22], s20  }
0x9f: {  	s3 =	ssub.s32 $0x0, s20;
	[sflag:s22] =	ssyncset.done $0x0  }
0xa0: {  	[sflag:s22] =	ssyncadd.s32 s3;
	_ =	sdelay $0x1  }
0xa1: {  	s23 =	simm.s32 $0x1B8B  }
0xa2: {  	_ =	swait.ge [sflag:s23], $0x1  }
0xa3: {  	[sflag:s23] =	ssyncset.done $0x0  }
0xa4: {  	s25 =	simm.s32 $0x1B8E;
	s24 =	sld [smem:$0x3FFE];
	[sflag:s23] =	ssyncadd.s32 $0xFFFFFFFF  }
0xa5: {  	s26 =	simm.s32 $execute0_lowered;
	[smem:$0x3FD2] =	sst s25  }
0xa6: {  	s4 =	sshll.u32 s26, $0x1;
	_ =	strace $0x8000004C;
	[dreg:$0x1] =	wrdreg $0xFFFFFFFF  }
0xa7: {  	s28 =	simm.s32 $_size_execute0_lowered;
	s2 =	sadd.s32 s2, s4;
	[dreg:$0x0] =	wrdreg $0x0  }
0xa8: {  	s4 =	sshll.u32 s28, $0x1;
	[dreg:$0x2] =	wrdreg s2  }
0xa9: {  	[dreg:$0x3] =	wrdreg s4  }
0xaa: {  	[dreg:$0x4] =	wrdreg $0xC0  }
0xab: {  	_ =	task [dreg:s6], $0x5FFFF  }
0xac: {  	[dreg:$0x1] =	wrdreg $0xFFFFFFFF  }
0xad: {  	[dreg:$0x0] =	wrdreg $0x60  }
0xae: {  	[dreg:$0x2] =	wrdreg s24  }
0xaf: {  	[dreg:$0x3] =	wrdreg $0xA4000  }
0xb0: {  	[dreg:$0x4] =	wrdreg $0x9  }
0xb1: {  	_ =	task.clear_ibuf [dreg:s6], $0x5FFFF;
	_ =	strace $0x9000004C  }
0xb2: {  	s29 =	simm.s32 $0x9;
	_ =	strace $0x8000004E  }
0xb3: {  	_ =	swait.ge [sflag:s29], $0x1  }
0xb4: {  	[sflag:s29] =	ssyncadd.s32 $0xFFFFFFFF  }
0xb5: {  	_ =	strace $0x9000004E  }
0xb6: {  	_ =	sfence  }
0xb7: {  	s30 =	sld [smem:$0x0];
	_ =	sdelay $0x2  }
0xb8: {  	s31 =	sshll.u32 s1, $0xD;
	s1 =	sshrl.u32 s1, $0x2  }
0xb9: {  	s3 =	sand.u32 $0x4000, s31;
	s1 =	sadd.s32 s1, s30  }
0xba: {  	s0 =	sor.u32 s3, s0;
	s1 =	sshll.u32 s1, $0x11  }
0xbb: {  	s0 =	sor.u32 s1, s0  }
0xbc: {  	s0 =	sadd.s32 $0x8F2B, s0  }
0xbd: {  	[sflag:s0] =	ssyncadd.remote.s32 $0x1  }
0xbe: {  	_ =	sfence.sel $0xFFFF  }
0xbf: {  	[dreg:$0x0] =	wrdreg $0xFFFFFFFF;
	(pc) =	sbr.abs _section_cstart, $3  }
0xc0: {  	[dreg:$0x1] =	wrdreg $0xFFFFFFFF  }
0xc1: {  	_ =	task.clear_ibuf [dreg:s6], $0x2FFFF;
	_ =	strace $0x9FFFFFFF  }
0xc2: {  	(tm) =	ssettm $0x7FFFFFFF  }
0xc3: {  	_ =	shalt  }
tec
execute0_lowered:
.L_overlay_start_1:
0x0: {  	(tag) =	ssettag $0x1  }
0x1: {  	s1 =	rddreg [dreg:$0x0]  }
0x2: {  	s2 =	rddreg [dreg:$0x1];
	s3 =	simm.s32 $0x0  }
0x3: {  	s0 =	srdreg.scid;
	s19 =	stileid.u32;
	s28 =	simm.s32 $0x5400  }
0x4: {  	s29 =	simm.s32 $0x6;
	[smem:$0x7FF] =	sst s3;
	s5 =	smul.u32 $0x280, s19  }
0x5: {  	s0 =	sand.u32 $0x1, s0;
	s30 =	sadd.s32 $0xDA00, s1;
	s9 =	smul.u32 $0x4EC0, s19  }
0x6: {  	s10 =	sadd.s32 $0x6F800, s1;
	_ =	strace $0x8000004D;
	s6 =	ssub.s32 $0x2, s0  }
0x7: {  	s7 =	smul.u32 $0x4EC00, s0;
	s8 =	sshrl.u32 s6, $0x1;
	s11 =	sadd.s32 $0xA0, s5  }
0x8: {  	s12 =	sadd.s32 $0xF0, s5;
	s13 =	sadd.s32 $0x140, s5;
	s16 =	sadd.s32 $0x190, s5  }
0x9: {  	s17 =	sadd.s32 $0x1E0, s5;
	s6 =	ssub.s32 s6, s8;
	s8 =	smul.u32 $0x2800, s0  }
0xa: {  	s0 =	sadd.s32 s9, s7;
	s7 =	sor.u32 $0x50, s5;
	s9 =	sshrl.u32 s9, $0x3  }
0xb: {  	s14 =	sadd.s32 s8, s5;
	s5 =	sadd.s32 $0x230, s5;
	s18 =	sadd.s32 s8, s7  }
0xc: {  	s15 =	sadd.s32 s8, s11;
	s23 =	sadd.s32 s8, s13;
	s24 =	sadd.s32 s8, s16  }
0xd: {  	s25 =	sadd.s32 s8, s17;
	s11 =	sshll.u32 s11, $0x7;
	s14 =	sshll.u32 s14, $0x4  }
0xe: {  	s20 =	sshll.u32 s15, $0x4;
	s26 =	sshll.u32 s24, $0x4;
	s24 =	smul.u32 $0x9D8, s19  }
0xf: {  	s4 =	sshll.u32 s25, $0x4;
	s25 =	smul.u32 $0x50000, s19;
	s14 =	sadd.s32 s10, s14  }
0x10: {  	s15 =	sadd.s32 s10, s4;
	[dreg:$0x6] =	wrdreg s14;
	s14 =	sshll.u32 s18, $0x4  }
0x11: {  	s18 =	sadd.s32 s8, s12;
	[dreg:$0xc] =	wrdreg s15;
	s8 =	sadd.s32 s8, s5  }
0x12: {  	s4 =	sshrl.u32 s25, $0x2;
	s12 =	sshll.u32 s12, $0x7;
	s14 =	sadd.s32 s10, s14  }
0x13: {  	s21 =	sshll.u32 s18, $0x4;
	s18 =	sadd.s32 $0x190, s0;
	s8 =	sshll.u32 s8, $0x4  }
0x14: {  	s31 =	sadd.s32 s4, s2;
	s19 =	sadd.s32 s12, s2;
	[dreg:$0x7] =	wrdreg s14  }
0x15: {  	s4 =	simm.s32 $0x400;
	s12 =	simm.s32 $0x5;
	[dreg:$0x14] =	wrdreg s19  }
0x16: {  	s14 =	sadd.s32 s10, s20;
	s22 =	sadd.s32 s10, s21;
	[dreg:$0x10] =	wrdreg s31  }
0x17: {  	s20 =	sadd.s32 $0xF0, s0;
	s8 =	sadd.s32 s10, s8;
	[dreg:$0x8] =	wrdreg s14  }
0x18: {  	s19 =	simm.s32 $0x4;
	[dreg:$0x9] =	wrdreg s22;
	s14 =	sshll.u32 s23, $0x4  }
0x19: {  	s15 =	sshrl.u32 s20, $0x3;
	[dreg:$0xd] =	wrdreg s8;
	s22 =	sadd.s32 $0x3C00, s1  }
0x1a: {  	s23 =	sadd.s32 $0xA0, s0;
	s20 =	sshll.u32 s13, $0x7;
	s13 =	simm.s32 $0x380  }
0x1b: {  	s14 =	sadd.s32 s10, s14;
	s21 =	sadd.s32 s15, s30;
	s8 =	sshrl.u32 s23, $0x3  }
0x1c: {  	s15 =	sadd.s32 $0x21600, s1;
	[dreg:$0xa] =	wrdreg s14;
	s14 =	sadd.s32 s10, s26  }
0x1d: {  	[dreg:$0x4] =	wrdreg s21;
	s8 =	sadd.s32 s8, s30;
	s26 =	sshrl.u32 s0, $0x3  }
0x1e: {  	s10 =	sshll.u32 s7, $0x7;
	s21 =	sshll.u32 s16, $0x7;
	s0 =	sadd.s32 $0x140, s0  }
0x1f: {  	s7 =	simm.s32 $0x50;
	s16 =	simm.s32 $0x3;
	[dreg:$0xb] =	wrdreg s14  }
0x20: {  	s14 =	sshrl.u32 s18, $0x3;
	s18 =	sadd.s32 s22, s9;
	[dreg:$0x5] =	wrdreg s8  }
0x21: {  	s8 =	sadd.s32 s30, s26;
	s9 =	smax.u32 s6, $0x1;
	[dreg:$0x19] =	wrdreg s0  }
0x22: {  	s1 =	sadd.s32 s10, s2;
	s10 =	simm.s32 $0x2;
	[dreg:$0x11] =	wrdreg s9  }
0x23: {  	s6 =	simm.s32 $0x0;
	s14 =	sadd.s32 s14, s30;
	[dreg:$0x12] =	wrdreg s1  }
0x24: {  	s1 =	sadd.s32 s11, s2;
	[dreg:$0xf] =	wrdreg s8;
	s25 =	sadd.s32 $0xA, s8  }
0x25: {  	[dreg:$0xe] =	wrdreg s18;
	s26 =	sadd.s32 $0xA, s18;
	s8 =	simm.s32 $0x100  }
0x26: {  	s9 =	simm.s32 $0x300;
	s11 =	simm.s32 $0x2C00;
	[dreg:$0x3] =	wrdreg s14  }
0x27: {  	s18 =	simm.s32 $0x180;
	s14 =	sadd.s32 s24, s22;
	[dreg:$0x13] =	wrdreg s1  }
0x28: {  	s1 =	sadd.s32 s20, s2;
	s22 =	sshll.u32 s17, $0x7;
	[dreg:$0x1a] =	wrdreg s25  }
0x29: {  	s24 =	sshll.u32 s5, $0x7;
	[dreg:$0x1b] =	wrdreg s26;
	s5 =	simm.s32 $0xD  }
0x2a: {  	s17 =	simm.s32 $0x9;
	[dreg:$0x15] =	wrdreg s1;
	s1 =	sadd.s32 s21, s2  }
0x2b: {  	s20 =	simm.s32 $0x7C00;
	s23 =	sadd.s32 s22, s2;
	[dreg:$0x16] =	wrdreg s1  }
0x2c: {  	s21 =	simm.s32 $0x7;
	[dreg:$0x17] =	wrdreg s23;
	s1 =	sadd.s32 s24, s2  }
0x2d: {  	v0 =	vimm.f32 $0.0e+00;
	s22 =	simm.s32 $0xA;
	s23 =	simm.s32 $0x8;
	[dreg:$0x18] =	wrdreg s1  }
.LBB2_1:
0x2e: {  	s26 =	sand.u32 $0xFE00, s3  }
0x2f: {  	[dreg:$0x1c] =	wrdreg s6;
	s24 =	sand.u32 $0x70, s3;
	s25 =	sshrl.u32 s26, $0x2  }
0x30: {  	s6 =	simm.s32 $0x40;
	s25 =	sor.u32 s24, s25;
	s24 =	simm.s32 $0x0  }
.LBB2_2:
0x31: {  	p0 =	sne.s32 s6, $0x9FC0  }
0x32: {  	[tilespmem:s25+$0x400] =	vst v0;
	s24 =	sadd.s32 $0x10, s24;
	s25 =	smov.u32 s6;
	s6 =	sadd.s32 $0x40, s6  }
.Ltmp0:
0x33: {  	(pc) =	sbr.rel @p0 .LBB2_2-.Ltmp0, $4  }
0x34: {  	_ = 	snop  }
0x35: {  	s25 =	sand.u32 $0xFE00, s25  }
0x36: {  	s26 =	sand.u32 $0x70, s24;
	s25 =	sshrl.u32 s25, $0x2  }
0x37: {  	s25 =	sor.u32 s26, s25  }
0x38: {  	[tilespmem:s25+$0x400] =	vst v0  }
0x39: {  	[spmem:s31] =	stream.linear.scatter [tilespmem:s4], [sflag:$0xD], $0x2800, $0x38;
	[tilespmem:$0x1E400] =	vst v63  }
0x3a: {  	_ =	swait.ge [sflag:s5], $0x2800  }
0x3b: {  	[sflag:s5] =	ssyncset.done $0x0  }
0x3c: {  	s0 =	rddreg [dreg:$0x12];
	[sflag:s5] =	ssyncadd.s32 $0xFFFFD800  }
0x3d: {  	[spmem:s0] =	stream.linear.scatter [tilespmem:s4], [sflag:$0xD], $0x2800, $0x38;
	[tilespmem:$0x1E400] =	vst v63  }
0x3e: {  	_ =	swait.ge [sflag:s5], $0x2800  }
0x3f: {  	[sflag:s5] =	ssyncset.done $0x0  }
0x40: {  	s24 =	rddreg [dreg:$0x13];
	[sflag:s5] =	ssyncadd.s32 $0xFFFFD800  }
0x41: {  	[spmem:s24] =	stream.linear.scatter [tilespmem:s4], [sflag:$0xD], $0x2800, $0x38;
	[tilespmem:$0x1E400] =	vst v63  }
0x42: {  	_ =	swait.ge [sflag:s5], $0x2800  }
0x43: {  	[sflag:s5] =	ssyncset.done $0x0  }
0x44: {  	s25 =	rddreg [dreg:$0x14];
	[sflag:s5] =	ssyncadd.s32 $0xFFFFD800  }
0x45: {  	[spmem:s25] =	stream.linear.scatter [tilespmem:s4], [sflag:$0xD], $0x2800, $0x38;
	[tilespmem:$0x1E400] =	vst v63  }
0x46: {  	_ =	swait.ge [sflag:s5], $0x2800  }
0x47: {  	[sflag:s5] =	ssyncset.done $0x0  }
0x48: {  	s26 =	rddreg [dreg:$0x15];
	[sflag:s5] =	ssyncadd.s32 $0xFFFFD800  }
0x49: {  	[spmem:s26] =	stream.linear.scatter [tilespmem:s4], [sflag:$0xD], $0x2800, $0x38;
	[tilespmem:$0x1E400] =	vst v63  }
0x4a: {  	_ =	swait.ge [sflag:s5], $0x2800  }
0x4b: {  	[sflag:s5] =	ssyncset.done $0x0  }
0x4c: {  	s31 =	rddreg [dreg:$0x16];
	[sflag:s5] =	ssyncadd.s32 $0xFFFFD800  }
0x4d: {  	[spmem:s31] =	stream.linear.scatter [tilespmem:s4], [sflag:$0xD], $0x2800, $0x38;
	[tilespmem:$0x1E400] =	vst v63  }
0x4e: {  	_ =	swait.ge [sflag:s5], $0x2800  }
0x4f: {  	[sflag:s5] =	ssyncset.done $0x0  }
0x50: {  	s6 =	rddreg [dreg:$0x17];
	[sflag:s5] =	ssyncadd.s32 $0xFFFFD800  }
0x51: {  	[spmem:s6] =	stream.linear.scatter [tilespmem:s4], [sflag:$0xD], $0x2800, $0x38;
	[tilespmem:$0x1E400] =	vst v63  }
0x52: {  	_ =	swait.ge [sflag:s5], $0x2800  }
0x53: {  	[sflag:s5] =	ssyncset.done $0x0  }
0x54: {  	[sflag:s5] =	ssyncadd.s32 $0xFFFFD800  }
0x55: {  	[spmem:s1] =	stream.linear.scatter [tilespmem:s4], [sflag:$0xD], $0x2800, $0x38;
	[tilespmem:$0x1E400] =	vst v63  }
0x56: {  	_ =	swait.ge [sflag:s5], $0x2800  }
0x57: {  	[sflag:s5] =	ssyncset.done $0x0  }
0x58: {  	[sflag:s5] =	ssyncadd.s32 $0xFFFFD800  }
0x59: {  	[bflag:$0x0] =	sbarrier.arrive $0xFFFF  }
0x5a: {  	s6 =	simm.s32 $0x0;
	s24 =	rddreg [dreg:$0xf]  }
0x5b: {  	[tilespmem:s6], [sflag:$0x1] =	stream.linear.gather [hbm4b:s24+s6], $0x50, $0x38;
	[tilespmem:$0x1E400] =	vst v63  }
0x5c: {  	s5 =	simm.s32 $0x200;
	s25 =	rddreg [dreg:$0xe]  }
0x5d: {  	[tilespmem:s5], [sflag:$0x1] =	stream.linear.gather [hbm4b:s25+s6], $0x50, $0x38;
	[tilespmem:$0x1E400] =	vst v63  }
0x5e: {  	s4 =	simm.s32 $0x80;
	s26 =	rddreg [dreg:$0x1a]  }
0x5f: {  	[tilespmem:s4], [sflag:$0x2] =	stream.linear.gather [hbm4b:s26+s6], $0x50, $0x38;
	[tilespmem:$0x1E400] =	vst v63  }
0x60: {  	s31 =	rddreg [dreg:$0x1b];
	s24 =	simm.s32 $0x1;
	s26 =	simm.s32 $0x280  }
0x61: {  	[tilespmem:s26], [sflag:$0x2] =	stream.linear.gather [hbm4b:s31+s6], $0x50, $0x38;
	[tilespmem:$0x1E400] =	vst v63  }
0x62: {  	_ =	swait.ge [sflag:s24], $0x50  }
0x63: {  	[sflag:s24] =	ssyncset.done $0x0  }
0x64: {  	[sflag:s24] =	ssyncadd.s32 $0xFFFFFFB0  }
0x65: {  	_ =	swait.ge [sflag:s24], $0x50  }
0x66: {  	[sflag:s24] =	ssyncset.done $0x0  }
0x67: {  	p0 =	por $0x1, $0x1;
	s1 =	simm.s32 $0x400;
	[sflag:s24] =	ssyncadd.s32 $0xFFFFFFB0  }
0x68: {  	[tilespmem:s1], [sflag:$0x5] =	stream.indirect.gather [hbm4b:s15+s7], $0x80, s6, s7, $0xb8;
	[tilespmem:$0x1E400] =	vst v63  }
0x69: {  	s6 =	simm.s32 @!p0 $0xB  }
0x6a: {  	_ =	swait.ge @!p0 [sflag:s6], $0x2800  }
0x6b: {  	s24 =	rddreg [dreg:$0x5];
	[sflag:s6] =	ssyncset.done @!p0 $0x0  }
0x6c: {  	s31 =	sadd.s32 $0x0, s14;
	[sflag:s6] =	ssyncadd.s32 @!p0 $0xFFFFD800;
	s25 =	sadd.s32 $0x0, s24  }
0x6d: {  	[tilespmem:s8], [sflag:$0x3] =	stream.linear.gather [hbm4b:s25+s3], $0x50, $0x38;
	[tilespmem:$0x1E400] =	vst v63  }
0x6e: {  	s0 =	sadd.s32 $0x14, s31  }
0x6f: {  	[tilespmem:s9], [sflag:$0x3] =	stream.linear.gather [hbm4b:s0+s3], $0x50, $0x38;
	[tilespmem:$0x1E400] =	vst v63  }
0x70: {  	_ =	swait.ge [sflag:s10], $0x50  }
0x71: {  	[sflag:s10] =	ssyncset.done $0x0  }
0x72: {  	[sflag:s10] =	ssyncadd.s32 $0xFFFFFFB0  }
0x73: {  	_ =	swait.ge [sflag:s10], $0x50  }
0x74: {  	[sflag:s10] =	ssyncset.done $0x0  }
0x75: {  	[sflag:s10] =	ssyncadd.s32 $0xFFFFFFB0  }
0x76: {  	[tilespmem:s11], [sflag:$0x6] =	stream.indirect.gather [hbm4b:s15+s7], $0x80, s4, s7, $0xb8;
	[tilespmem:$0x1E400] =	vst v63  }
0x77: {  	_ =	swait.ge [sflag:s12], $0x2800  }
0x78: {  	[sflag:s12] =	ssyncset.done $0x0  }
0x79: {  	s6 =	simm.s32 @!p0 $0xC;
	[sflag:s12] =	ssyncadd.s32 $0xFFFFD800  }
0x7a: {  	[spmem:s2] =	stream.indirect.scatter.add.f32 [tilespmem:s1], [sflag:$0x9], $0x80, s5, s7, $0xb8;
	[tilespmem:$0x1E400] =	vst v63  }
0x7b: {  	_ =	swait.ge @!p0 [sflag:s6], $0x2800  }
0x7c: {  	s1 =	rddreg [dreg:$0x4];
	[sflag:s6] =	ssyncset.done @!p0 $0x0  }
0x7d: {  	[sflag:s6] =	ssyncadd.s32 @!p0 $0xFFFFD800;
	s25 =	sadd.s32 $0x0, s1  }
0x7e: {  	[tilespmem:s18], [sflag:$0x4] =	stream.linear.gather [hbm4b:s25+s3], $0x50, $0x38;
	[tilespmem:$0x1E400] =	vst v63  }
0x7f: {  	s31 =	sadd.s32 $0x1E, s31  }
0x80: {  	[tilespmem:s13], [sflag:$0x4] =	stream.linear.gather [hbm4b:s31+s3], $0x50, $0x38;
	[tilespmem:$0x1E400] =	vst v63  }
0x81: {  	_ =	swait.ge [sflag:s16], $0x50  }
0x82: {  	[sflag:s16] =	ssyncset.done $0x0  }
0x83: {  	[sflag:s16] =	ssyncadd.s32 $0xFFFFFFB0  }
0x84: {  	_ =	swait.ge [sflag:s16], $0x50  }
0x85: {  	[sflag:s16] =	ssyncset.done $0x0  }
0x86: {  	[sflag:s16] =	ssyncadd.s32 $0xFFFFFFB0  }
0x87: {  	[tilespmem:s28], [sflag:$0x7] =	stream.indirect.gather [hbm4b:s15+s7], $0x80, s8, s7, $0xb8;
	[tilespmem:$0x1E400] =	vst v63  }
0x88: {  	_ =	swait.ge [sflag:s29], $0x2800  }
0x89: {  	[sflag:s29] =	ssyncset.done $0x0  }
0x8a: {  	[sflag:s29] =	ssyncadd.s32 $0xFFFFD800  }
0x8b: {  	[spmem:s2] =	stream.indirect.scatter.add.f32 [tilespmem:s11], [sflag:$0xA], $0x80, s26, s7, $0xb8;
	[tilespmem:$0x1E400] =	vst v63  }
0x8c: {  	_ =	swait.ge [sflag:s17], $0x2800  }
0x8d: {  	p0 =	por $0x0, $0x0;
	s0 =	rddreg [dreg:$0x19]  }
0x8e: {  	s24 =	sadd.s32 @!p0 $0x0, s14;
	[sflag:s17] =	ssyncset.done $0x0;
	s6 =	sshrl.u32 @!p0 s0, $0x3  }
0x8f: {  	s25 =	simm.s32 @!p0 $0x0;
	[sflag:s17] =	ssyncadd.s32 $0xFFFFD800;
	s6 =	sadd.s32 @!p0 s30, s6  }
0x90: {  	[tilespmem:s25], [sflag:$0x1] =	stream.linear.gather @!p0 [hbm4b:s6+s25], $0x50, $0x38;
	[tilespmem:$0x1E400] =	vst v63  }
0x91: {  	s26 =	simm.s32 @!p0 $0x200;
	s6 =	sadd.s32 @!p0 $0x28, s24  }
0x92: {  	[tilespmem:s26], [sflag:$0x1] =	stream.linear.gather @!p0 [hbm4b:s6+s25], $0x50, $0x38;
	[tilespmem:$0x1E400] =	vst v63  }
0x93: {  	_ =	swait.ge [sflag:s19], $0x50  }
0x94: {  	[sflag:s19] =	ssyncset.done $0x0  }
0x95: {  	[sflag:s19] =	ssyncadd.s32 $0xFFFFFFB0  }
0x96: {  	_ =	swait.ge [sflag:s19], $0x50  }
0x97: {  	[sflag:s19] =	ssyncset.done $0x0  }
0x98: {  	[sflag:s19] =	ssyncadd.s32 $0xFFFFFFB0  }
0x99: {  	[tilespmem:s20], [sflag:$0x8] =	stream.indirect.gather [hbm4b:s15+s7], $0x80, s18, s7, $0xb8;
	[tilespmem:$0x1E400] =	vst v63  }
0x9a: {  	_ =	swait.ge [sflag:s21], $0x2800  }
0x9b: {  	[sflag:s21] =	ssyncset.done $0x0  }
0x9c: {  	[sflag:s21] =	ssyncadd.s32 $0xFFFFD800  }
0x9d: {  	[spmem:s2] =	stream.indirect.scatter.add.f32 [tilespmem:s28], [sflag:$0xB], $0x80, s9, s7, $0xb8;
	[tilespmem:$0x1E400] =	vst v63  }
0x9e: {  	_ =	swait.ge [sflag:s22], $0x2800  }
0x9f: {  	s6 =	rddreg [dreg:$0x3];
	[sflag:s22] =	ssyncset.done $0x0  }
0xa0: {  	s26 =	simm.s32 @!p0 $0x80;
	[sflag:s22] =	ssyncadd.s32 $0xFFFFD800;
	s6 =	sadd.s32 @!p0 $0x0, s6  }
0xa1: {  	[tilespmem:s26], [sflag:$0x2] =	stream.linear.gather @!p0 [hbm4b:s6+s25], $0x50, $0x38;
	[tilespmem:$0x1E400] =	vst v63  }
0xa2: {  	s6 =	sadd.s32 @!p0 $0x32, s24;
	s24 =	simm.s32 @!p0 $0x280  }
0xa3: {  	[tilespmem:s24], [sflag:$0x2] =	stream.linear.gather @!p0 [hbm4b:s6+s25], $0x50, $0x38;
	[tilespmem:$0x1E400] =	vst v63  }
0xa4: {  	s6 =	simm.s32 @!p0 $0x1  }
0xa5: {  	_ =	swait.ge @!p0 [sflag:s6], $0x50  }
0xa6: {  	[sflag:s6] =	ssyncset.done @!p0 $0x0  }
0xa7: {  	[sflag:s6] =	ssyncadd.s32 @!p0 $0xFFFFFFB0  }
0xa8: {  	_ =	swait.ge @!p0 [sflag:s6], $0x50  }
0xa9: {  	p1 =	por $0x0, $0x0;
	[sflag:s6] =	ssyncset.done @!p0 $0x0  }
0xaa: {  	s24 =	simm.s32 @!p0 $0x400;
	[sflag:s6] =	ssyncadd.s32 @!p0 $0xFFFFFFB0;
	s6 =	simm.s32 @!p0 $0x50  }
0xab: {  	[tilespmem:s24], [sflag:$0x5] =	stream.indirect.gather @!p0 [hbm4b:s15+s6], $0x80, s25, s6, $0xb8;
	[tilespmem:$0x1E400] =	vst v63  }
0xac: {  	s4 =	simm.s32 $0x400;
	s26 =	sadd.s32 $0x140, s0;
	_ =	swait.ge [sflag:s23], $0x2800  }
0xad: {  	s25 =	simm.s32 $0x28;
	s6 =	simm.s32 $0x50;
	[sflag:s23] =	ssyncset.done $0x0  }
.LBB2_4:
0xae: {  	s31 =	simm.s32 @!p1 $0xB;
	[sflag:s23] =	ssyncadd.s32 $0xFFFFD800  }
0xaf: {  	[spmem:s2] =	stream.indirect.scatter.add.f32 [tilespmem:s20], [sflag:$0xC], $0x80, s13, s7, $0xb8;
	[tilespmem:$0x1E400] =	vst v63  }
0xb0: {  	_ =	swait.ge @!p1 [sflag:s31], $0x2800  }
0xb1: {  	[sflag:s31] =	ssyncset.done @!p1 $0x0;
	s0 =	rddreg [dreg:$0x5]  }
0xb2: {  	[sflag:s31] =	ssyncadd.s32 @!p1 $0xFFFFD800;
	s0 =	sadd.s32 s25, s0;
	s31 =	sadd.s32 s25, s14  }
0xb3: {  	[tilespmem:s8], [sflag:$0x3] =	stream.linear.gather [hbm4b:s0+s3], $0x50, $0x38;
	[tilespmem:$0x1E400] =	vst v63  }
0xb4: {  	s1 =	sadd.s32 $0x14, s31  }
0xb5: {  	[tilespmem:s9], [sflag:$0x3] =	stream.linear.gather [hbm4b:s1+s3], $0x50, $0x38;
	[tilespmem:$0x1E400] =	vst v63  }
0xb6: {  	_ =	swait.ge [sflag:s10], $0x50  }
0xb7: {  	[sflag:s10] =	ssyncset.done $0x0  }
0xb8: {  	[sflag:s10] =	ssyncadd.s32 $0xFFFFFFB0  }
0xb9: {  	_ =	swait.ge [sflag:s10], $0x50  }
0xba: {  	[sflag:s10] =	ssyncset.done $0x0  }
0xbb: {  	s1 =	simm.s32 $0x80;
	[sflag:s10] =	ssyncadd.s32 $0xFFFFFFB0  }
0xbc: {  	[tilespmem:s11], [sflag:$0x6] =	stream.indirect.gather [hbm4b:s15+s7], $0x80, s1, s7, $0xb8;
	[tilespmem:$0x1E400] =	vst v63  }
0xbd: {  	_ =	swait.ge [sflag:s12], $0x2800  }
0xbe: {  	[sflag:s12] =	ssyncset.done $0x0  }
0xbf: {  	s0 =	simm.s32 @!p1 $0xC;
	[sflag:s12] =	ssyncadd.s32 $0xFFFFD800  }
0xc0: {  	[spmem:s2] =	stream.indirect.scatter.add.f32 [tilespmem:s4], [sflag:$0x9], $0x80, s5, s7, $0xb8;
	[tilespmem:$0x1E400] =	vst v63  }
0xc1: {  	_ =	swait.ge @!p1 [sflag:s0], $0x2800  }
0xc2: {  	s1 =	rddreg [dreg:$0x4];
	[sflag:s0] =	ssyncset.done @!p1 $0x0  }
0xc3: {  	[sflag:s0] =	ssyncadd.s32 @!p1 $0xFFFFD800;
	s1 =	sadd.s32 s25, s1  }
0xc4: {  	[tilespmem:s18], [sflag:$0x4] =	stream.linear.gather [hbm4b:s1+s3], $0x50, $0x38;
	[tilespmem:$0x1E400] =	vst v63  }
0xc5: {  	s5 =	sadd.s32 $0x1E, s31  }
0xc6: {  	[tilespmem:s13], [sflag:$0x4] =	stream.linear.gather [hbm4b:s5+s3], $0x50, $0x38;
	[tilespmem:$0x1E400] =	vst v63  }
0xc7: {  	_ =	swait.ge [sflag:s16], $0x50  }
0xc8: {  	[sflag:s16] =	ssyncset.done $0x0  }
0xc9: {  	[sflag:s16] =	ssyncadd.s32 $0xFFFFFFB0  }
0xca: {  	_ =	swait.ge [sflag:s16], $0x50  }
0xcb: {  	[sflag:s16] =	ssyncset.done $0x0  }
0xcc: {  	[sflag:s16] =	ssyncadd.s32 $0xFFFFFFB0  }
0xcd: {  	[tilespmem:s28], [sflag:$0x7] =	stream.indirect.gather [hbm4b:s15+s7], $0x80, s8, s7, $0xb8;
	[tilespmem:$0x1E400] =	vst v63  }
0xce: {  	_ =	swait.ge [sflag:s29], $0x2800  }
0xcf: {  	[sflag:s29] =	ssyncset.done $0x0  }
0xd0: {  	s31 =	simm.s32 $0x280;
	[sflag:s29] =	ssyncadd.s32 $0xFFFFD800  }
0xd1: {  	[spmem:s2] =	stream.indirect.scatter.add.f32 [tilespmem:s11], [sflag:$0xA], $0x80, s31, s7, $0xb8;
	[tilespmem:$0x1E400] =	vst v63  }
0xd2: {  	p1 =	seq.s32 s25, $0x9B0;
	_ =	swait.ge [sflag:s17], $0x2800  }
0xd3: {  	s0 =	sshrl.u32 @!p1 s26, $0x3;
	s1 =	sadd.s32 @!p1 s25, s14;
	[sflag:s17] =	ssyncset.done $0x0  }
0xd4: {  	s0 =	sadd.s32 @!p1 s30, s0;
	s31 =	simm.s32 @!p1 $0x0;
	[sflag:s17] =	ssyncadd.s32 $0xFFFFD800  }
0xd5: {  	[tilespmem:s31], [sflag:$0x1] =	stream.linear.gather @!p1 [hbm4b:s0+s31], $0x50, $0x38;
	[tilespmem:$0x1E400] =	vst v63  }
0xd6: {  	s5 =	simm.s32 @!p1 $0x200;
	s0 =	sadd.s32 @!p1 $0x28, s1  }
0xd7: {  	[tilespmem:s5], [sflag:$0x1] =	stream.linear.gather @!p1 [hbm4b:s0+s31], $0x50, $0x38;
	[tilespmem:$0x1E400] =	vst v63  }
0xd8: {  	_ =	swait.ge [sflag:s19], $0x50  }
0xd9: {  	[sflag:s19] =	ssyncset.done $0x0  }
0xda: {  	[sflag:s19] =	ssyncadd.s32 $0xFFFFFFB0  }
0xdb: {  	_ =	swait.ge [sflag:s19], $0x50  }
0xdc: {  	[sflag:s19] =	ssyncset.done $0x0  }
0xdd: {  	[sflag:s19] =	ssyncadd.s32 $0xFFFFFFB0  }
0xde: {  	[tilespmem:s20], [sflag:$0x8] =	stream.indirect.gather [hbm4b:s15+s7], $0x80, s18, s7, $0xb8;
	[tilespmem:$0x1E400] =	vst v63  }
0xdf: {  	_ =	swait.ge [sflag:s21], $0x2800  }
0xe0: {  	[sflag:s21] =	ssyncset.done $0x0  }
0xe1: {  	[sflag:s21] =	ssyncadd.s32 $0xFFFFD800  }
0xe2: {  	[spmem:s2] =	stream.indirect.scatter.add.f32 [tilespmem:s28], [sflag:$0xB], $0x80, s9, s7, $0xb8;
	[tilespmem:$0x1E400] =	vst v63  }
0xe3: {  	_ =	swait.ge [sflag:s22], $0x2800  }
0xe4: {  	s0 =	rddreg [dreg:$0x3];
	[sflag:s22] =	ssyncset.done $0x0  }
0xe5: {  	s5 =	simm.s32 @!p1 $0x80;
	[sflag:s22] =	ssyncadd.s32 $0xFFFFD800;
	s0 =	sadd.s32 @!p1 s25, s0  }
0xe6: {  	[tilespmem:s5], [sflag:$0x2] =	stream.linear.gather @!p1 [hbm4b:s0+s31], $0x50, $0x38;
	[tilespmem:$0x1E400] =	vst v63  }
0xe7: {  	s1 =	sadd.s32 @!p1 $0x32, s1;
	s0 =	simm.s32 @!p1 $0x280;
	s5 =	simm.s32 @!p1 $0x1  }
0xe8: {  	[tilespmem:s0], [sflag:$0x2] =	stream.linear.gather @!p1 [hbm4b:s1+s31], $0x50, $0x38;
	[tilespmem:$0x1E400] =	vst v63  }
0xe9: {  	_ =	swait.ge @!p1 [sflag:s5], $0x50  }
0xea: {  	[sflag:s5] =	ssyncset.done @!p1 $0x0  }
0xeb: {  	s24 =	smov.u32 s6;
	s6 =	sadd.s32 $0x28, s6;
	[sflag:s5] =	ssyncadd.s32 @!p1 $0xFFFFFFB0  }
0xec: {  	p0 =	sne.s32 s6, $0x9D8;
	_ =	swait.ge @!p1 [sflag:s5], $0x50  }
.Ltmp1:
0xed: {  	[sflag:s5] =	ssyncset.done @!p1 $0x0;
	(pc) =	sbr.rel @p0 .LBB2_4-.Ltmp1, $4  }
0xee: {  	s0 =	simm.s32 @!p1 $0x50;
	s1 =	simm.s32 @!p1 $0x400;
	[sflag:s5] =	ssyncadd.s32 @!p1 $0xFFFFFFB0  }
0xef: {  	[tilespmem:s1], [sflag:$0x5] =	stream.indirect.gather @!p1 [hbm4b:s15+s0], $0x80, s31, s0, $0xb8;
	[tilespmem:$0x1E400] =	vst v63  }
0xf0: {  	s26 =	sadd.s32 $0x140, s26;
	s25 =	smov.u32 s24;
	_ =	swait.ge [sflag:s23], $0x2800  }
0xf1: {  	s5 =	simm.s32 $0x200;
	p1 =	seq.s32 s25, $0x0;
	[sflag:s23] =	ssyncset.done $0x0  }
0xf2: {  	s0 =	simm.s32 @!p1 $0xB;
	[sflag:s23] =	ssyncadd.s32 $0xFFFFD800  }
0xf3: {  	[spmem:s2] =	stream.indirect.scatter.add.f32 [tilespmem:s20], [sflag:$0xC], $0x80, s13, s7, $0xb8;
	[tilespmem:$0x1E400] =	vst v63  }
0xf4: {  	_ =	swait.ge @!p1 [sflag:s0], $0x2800  }
0xf5: {  	s1 =	rddreg [dreg:$0x5];
	[sflag:s0] =	ssyncset.done @!p1 $0x0  }
0xf6: {  	[sflag:s0] =	ssyncadd.s32 @!p1 $0xFFFFD800;
	s6 =	sadd.s32 s25, s1;
	s1 =	sadd.s32 s25, s14  }
0xf7: {  	[tilespmem:s8], [sflag:$0x3] =	stream.linear.gather [hbm4b:s6+s3], $0x50, $0x38;
	[tilespmem:$0x1E400] =	vst v63  }
0xf8: {  	s24 =	sadd.s32 $0x14, s1  }
0xf9: {  	[tilespmem:s9], [sflag:$0x3] =	stream.linear.gather [hbm4b:s24+s3], $0x50, $0x38;
	[tilespmem:$0x1E400] =	vst v63  }
0xfa: {  	_ =	swait.ge [sflag:s10], $0x50  }
0xfb: {  	[sflag:s10] =	ssyncset.done $0x0  }
0xfc: {  	[sflag:s10] =	ssyncadd.s32 $0xFFFFFFB0  }
0xfd: {  	_ =	swait.ge [sflag:s10], $0x50  }
0xfe: {  	[sflag:s10] =	ssyncset.done $0x0  }
0xff: {  	s4 =	simm.s32 $0x80;
	[sflag:s10] =	ssyncadd.s32 $0xFFFFFFB0  }
0x100: {  	[tilespmem:s11], [sflag:$0x6] =	stream.indirect.gather [hbm4b:s15+s7], $0x80, s4, s7, $0xb8;
	[tilespmem:$0x1E400] =	vst v63  }
0x101: {  	_ =	swait.ge [sflag:s12], $0x2800  }
0x102: {  	[sflag:s12] =	ssyncset.done $0x0  }
0x103: {  	s0 =	simm.s32 @!p1 $0xC;
	s4 =	simm.s32 $0x400;
	[sflag:s12] =	ssyncadd.s32 $0xFFFFD800  }
0x104: {  	[spmem:s2] =	stream.indirect.scatter.add.f32 [tilespmem:s4], [sflag:$0x9], $0x80, s5, s7, $0xb8;
	[tilespmem:$0x1E400] =	vst v63  }
0x105: {  	_ =	swait.ge @!p1 [sflag:s0], $0x2800  }
0x106: {  	s6 =	rddreg [dreg:$0x4];
	[sflag:s0] =	ssyncset.done @!p1 $0x0  }
0x107: {  	[sflag:s0] =	ssyncadd.s32 @!p1 $0xFFFFD800;
	s24 =	sadd.s32 s25, s6  }
0x108: {  	[tilespmem:s18], [sflag:$0x4] =	stream.linear.gather [hbm4b:s24+s3], $0x50, $0x38;
	[tilespmem:$0x1E400] =	vst v63  }
0x109: {  	s5 =	sadd.s32 $0x1E, s1  }
0x10a: {  	[tilespmem:s13], [sflag:$0x4] =	stream.linear.gather [hbm4b:s5+s3], $0x50, $0x38;
	[tilespmem:$0x1E400] =	vst v63  }
0x10b: {  	_ =	swait.ge [sflag:s16], $0x50  }
0x10c: {  	[sflag:s16] =	ssyncset.done $0x0  }
0x10d: {  	[sflag:s16] =	ssyncadd.s32 $0xFFFFFFB0  }
0x10e: {  	_ =	swait.ge [sflag:s16], $0x50  }
0x10f: {  	[sflag:s16] =	ssyncset.done $0x0  }
0x110: {  	[sflag:s16] =	ssyncadd.s32 $0xFFFFFFB0  }
0x111: {  	[tilespmem:s28], [sflag:$0x7] =	stream.indirect.gather [hbm4b:s15+s7], $0x80, s8, s7, $0xb8;
	[tilespmem:$0x1E400] =	vst v63  }
0x112: {  	_ =	swait.ge [sflag:s29], $0x2800  }
0x113: {  	[sflag:s29] =	ssyncset.done $0x0  }
0x114: {  	s6 =	simm.s32 $0x280;
	[sflag:s29] =	ssyncadd.s32 $0xFFFFD800  }
0x115: {  	[spmem:s2] =	stream.indirect.scatter.add.f32 [tilespmem:s11], [sflag:$0xA], $0x80, s6, s7, $0xb8;
	[tilespmem:$0x1E400] =	vst v63  }
0x116: {  	p0 =	seq.s32 s25, $0x9B0;
	_ =	swait.ge [sflag:s17], $0x2800  }
0x117: {  	s1 =	sadd.s32 @!p0 s25, s14;
	s0 =	sshrl.u32 @!p0 s26, $0x3;
	[sflag:s17] =	ssyncset.done $0x0  }
0x118: {  	s0 =	sadd.s32 @!p0 s30, s0;
	s5 =	simm.s32 @!p0 $0x0;
	[sflag:s17] =	ssyncadd.s32 $0xFFFFD800  }
0x119: {  	[tilespmem:s5], [sflag:$0x1] =	stream.linear.gather @!p0 [hbm4b:s0+s5], $0x50, $0x38;
	[tilespmem:$0x1E400] =	vst v63  }
0x11a: {  	s6 =	simm.s32 @!p0 $0x200;
	s0 =	sadd.s32 @!p0 $0x28, s1  }
0x11b: {  	[tilespmem:s6], [sflag:$0x1] =	stream.linear.gather @!p0 [hbm4b:s0+s5], $0x50, $0x38;
	[tilespmem:$0x1E400] =	vst v63  }
0x11c: {  	_ =	swait.ge [sflag:s19], $0x50  }
0x11d: {  	[sflag:s19] =	ssyncset.done $0x0  }
0x11e: {  	[sflag:s19] =	ssyncadd.s32 $0xFFFFFFB0  }
0x11f: {  	_ =	swait.ge [sflag:s19], $0x50  }
0x120: {  	[sflag:s19] =	ssyncset.done $0x0  }
0x121: {  	[sflag:s19] =	ssyncadd.s32 $0xFFFFFFB0  }
0x122: {  	[tilespmem:s20], [sflag:$0x8] =	stream.indirect.gather [hbm4b:s15+s7], $0x80, s18, s7, $0xb8;
	[tilespmem:$0x1E400] =	vst v63  }
0x123: {  	_ =	swait.ge [sflag:s21], $0x2800  }
0x124: {  	[sflag:s21] =	ssyncset.done $0x0  }
0x125: {  	[sflag:s21] =	ssyncadd.s32 $0xFFFFD800  }
0x126: {  	[spmem:s2] =	stream.indirect.scatter.add.f32 [tilespmem:s28], [sflag:$0xB], $0x80, s9, s7, $0xb8;
	[tilespmem:$0x1E400] =	vst v63  }
0x127: {  	_ =	swait.ge [sflag:s22], $0x2800  }
0x128: {  	s0 =	rddreg [dreg:$0x3];
	[sflag:s22] =	ssyncset.done $0x0  }
0x129: {  	s6 =	simm.s32 @!p0 $0x80;
	[sflag:s22] =	ssyncadd.s32 $0xFFFFD800;
	s0 =	sadd.s32 @!p0 s25, s0  }
0x12a: {  	[tilespmem:s6], [sflag:$0x2] =	stream.linear.gather @!p0 [hbm4b:s0+s5], $0x50, $0x38;
	[tilespmem:$0x1E400] =	vst v63  }
0x12b: {  	s0 =	sadd.s32 @!p0 $0x32, s1;
	s1 =	simm.s32 @!p0 $0x280  }
0x12c: {  	[tilespmem:s1], [sflag:$0x2] =	stream.linear.gather @!p0 [hbm4b:s0+s5], $0x50, $0x38;
	[tilespmem:$0x1E400] =	vst v63  }
0x12d: {  	s0 =	simm.s32 @!p0 $0x1  }
0x12e: {  	_ =	swait.ge @!p0 [sflag:s0], $0x50  }
0x12f: {  	[sflag:s0] =	ssyncset.done @!p0 $0x0  }
0x130: {  	[sflag:s0] =	ssyncadd.s32 @!p0 $0xFFFFFFB0  }
0x131: {  	_ =	swait.ge @!p0 [sflag:s0], $0x50  }
0x132: {  	[sflag:s0] =	ssyncset.done @!p0 $0x0  }
0x133: {  	s1 =	simm.s32 @!p0 $0x400;
	[sflag:s0] =	ssyncadd.s32 @!p0 $0xFFFFFFB0;
	s0 =	simm.s32 @!p0 $0x50  }
0x134: {  	[tilespmem:s1], [sflag:$0x5] =	stream.indirect.gather @!p0 [hbm4b:s15+s0], $0x80, s5, s0, $0xb8;
	[tilespmem:$0x1E400] =	vst v63  }
0x135: {  	_ =	swait.ge [sflag:s23], $0x2800  }
0x136: {  	[sflag:s23] =	ssyncset.done $0x0  }
0x137: {  	s24 =	simm.s32 $0xB;
	[sflag:s23] =	ssyncadd.s32 $0xFFFFD800  }
0x138: {  	[spmem:s2] =	stream.indirect.scatter.add.f32 [tilespmem:s20], [sflag:$0xC], $0x80, s13, s7, $0xb8;
	[tilespmem:$0x1E400] =	vst v63  }
0x139: {  	_ =	swait.ge [sflag:s24], $0x2800  }
0x13a: {  	[sflag:s24] =	ssyncset.done $0x0  }
0x13b: {  	s25 =	simm.s32 $0xC;
	[sflag:s24] =	ssyncadd.s32 $0xFFFFD800  }
0x13c: {  	_ =	swait.ge [sflag:s25], $0x2800  }
0x13d: {  	[sflag:s25] =	ssyncset.done $0x0  }
0x13e: {  	[sflag:s25] =	ssyncadd.s32 $0xFFFFD800  }
0x13f: {  	[bflag:$0x0] =	sbarrier.arrive $0xFFFF  }
0x140: {  	s5 =	simm.s32 $0xD;
	s31 =	rddreg [dreg:$0x10]  }
0x141: {  	[tilespmem:s4], [sflag:$0xD] =	stream.linear.gather [spmem:s31], $0x2800, $0x38;
	[tilespmem:$0x1E400] =	vst v63  }
0x142: {  	_ =	swait.ge [sflag:s5], $0x2800  }
0x143: {  	[sflag:s5] =	ssyncset.done $0x0  }
0x144: {  	s26 =	rddreg [dreg:$0x6];
	[sflag:s5] =	ssyncadd.s32 $0xFFFFD800  }
0x145: {  	[hbm4b:s26+s3] =	stream.linear.scatter [tilespmem:s4], [sflag:$0xD], $0x2800, $0x38;
	[tilespmem:$0x1E400] =	vst v63  }
0x146: {  	_ =	swait.ge [sflag:s5], $0x2800  }
0x147: {  	[sflag:s5] =	ssyncset.done $0x0  }
0x148: {  	s1 =	rddreg [dreg:$0x12];
	[sflag:s5] =	ssyncadd.s32 $0xFFFFD800  }
0x149: {  	[tilespmem:s4], [sflag:$0xD] =	stream.linear.gather [spmem:s1], $0x2800, $0x38;
	[tilespmem:$0x1E400] =	vst v63  }
0x14a: {  	_ =	swait.ge [sflag:s5], $0x2800  }
0x14b: {  	[sflag:s5] =	ssyncset.done $0x0  }
0x14c: {  	s6 =	rddreg [dreg:$0x7];
	[sflag:s5] =	ssyncadd.s32 $0xFFFFD800  }
0x14d: {  	[hbm4b:s6+s3] =	stream.linear.scatter [tilespmem:s4], [sflag:$0xD], $0x2800, $0x38;
	[tilespmem:$0x1E400] =	vst v63  }
0x14e: {  	_ =	swait.ge [sflag:s5], $0x2800  }
0x14f: {  	[sflag:s5] =	ssyncset.done $0x0  }
0x150: {  	s24 =	rddreg [dreg:$0x13];
	[sflag:s5] =	ssyncadd.s32 $0xFFFFD800  }
0x151: {  	[tilespmem:s4], [sflag:$0xD] =	stream.linear.gather [spmem:s24], $0x2800, $0x38;
	[tilespmem:$0x1E400] =	vst v63  }
0x152: {  	_ =	swait.ge [sflag:s5], $0x2800  }
0x153: {  	[sflag:s5] =	ssyncset.done $0x0  }
0x154: {  	s25 =	rddreg [dreg:$0x8];
	[sflag:s5] =	ssyncadd.s32 $0xFFFFD800  }
0x155: {  	[hbm4b:s25+s3] =	stream.linear.scatter [tilespmem:s4], [sflag:$0xD], $0x2800, $0x38;
	[tilespmem:$0x1E400] =	vst v63  }
0x156: {  	_ =	swait.ge [sflag:s5], $0x2800  }
0x157: {  	[sflag:s5] =	ssyncset.done $0x0  }
0x158: {  	s26 =	rddreg [dreg:$0x14];
	[sflag:s5] =	ssyncadd.s32 $0xFFFFD800  }
0x159: {  	[tilespmem:s4], [sflag:$0xD] =	stream.linear.gather [spmem:s26], $0x2800, $0x38;
	[tilespmem:$0x1E400] =	vst v63  }
0x15a: {  	_ =	swait.ge [sflag:s5], $0x2800  }
0x15b: {  	[sflag:s5] =	ssyncset.done $0x0  }
0x15c: {  	s1 =	rddreg [dreg:$0x9];
	[sflag:s5] =	ssyncadd.s32 $0xFFFFD800  }
0x15d: {  	[hbm4b:s1+s3] =	stream.linear.scatter [tilespmem:s4], [sflag:$0xD], $0x2800, $0x38;
	[tilespmem:$0x1E400] =	vst v63  }
0x15e: {  	_ =	swait.ge [sflag:s5], $0x2800  }
0x15f: {  	[sflag:s5] =	ssyncset.done $0x0  }
0x160: {  	s6 =	rddreg [dreg:$0x15];
	[sflag:s5] =	ssyncadd.s32 $0xFFFFD800  }
0x161: {  	[tilespmem:s4], [sflag:$0xD] =	stream.linear.gather [spmem:s6], $0x2800, $0x38;
	[tilespmem:$0x1E400] =	vst v63  }
0x162: {  	_ =	swait.ge [sflag:s5], $0x2800  }
0x163: {  	[sflag:s5] =	ssyncset.done $0x0  }
0x164: {  	s24 =	rddreg [dreg:$0xa];
	[sflag:s5] =	ssyncadd.s32 $0xFFFFD800  }
0x165: {  	[hbm4b:s24+s3] =	stream.linear.scatter [tilespmem:s4], [sflag:$0xD], $0x2800, $0x38;
	[tilespmem:$0x1E400] =	vst v63  }
0x166: {  	_ =	swait.ge [sflag:s5], $0x2800  }
0x167: {  	[sflag:s5] =	ssyncset.done $0x0  }
0x168: {  	s25 =	rddreg [dreg:$0x16];
	[sflag:s5] =	ssyncadd.s32 $0xFFFFD800  }
0x169: {  	[tilespmem:s4], [sflag:$0xD] =	stream.linear.gather [spmem:s25], $0x2800, $0x38;
	[tilespmem:$0x1E400] =	vst v63  }
0x16a: {  	_ =	swait.ge [sflag:s5], $0x2800  }
0x16b: {  	[sflag:s5] =	ssyncset.done $0x0  }
0x16c: {  	s26 =	rddreg [dreg:$0xb];
	[sflag:s5] =	ssyncadd.s32 $0xFFFFD800  }
0x16d: {  	[hbm4b:s26+s3] =	stream.linear.scatter [tilespmem:s4], [sflag:$0xD], $0x2800, $0x38;
	[tilespmem:$0x1E400] =	vst v63  }
0x16e: {  	_ =	swait.ge [sflag:s5], $0x2800  }
0x16f: {  	[sflag:s5] =	ssyncset.done $0x0  }
0x170: {  	s1 =	rddreg [dreg:$0x17];
	[sflag:s5] =	ssyncadd.s32 $0xFFFFD800  }
0x171: {  	[tilespmem:s4], [sflag:$0xD] =	stream.linear.gather [spmem:s1], $0x2800, $0x38;
	[tilespmem:$0x1E400] =	vst v63  }
0x172: {  	_ =	swait.ge [sflag:s5], $0x2800  }
0x173: {  	[sflag:s5] =	ssyncset.done $0x0  }
0x174: {  	s6 =	rddreg [dreg:$0xc];
	[sflag:s5] =	ssyncadd.s32 $0xFFFFD800  }
0x175: {  	[hbm4b:s6+s3] =	stream.linear.scatter [tilespmem:s4], [sflag:$0xD], $0x2800, $0x38;
	[tilespmem:$0x1E400] =	vst v63  }
0x176: {  	_ =	swait.ge [sflag:s5], $0x2800  }
0x177: {  	[sflag:s5] =	ssyncset.done $0x0  }
0x178: {  	s1 =	rddreg [dreg:$0x18];
	[sflag:s5] =	ssyncadd.s32 $0xFFFFD800  }
0x179: {  	[tilespmem:s4], [sflag:$0xD] =	stream.linear.gather [spmem:s1], $0x2800, $0x38;
	[tilespmem:$0x1E400] =	vst v63  }
0x17a: {  	_ =	swait.ge [sflag:s5], $0x2800  }
0x17b: {  	[sflag:s5] =	ssyncset.done $0x0  }
0x17c: {  	s24 =	rddreg [dreg:$0xd];
	[sflag:s5] =	ssyncadd.s32 $0xFFFFD800  }
0x17d: {  	[hbm4b:s24+s3] =	stream.linear.scatter [tilespmem:s4], [sflag:$0xD], $0x2800, $0x38;
	[tilespmem:$0x1E400] =	vst v63  }
0x17e: {  	_ =	swait.ge [sflag:s5], $0x2800  }
0x17f: {  	s25 =	rddreg [dreg:$0x1c]  }
0x180: {  	s26 =	rddreg [dreg:$0x11];
	s6 =	sadd.s32 $0x1, s25  }
0x181: {  	p0 =	sne.s32 s6, s26  }
.Ltmp2:
0x182: {  	_ = 	snop;
	(pc) =	sbr.rel @p0 .LBB2_1-.Ltmp2, $3  }
0x183: {  	_ =	sdelay $0x1  }
0x184: {  	[sflag:s5] =	ssyncset.done $0x0  }
0x185: {  	s4 =	simm.s32 $0x400;
	[sflag:s5] =	ssyncadd.s32 $0xFFFFD800  }
0x186: {  	_ =	sfence.sel $0x180000  }
0x187: {  	[bflag:$0x0] =	sbarrier.arrive $0xFFFF  }
0x188: {  	_ =	strace $0x9000004D  }
0x189: {  	s0 =	stileid.u32;
	[bflag:$0x2] =	sbarrier.arrive $0xFFFF  }
0x18a: {  	p0 =	sne.s32 s0, $0x0;
	s0 =	rddreg [dreg:$0x2]  }
0x18b: {  	s0 =	sadd.s32 @!p0 $0x100000, s0  }
0x18c: {  	[sflag:s0] =	ssyncadd.tile.s32 @!p0 $0x1;
	_ =	shalt  }
.Lfunc_end2:
_tile_overlayer_lowered:
.L_overlay_start_2:
0x18d: {  	(tag) =	ssettag $0x2  }
0x18e: {  	s0 =	rddreg [dreg:$0x0];
	s2 =	stileid.u32  }
0x18f: {  	s1 =	rddreg [dreg:$0x1];
	p0 =	sne.s32 s2, $0x0  }
0x190: {  	s3 =	rddreg [dreg:$0x2];
	[bflag:$0x3] =	sbarrier.arrive $0xFFFF;
	s2 =	simm.s32 @!p0 $0x1C0D  }
0x191: {  	[timem:s3], [sflag:s2] =	dma.local @!p0 [hbm:s0], s1  }
0x192: {  	s0 =	simm.s32 @!p0 $0xD  }
0x193: {  	_ =	swait.ge @!p0 [sflag:s0], s1  }
0x194: {  	s1 =	ssub.s32 @!p0 $0x0, s1;
	[sflag:s0] =	ssyncset.done @!p0 $0x0  }
0x195: {  	[sflag:s0] =	ssyncadd.s32 @!p0 s1  }
0x196: {  	[bflag:$0x3] =	sbarrier.arrive $0xFFFF  }
0x197: {  	_ =	shalt  }

// kernel: _run.19.cloned.1.call-start
scs
__scs_entry_jumppad:
0x0: {  	(pc) =	sbr.rel $0x88, $3  }
0x1: {  	(tag) =	ssettag $0x0;
	lr =	simm.s32 $0x1  }
0x2: {  	[smem:$0x3F98] =	sst lr;
	_ =	strace $0xD0000000  }
0x3: {  	_ = 	snop  }
0x4: {  	_ = 	snop  }
0x5: {  	_ = 	snop  }
0x6: {  	_ = 	snop  }
0x7: {  	_ = 	snop  }
__scs_overlays_trampoline_lowered:
0x8: {  	[smem:$0x3FA7] =	sst s0  }
0x9: {  	[smem:$0x3FA8] =	sst s1  }
0xa: {  	[smem:$0x3FA9] =	sst s2  }
0xb: {  	[smem:$0x3FAA] =	sst s3  }
0xc: {  	[smem:$0x3FAB] =	sst s4  }
0xd: {  	[smem:$0x3FAC] =	sst s5  }
0xe: {  	[smem:$0x3FAD] =	sst s6  }
0xf: {  	[smem:$0x3FAE] =	sst s7  }
0x10: {  	[smem:$0x3FAF] =	sst s8  }
0x11: {  	[smem:$0x3FB0] =	sst s9;
	s0 =	simm.s32 @!p0 $0x0  }
0x12: {  	s1 =	sld [smem:$0x3F96];
	s0 =	simm.s32 @p0 $0x1  }
0x13: {  	[smem:$0x3FB1] =	sst s0;
	s0 =	simm.s32 @!p1 $0x0  }
0x14: {  	s2 =	sld [smem:$0x3F95];
	s0 =	simm.s32 @p1 $0x1  }
0x15: {  	[smem:$0x3FB2] =	sst s0;
	s0 =	simm.s32 @!p2 $0x0  }
0x16: {  	s3 =	sld [smem:$0x3FDB];
	s0 =	simm.s32 @p2 $0x1  }
0x17: {  	s4 =	simm.s32 $0x1BF5;
	[smem:$0x3FB4] =	sst s0  }
0x18: {  	s0 =	sld [smem:$0x3F97];
	_ =	swait.ge [sflag:s4], $0x0  }
0x19: {  	s7 =	sld [smem:$0x3F98]  }
0x1a: {  	s8 =	sadd.s32 $0xFFFFE003, lr  }
0x1b: {  	s9 =	sadd.s32 $0xFFFFFEF7, lr;
	s5 =	simm.s32 $0xFFFFFFFF;
	p2 =	slt.u32 s8, $0xFFFFF086  }
0x1c: {  	p1 =	slt.u32 s9, $0xF7A;
	s5 =	simm.s32 @!p2 $0x0  }
0x1d: {  	s5 =	simm.s32 @p1 $0x1;
	p0 =	seq.s32 s7, s2  }
0x1e: {  	s7 =	smul.u32 @!p0 $0xF7A, s2;
	p2 =	seq.s32 @!p0 s5, $0x0  }
0x1f: {  	s9 =	smul.u32 $0xF7A, s1;
	s8 =	simm.s32 @!p0 $0x1BF5;
	p2 =	por !p2, p0  }
0x20: {  	[sflag:s8] =	ssyncset.s32 @!p0 $0xFFFFF086;
	s6 =	sadd.s32 @!p0 s3, s7;
	s7 =	simm.s32 @!p0 $0x108  }
0x21: {  	s3 =	sadd.s32 s3, s9;
	s6 =	sadd.s32 @!p0 $0x88, s6;
	s7 =	simm.s32 @p2 $0x1082  }
0x22: {  	[simem:s7], [sflag:s8] =	dma.local @!p0 [hbm:s6], $0xF7A  }
0x23: {  	s9 =	sor.u32 $0xD0000000, s2;
	s6 =	simm.s32 $0x108;
	_ =	swait.ge @!p0 [sflag:s8], $0x0  }
0x24: {  	s3 =	sadd.s32 $0x88, s3;
	s6 =	simm.s32 @!p1 $0x1082;
	[sflag:s4] =	ssyncset.s32 $0xFFFFF086  }
0x25: {  	[simem:s6], [sflag:s4] =	dma.local [hbm:s3], $0xF7A  }
0x26: {  	[smem:$0x3F98] =	sst s1;
	(tag) =	ssettag s2;
	_ =	strace s9  }
0x27: {  	s1 =	sld [smem:$0x3FA8]  }
0x28: {  	s2 =	sld [smem:$0x3FA9]  }
0x29: {  	s4 =	sld [smem:$0x3FAB]  }
0x2a: {  	p0 =	seq.s32 s5, $0x0;
	s5 =	sld [smem:$0x3FAC]  }
0x2b: {  	s6 =	sld [smem:$0x3FAD]  }
0x2c: {  	s7 =	sld [smem:$0x3FAE]  }
0x2d: {  	s3 =	simm.s32 $0x108;
	s8 =	sld [smem:$0x3FAF]  }
0x2e: {  	s3 =	simm.s32 @!p0 $0x1082;
	s9 =	sld [smem:$0x3FB0]  }
0x2f: {  	lr =	sadd.s32 s0, s3;
	s0 =	sld [smem:$0x3FA7]  }
0x30: {  	s3 =	sld [smem:$0x3FAA]  }
0x31: {  	[smem:$0x3FB3] =	sst s10  }
0x32: {  	s10 =	sld [smem:$0x3FB1];
	_ =	sdelay $0x3  }
0x33: {  	p0 =	seq.s32 s10, $0x1;
	s10 =	sld [smem:$0x3FB3];
	_ =	sdelay $0x3  }
0x34: {  	[smem:$0x3FB3] =	sst s10  }
0x35: {  	s10 =	sld [smem:$0x3FB2];
	_ =	sdelay $0x3  }
0x36: {  	p1 =	seq.s32 s10, $0x1;
	s10 =	sld [smem:$0x3FB3];
	_ =	sdelay $0x3  }
0x37: {  	[smem:$0x3FB3] =	sst s10  }
0x38: {  	s10 =	sld [smem:$0x3FB4]  }
0x39: {  	_ = 	snop;
	(pc) =	sbr.ind lr, $3  }
0x3a: {  	_ = 	snop  }
0x3b: {  	_ = 	snop  }
0x3c: {  	p2 =	seq.s32 s10, $0x1;
	s10 =	sld [smem:$0x3FB3]  }
0x3d: {  	_ =	shalt  }
0x3e: {  	_ =	shalt  }
0x3f: {  	_ =	shalt  }
0x40: {  	_ =	shalt  }
0x41: {  	_ =	shalt  }
0x42: {  	_ =	shalt  }
0x43: {  	_ =	shalt  }
0x44: {  	_ =	shalt  }
0x45: {  	_ =	shalt  }
0x46: {  	_ =	shalt  }
0x47: {  	_ =	shalt  }
0x48: {  	_ =	shalt  }
0x49: {  	_ =	shalt  }
0x4a: {  	_ =	shalt  }
0x4b: {  	_ =	shalt  }
0x4c: {  	_ =	shalt  }
0x4d: {  	_ =	shalt  }
0x4e: {  	_ =	shalt  }
0x4f: {  	_ =	shalt  }
0x50: {  	_ =	shalt  }
0x51: {  	_ =	shalt  }
0x52: {  	_ =	shalt  }
0x53: {  	_ =	shalt  }
0x54: {  	_ =	shalt  }
0x55: {  	_ =	shalt  }
0x56: {  	_ =	shalt  }
0x57: {  	_ =	shalt  }
0x58: {  	_ =	shalt  }
0x59: {  	_ =	shalt  }
0x5a: {  	_ =	shalt  }
0x5b: {  	_ =	shalt  }
0x5c: {  	_ =	shalt  }
0x5d: {  	_ =	shalt  }
0x5e: {  	_ =	shalt  }
0x5f: {  	_ =	shalt  }
0x60: {  	_ =	shalt  }
0x61: {  	_ =	shalt  }
0x62: {  	_ =	shalt  }
0x63: {  	_ =	shalt  }
0x64: {  	_ =	shalt  }
0x65: {  	_ =	shalt  }
0x66: {  	_ =	shalt  }
0x67: {  	_ =	shalt  }
0x68: {  	_ =	shalt  }
0x69: {  	_ =	shalt  }
0x6a: {  	_ =	shalt  }
0x6b: {  	_ =	shalt  }
0x6c: {  	_ =	shalt  }
0x6d: {  	_ =	shalt  }
0x6e: {  	_ =	shalt  }
0x6f: {  	_ =	shalt  }
0x70: {  	_ =	shalt  }
0x71: {  	_ =	shalt  }
0x72: {  	_ =	shalt  }
0x73: {  	_ =	shalt  }
0x74: {  	_ =	shalt  }
0x75: {  	_ =	shalt  }
0x76: {  	_ =	shalt  }
0x77: {  	_ =	shalt  }
0x78: {  	_ =	shalt  }
0x79: {  	_ =	shalt  }
0x7a: {  	_ =	shalt  }
0x7b: {  	_ =	shalt  }
0x7c: {  	_ =	shalt  }
0x7d: {  	_ =	shalt  }
0x7e: {  	_ =	shalt  }
0x7f: {  	_ =	shalt  }
0x80: {  	_ =	shalt  }
0x81: {  	_ =	shalt  }
0x82: {  	_ =	shalt  }
0x83: {  	_ =	shalt  }
0x84: {  	_ =	shalt  }
0x85: {  	_ =	shalt  }
0x86: {  	_ =	shalt  }
0x87: {  	_ =	shalt  }
.Lfunc_end0:
.L_simem_size_0:
called_computation.3_lowered:
.L_overlay_start_0:
0x88: {  	s2 =	sld [smem:$0x3FD9]  }
0x89: {  	s3 =	sld [smem:$0x3FFE];
	_ =	sdelay $0x1  }
0x8a: {  	s1 =	srdreg.scid  }
0x8b: {  	s0 =	sand.u32 $0x1, s1  }
0x8c: {  	s17 =	sshll.u32 s0, $0xA;
	s2 =	sadd.s32 s3, s2  }
0x8d: {  	s2 =	sadd.s32 s2, s17  }
0x8e: {  	[smem:$0x3FBF] =	sst s2  }
0x8f: {  	_ = 	snop  }
0x90: {  	s2 =	sld [smem:$0x3FC8]  }
0x91: {  	s18 =	sld [smem:$0x3FC7];
	(tm) =	ssettm $0x1  }
0x92: {  	s4 =	sld [smem:$0x3FFB];
	_ =	sdelay $0x3  }
0x93: {  	_ =	strace s4  }
0x94: {  	s4 =	sld [smem:$0x3FFC];
	_ =	sdelay $0x3  }
0x95: {  	_ =	strace s4  }
0x96: {  	s4 =	sld [smem:$0x3FFD];
	_ =	sdelay $0x3  }
0x97: {  	_ =	strace s4  }
0x98: {  	_ =	strace $0x8FFFFFFF  }
0x99: {  	s19 =	sld [smem:$0x3FDB];
	_ =	sdelay $0x1  }
0x9a: {  	s5 =	simm.s32 $_scs_section_size  }
0x9b: {  	s6 =	simm.s32 $_size__tile_overlayer_lowered;
	s7 =	simm.s32 $_tile_overlayer_lowered  }
0x9c: {  	s22 =	simm.s32 $0x1BFF;
	s21 =	sshll.u32 s7, $0x1;
	s4 =	sadd.s32 s5, s19  }
0x9d: {  	s8 =	simm.s32 $0x0;
	s20 =	sshll.u32 s6, $0x1;
	s6 =	sadd.s32 s21, s4  }
0x9e: {  	[timem:s8], [sflag:s22] =	dma.local [hbm:s6], s20  }
0x9f: {  	_ =	swait.ge [sflag:s22], s20  }
0xa0: {  	s5 =	ssub.s32 $0x0, s20;
	[sflag:s22] =	ssyncset.done $0x0  }
0xa1: {  	[sflag:s22] =	ssyncadd.s32 s5;
	_ =	sdelay $0x1  }
0xa2: {  	s23 =	simm.s32 $0x1B8B  }
0xa3: {  	_ =	swait.ge [sflag:s23], $0x1  }
0xa4: {  	[sflag:s23] =	ssyncset.done $0x0  }
0xa5: {  	s25 =	simm.s32 $0x1B8E;
	s24 =	sld [smem:$0x3FFE];
	[sflag:s23] =	ssyncadd.s32 $0xFFFFFFFF  }
0xa6: {  	s26 =	simm.s32 $execute0_lowered;
	[smem:$0x3FD2] =	sst s25  }
0xa7: {  	s6 =	sshll.u32 s26, $0x1;
	_ =	strace $0x8000004F;
	[dreg:$0x1] =	wrdreg $0xFFFFFFFF  }
0xa8: {  	s28 =	simm.s32 $_size_execute0_lowered;
	s4 =	sadd.s32 s4, s6;
	[dreg:$0x0] =	wrdreg $0x0  }
0xa9: {  	s6 =	sshll.u32 s28, $0x1;
	[dreg:$0x2] =	wrdreg s4  }
0xaa: {  	[dreg:$0x3] =	wrdreg s6  }
0xab: {  	[dreg:$0x4] =	wrdreg $0xC0  }
0xac: {  	_ =	task [dreg:s8], $0x5FFFF  }
0xad: {  	[dreg:$0x1] =	wrdreg $0xFFFFFFFF  }
0xae: {  	[dreg:$0x0] =	wrdreg $0x60  }
0xaf: {  	[dreg:$0x2] =	wrdreg s24  }
0xb0: {  	[dreg:$0x3] =	wrdreg s2  }
0xb1: {  	[dreg:$0x4] =	wrdreg s18  }
0xb2: {  	[dreg:$0x5] =	wrdreg $0xA4000  }
0xb3: {  	[dreg:$0x6] =	wrdreg $0x9  }
0xb4: {  	_ =	task.clear_ibuf [dreg:s8], $0x7FFFF;
	_ =	strace $0x9000004F  }
0xb5: {  	s29 =	simm.s32 $0x9;
	_ =	strace $0x80000051  }
0xb6: {  	_ =	swait.ge [sflag:s29], $0x1  }
0xb7: {  	[sflag:s29] =	ssyncadd.s32 $0xFFFFFFFF  }
0xb8: {  	_ =	strace $0x90000051  }
0xb9: {  	_ =	sfence  }
0xba: {  	s30 =	sld [smem:$0x0];
	_ =	sdelay $0x2  }
0xbb: {  	s31 =	sshll.u32 s1, $0xD;
	s1 =	sshrl.u32 s1, $0x2  }
0xbc: {  	s3 =	sand.u32 $0x4000, s31;
	s1 =	sadd.s32 s1, s30  }
0xbd: {  	s0 =	sor.u32 s3, s0;
	s1 =	sshll.u32 s1, $0x11  }
0xbe: {  	s0 =	sor.u32 s1, s0  }
0xbf: {  	s0 =	sadd.s32 $0x8F2B, s0  }
0xc0: {  	[sflag:s0] =	ssyncadd.remote.s32 $0x1  }
0xc1: {  	_ =	sfence.sel $0xFFFF  }
0xc2: {  	[dreg:$0x0] =	wrdreg $0xFFFFFFFF;
	(pc) =	sbr.abs _section_cstart, $3  }
0xc3: {  	[dreg:$0x1] =	wrdreg $0xFFFFFFFF  }
0xc4: {  	_ =	task.clear_ibuf [dreg:s8], $0x2FFFF;
	_ =	strace $0x9FFFFFFF  }
0xc5: {  	(tm) =	ssettm $0x7FFFFFFF  }
tec
execute0_lowered:
.L_overlay_start_1:
0x0: {  	(tag) =	ssettag $0x1  }
0x1: {  	s4 =	rddreg [dreg:$0x0]  }
0x2: {  	s5 =	rddreg [dreg:$0x1]  }
0x3: {  	s1 =	srdreg.scid;
	s6 =	rddreg [dreg:$0x2]  }
0x4: {  	s0 =	stileid.u32;
	s8 =	rddreg [dreg:$0x3];
	s2 =	simm.s32 $0x0  }
0x5: {  	s14 =	simm.s32 $0x80;
	s15 =	simm.s32 $0x400;
	s16 =	simm.s32 $0xA180  }
0x6: {  	s17 =	simm.s32 $0x9F00;
	s7 =	sand.u32 $0x1, s1;
	s1 =	rddreg [dreg:$0x4]  }
0x7: {  	s18 =	simm.s32 $0x0;
	s3 =	smul.u32 $0x280, s0;
	[smem:$0x7FF] =	sst s2  }
0x8: {  	s11 =	sshrl.u32 s0, $0x3;
	s30 =	sshll.u32 s0, $0x7;
	s13 =	smul.u32 $0x5000, s0  }
0x9: {  	s9 =	smul.u32 $0x2800, s7;
	_ =	strace $0x80000050;
	s10 =	ssub.s32 $0x2, s7  }
0xa: {  	s7 =	sshll.u32 s7, $0x4;
	s11 =	smul.u32 $0x50000, s11;
	s12 =	sshrl.u32 s10, $0x1  }
0xb: {  	s7 =	sor.u32 s0, s7;
	s31 =	sshrl.u32 s13, $0x2;
	s13 =	simm.s32 $0x7700  }
0xc: {  	s9 =	sadd.s32 s3, s9;
	s3 =	sadd.s32 $0x3200, s4;
	s10 =	ssub.s32 s10, s12  }
0xd: {  	s7 =	smul.u32 $0x4E2, s7;
	s11 =	sshrl.u32 s11, $0x2;
	s9 =	sshrl.u32 s9, $0x3  }
0xe: {  	s12 =	sand.u32 $0x380, s30;
	s11 =	sadd.s32 s11, s8;
	s9 =	sadd.s32 s9, s4  }
0xf: {  	s4 =	sadd.s32 s5, s7;
	s5 =	sadd.s32 s6, s7;
	s6 =	sadd.s32 s12, s11  }
0x10: {  	s7 =	sadd.s32 s31, s8;
	s11 =	simm.s32 $0x2800;
	s12 =	simm.s32 $0x4F80  }
0x11: {  	v0 =	vimm.f32 $0.0e+00;
	s8 =	sadd.s32 $0x3800, s9;
	s9 =	smax.u32 s10, $0x1;
	s10 =	simm.s32 $0x1  }
.LBB2_1:
0x12: {  	[tilespmem:s2], [sflag:$0x1] =	stream.linear.gather [hbm4b:s3+s2], $0x2800, $0x38;
	[tilespmem:$0xCC00] =	vst v63  }
0x13: {  	_ =	swait.ge [sflag:s10], $0x2800  }
0x14: {  	[sflag:s10] =	ssyncset.done $0x0  }
0x15: {  	[sflag:s10] =	ssyncadd.s32 $0xFFFFD800  }
0x16: {  	[tilespmem:s11], [sflag:$0x1] =	stream.linear.gather [hbm4b:s4+s2], $0x2710, $0x38;
	[tilespmem:$0xCC00] =	vst v63  }
0x17: {  	_ =	swait.ge [sflag:s10], $0x2710  }
0x18: {  	[sflag:s10] =	ssyncset.done $0x0  }
0x19: {  	[sflag:s10] =	ssyncadd.s32 $0xFFFFD8F0  }
0x1a: {  	[tilespmem:s12], [sflag:$0x1] =	stream.linear.gather [hbm4b:s5+s2], $0x2710, $0x38;
	[tilespmem:$0xCC00] =	vst v63  }
0x1b: {  	_ =	swait.ge [sflag:s10], $0x2710  }
0x1c: {  	[sflag:s10] =	ssyncset.done $0x0  }
0x1d: {  	s19 =	simm.s32 $0x0;
	[sflag:s10] =	ssyncadd.s32 $0xFFFFD8F0  }
.LBB2_2:
0x1e: {  	p0 =	sne.s32 s19, $0x9FC0  }
.Ltmp0:
0x1f: {  	_ = 	snop;
	(pc) =	sbr.rel @p0 .LBB2_2-.Ltmp0, $3  }
0x20: {  	_ =	sdelay $0x1  }
0x21: {  	s20 =	sshra.s32 s19, $0x2  }
0x22: {  	s19 =	sadd.s32 $0x40, s19;
	[tilespmem:s20+$0x7700] =	vst v0  }
0x23: {  	s20 =	simm.s32 $0x0;
	s19 =	simm.s32 $0x40  }
.LBB2_4:
0x24: {  	p0 =	sne.s32 s19, $0x9C00;
	v1 =	vld [tilespmem:s20+$0x2800];
	_ =	sdelay $0x5  }
0x25: {  	v2 =	vld [tilespmem:s20+$0x4F80];
	_ =	sdelay $0x1  }
0x26: {  	v1 =	vld.idx.msk [tilespmem:v1+s2+$0x0], $0xffff;
	_ =	sdelay $0x1  }
.Ltmp1:
0x27: {  	(pc) =	sbr.rel @p0 .LBB2_4-.Ltmp1, $2  }
0x28: {  	_ =	sdelay $0x2  }
0x29: {  	s20 =	sshra.s32 s19, $0x2;
	s19 =	sadd.s32 $0x40, s19;
	[tilespmem:v2+s13+$0x0] =	vst.idx.add.f32.msk $0xffff, v1  }
0x2a: {  	v1 =	vld [tilespmem:s20+$0x2800];
	_ =	sdelay $0x4  }
0x2b: {  	v2 =	vld [tilespmem:s20+$0x4F80];
	_ =	sdelay $0x2  }
0x2c: {  	v1 =	vld.idx.msk [tilespmem:v1+s2+$0x0], $0xffff;
	_ =	sdelay $0x4  }
0x2d: {  	s19 =	simm.s32 $0x1;
	[tilespmem:v2+s13+$0x0] =	vst.idx.add.f32.msk $0xffff, v1  }
0x2e: {  	[spmem:s6] =	stream.strided.scatter [tilespmem:s13], [sflag:$0x1], $0x2800, s15, s14, $0x38;
	[tilespmem:$0xCC00] =	vst v63  }
0x2f: {  	_ =	swait.ge [sflag:s19], $0x2800  }
0x30: {  	[sflag:s19] =	ssyncset.done $0x0  }
0x31: {  	[sflag:s19] =	ssyncadd.s32 $0xFFFFD800  }
0x32: {  	[bflag:$0x0] =	sbarrier.arrive $0xFFFF  }
0x33: {  	[tilespmem:s16], [sflag:$0x1] =	stream.strided.gather [spmem:s7], $0x280, s15, s14, $0x38;
	[tilespmem:$0xCC00] =	vst v63  }
0x34: {  	_ =	swait.ge [sflag:s19], $0x280  }
0x35: {  	[sflag:s19] =	ssyncset.done $0x0  }
0x36: {  	[sflag:s19] =	ssyncadd.s32 $0xFFFFFD80  }
.LBB2_6:
0x37: {  	s20 =	sshrl.u32 s19, $0x3  }
0x38: {  	s20 =	smul.u32 $0x50000, s20;
	_ =	sdelay $0x1  }
0x39: {  	s21 =	sshll.u32 s19, $0x7;
	s20 =	sshra.s32 s20, $0x2  }
0x3a: {  	s21 =	sand.u32 $0x380, s21;
	s20 =	sadd.s32 s20, s7  }
0x3b: {  	s20 =	sadd.s32 s21, s20  }
0x3c: {  	[tilespmem:s17], [sflag:$0x1] =	stream.strided.gather [spmem:s20], $0x280, s15, s14, $0x38;
	[tilespmem:$0xCC00] =	vst v63  }
0x3d: {  	_ =	swait.ge [sflag:s10], $0x280  }
0x3e: {  	[sflag:s10] =	ssyncset.done $0x0  }
0x3f: {  	s20 =	simm.s32 $0x0;
	[sflag:s10] =	ssyncadd.s32 $0xFFFFFD80  }
0x40: {  	s21 =	simm.s32 $0x40;
	v1 =	vld [tilespmem:s20+$0x9F00]  }
.LBB2_7:
0x41: {  	p0 =	sne.s32 s21, $0x9C0;
	v2 =	vld [tilespmem:s20+$0xA180];
	_ =	sdelay $0x2  }
.Ltmp2:
0x42: {  	(pc) =	sbr.rel @p0 .LBB2_7-.Ltmp2, $4  }
0x43: {  	_ = 	snop  }
0x44: {  	v2 =	vadd.f32 v1, v2  }
0x45: {  	s22 =	sshra.s32 s21, $0x2  }
0x46: {  	s21 =	sadd.s32 $0x40, s21;
	v1 =	vld [tilespmem:s22+$0x9F00];
	[tilespmem:s20+$0xA180] =	vst v2;
	s20 =	smov.u32 s22  }
0x47: {  	v2 =	vld [tilespmem:s20+$0xA180]  }
0x48: {  	s19 =	sadd.s32 $0x1, s19  }
0x49: {  	p0 =	sne.s32 s19, $0x10  }
.Ltmp3:
0x4a: {  	_ = 	snop;
	(pc) =	sbr.rel @p0 .LBB2_6-.Ltmp3, $3  }
0x4b: {  	_ = 	snop  }
0x4c: {  	v1 =	vadd.f32 v1, v2;
	_ =	sdelay $0x1  }
0x4d: {  	[tilespmem:s20+$0xA180] =	vst v1  }
0x4e: {  	s18 =	sadd.s32 $0x1, s18  }
0x4f: {  	p0 =	sne.s32 s18, s9  }
.Ltmp4:
0x50: {  	_ = 	snop;
	(pc) =	sbr.rel @p0 .LBB2_1-.Ltmp4, $4  }
0x51: {  	[hbm4b:s8+s2] =	stream.linear.scatter [tilespmem:s16], [sflag:$0x1], $0x280, $0x38;
	[tilespmem:$0xCC00] =	vst v63  }
0x52: {  	_ =	swait.ge [sflag:s10], $0x280  }
0x53: {  	[sflag:s10] =	ssyncset.done $0x0  }
0x54: {  	[sflag:s10] =	ssyncadd.s32 $0xFFFFFD80  }
0x55: {  	_ =	sfence.sel $0x180000  }
0x56: {  	[bflag:$0x0] =	sbarrier.arrive $0xFFFF  }
0x57: {  	p0 =	sne.s32 s0, $0x0;
	_ =	strace $0x90000050  }
0x58: {  	s0 =	sadd.s32 @!p0 $0x100000, s1;
	[bflag:$0x2] =	sbarrier.arrive $0xFFFF  }
0x59: {  	[sflag:s0] =	ssyncadd.tile.s32 @!p0 $0x1;
	_ =	shalt  }
.Lfunc_end2:
_tile_overlayer_lowered:
.L_overlay_start_2:
0x5a: {  	(tag) =	ssettag $0x2  }
0x5b: {  	s0 =	rddreg [dreg:$0x0];
	s2 =	stileid.u32  }
0x5c: {  	s1 =	rddreg [dreg:$0x1];
	p0 =	sne.s32 s2, $0x0  }
0x5d: {  	s3 =	rddreg [dreg:$0x2];
	[bflag:$0x3] =	sbarrier.arrive $0xFFFF;
	s2 =	simm.s32 @!p0 $0x1C01  }
0x5e: {  	[timem:s3], [sflag:s2] =	dma.local @!p0 [hbm:s0], s1  }
0x5f: {  	s0 =	simm.s32 @!p0 $0x1  }
0x60: {  	_ =	swait.ge @!p0 [sflag:s0], s1  }
0x61: {  	s1 =	ssub.s32 @!p0 $0x0, s1;
	[sflag:s0] =	ssyncset.done @!p0 $0x0  }
0x62: {  	[sflag:s0] =	ssyncadd.s32 @!p0 s1  }
0x63: {  	[bflag:$0x3] =	sbarrier.arrive $0xFFFF  }
0x64: {  	_ =	shalt  }

</sc_bundles>
